<compile_context>
chip_gen: v7x
topology: tpu7x:2x2x1
jax: 0.10.2.dev20260603
libtpu: 0.0.44.dev20260713+nightly
codegen_flags: <defaults>
</compile_context>

<pallas_src>
import functools

import jax
import jax.numpy as jnp
from jax import lax
from jax.experimental import pallas as pl
from jax.experimental.pallas import tpu as pltpu
from jax.experimental.pallas import tpu_sc as plsc

N_NODES = 10000
N_PAD = 10112
E_EDGES = 320000
E_PAD = 327680
NC = 2
NS = 16
RPT = N_PAD // NS
EPW = E_PAD // (NC * NS)
CHUNK = 128
NCHUNK = EPW // CHUNK
HC = NCHUNK // 2


def _segsum_body(table, sd3, zrows, out,
                 sda, sdb, rowsa, rowsb, acc, sema, semb):
  c = lax.axis_index("c")
  s = lax.axis_index("s")
  pltpu.sync_copy(zrows, acc.at[pl.ds(s * RPT, RPT)])
  plsc.subcore_barrier()

  w = s * NC + c
  row0 = w * (EPW // 128)

  def gather(sd, rows, sem):
    return pltpu.async_copy(table.at[sd.at[0, 0]], rows, sem)

  pltpu.sync_copy(sd3.at[pl.ds(row0, 1)], sda)
  gather(sda, rowsa, sema)

  def step(k, carry):
    pltpu.sync_copy(sd3.at[pl.ds(row0 + 2 * k + 1, 1)], sdb)
    gather(sdb, rowsb, semb)
    pltpu.make_async_copy(table.at[sda.at[0, 0]], rowsa, sema).wait()
    pltpu.sync_copy(rowsa, acc.at[sda.at[0, 1]], add=True)
    @pl.when(k + 1 < HC)
    def _():
      pltpu.sync_copy(sd3.at[pl.ds(row0 + 2 * k + 2, 1)], sda)
      gather(sda, rowsa, sema)
    pltpu.make_async_copy(table.at[sdb.at[0, 0]], rowsb, semb).wait()
    pltpu.sync_copy(rowsb, acc.at[sdb.at[0, 1]], add=True)
    return carry

  lax.fori_loop(0, HC, step, 0)
  plsc.subcore_barrier()
  pltpu.sync_copy(acc.at[pl.ds(s * RPT, RPT)],
                  out.at[c].at[pl.ds(s * RPT, RPT)])


_segsum = pl.kernel(
    _segsum_body,
    out_type=(jax.ShapeDtypeStruct((NC, N_PAD, 128), jnp.float32),),
    mesh=plsc.VectorSubcoreMesh(core_axis_name="c", subcore_axis_name="s"),
    scratch_types=(
        pltpu.VMEM((1, 2, 128), jnp.int32),
        pltpu.VMEM((1, 2, 128), jnp.int32),
        pltpu.VMEM((CHUNK, 128), jnp.float32),
        pltpu.VMEM((CHUNK, 128), jnp.float32),
        pltpu.VMEM_SHARED((N_PAD, 128), jnp.float32),
        pltpu.SemaphoreType.DMA,
        pltpu.SemaphoreType.DMA,
    ),
    compiler_params=pltpu.CompilerParams(use_tc_tiling_on_sc=False),
)


def _deg_body(dst2, zdeg, ones_h, deg_out, didx, dega, ones_v, sem):
  c = lax.axis_index("c")
  s = lax.axis_index("s")
  pltpu.sync_copy(zdeg, dega.at[pl.ds(s * RPT, RPT)])
  pltpu.sync_copy(ones_h, ones_v)
  plsc.subcore_barrier()

  w = s * NC + c
  row0 = w * (EPW // 128)

  def step(k, carry):
    pltpu.sync_copy(dst2.at[pl.ds(row0 + 8 * k, 8)], didx)
    for j in range(8):
      pltpu.sync_copy(ones_v, dega.at[didx.at[j]], add=True)
    return carry

  lax.fori_loop(0, (EPW // 128) // 8, step, 0)
  plsc.subcore_barrier()
  pltpu.sync_copy(dega.at[pl.ds(s * RPT, RPT)],
                  deg_out.at[c].at[pl.ds(s * RPT, RPT)])
  del sem


_deg = pl.kernel(
    _deg_body,
    out_type=(jax.ShapeDtypeStruct((NC, N_PAD, 16), jnp.float32),),
    mesh=plsc.VectorSubcoreMesh(core_axis_name="c", subcore_axis_name="s"),
    scratch_types=(
        pltpu.VMEM((8, 128), jnp.int32),
        pltpu.VMEM_SHARED((N_PAD, 16), jnp.float32),
        pltpu.VMEM((128, 16), jnp.float32),
        pltpu.SemaphoreType.DMA,
    ),
    compiler_params=pltpu.CompilerParams(use_tc_tiling_on_sc=False),
)



_B = 1000


def _recip_deg(deg_ref):
  return 1.0 / jnp.maximum(deg_ref[0, :, 0:1] + deg_ref[1, :, 0:1], 1.0)


def _mean(s_ref, deg_ref):
  return (s_ref[0] + s_ref[1]) * _recip_deg(deg_ref)


def _tc1_body(s_ref, x_ref, deg_ref, wl_ref, b_ref, wr_ref, outa_ref,
              outb_ref):
  dot = functools.partial(jnp.dot, preferred_element_type=jnp.float32)
  h = (dot(_mean(s_ref, deg_ref), wl_ref[...]) + dot(x_ref[...], wr_ref[...])
       + b_ref[...])
  h = jnp.maximum(h, 0.0)
  outa_ref[...] = h[:, 0:128]
  outb_ref[...] = h[:, 128:256]


def _tc2_body(sa_ref, sb_ref, xa_ref, xb_ref, deg_ref, wl_ref, b_ref, wr_ref,
              w3l_ref, w3r_ref, p3_ref, r3_ref):
  dot = functools.partial(jnp.dot, preferred_element_type=jnp.float32)
  h = (dot(_mean(sa_ref, deg_ref), wl_ref[0:128, :])
       + dot(_mean(sb_ref, deg_ref), wl_ref[128:256, :])
       + dot(xa_ref[...], wr_ref[0:128, :])
       + dot(xb_ref[...], wr_ref[128:256, :])
       + b_ref[...])
  h = jnp.maximum(h, 0.0)
  p3_ref[...] = dot(h, w3l_ref[...])
  r3_ref[...] = dot(h, w3r_ref[...])


def _tc3_body(s_ref, r3_ref, deg_ref, b_ref, out_ref):
  out_ref[...] = jnp.maximum(_mean(s_ref, deg_ref) + r3_ref[...] + b_ref[...],
                             0.0)


def _tc4_body(s_ref, x_ref, deg_ref, wl_ref, b_ref, wr_ref, out_ref):
  dot = functools.partial(jnp.dot, preferred_element_type=jnp.float32)
  out_ref[...] = (dot(_mean(s_ref, deg_ref), wl_ref[...])
                  + dot(x_ref[...], wr_ref[...]) + b_ref[...])


_S_SPEC = pl.BlockSpec((2, _B, 128), lambda i: (0, i, 0))
_DEG_SPEC = pl.BlockSpec((2, _B, 16), lambda i: (0, i, 0))


def _x_spec(w):
  return pl.BlockSpec((_B, w), lambda i: (i, 0))


def _full_spec(shape):
  nd = len(shape)
  return pl.BlockSpec(shape, lambda i, _nd=nd: (0,) * _nd)


def _tc1(s1, x, deg, wl, b, wr):
  return pl.pallas_call(
      _tc1_body,
      grid=(N_NODES // _B,),
      in_specs=[_S_SPEC, _x_spec(128), _DEG_SPEC, _full_spec((128, 256)),
                _full_spec((1, 256)), _full_spec((128, 256))],
      out_specs=[_x_spec(128), _x_spec(128)],
      out_shape=[jax.ShapeDtypeStruct((N_NODES, 128), jnp.float32),
                 jax.ShapeDtypeStruct((N_NODES, 128), jnp.float32)],
  )(s1, x, deg, wl, b, wr)


def _tc2(s2a, s2b, xa, xb, deg, wl, b, wr, w3l, w3r):
  return pl.pallas_call(
      _tc2_body,
      grid=(N_NODES // _B,),
      in_specs=[_S_SPEC, _S_SPEC, _x_spec(128), _x_spec(128), _DEG_SPEC,
                _full_spec((256, 256)), _full_spec((1, 256)),
                _full_spec((256, 256)), _full_spec((256, 128)),
                _full_spec((256, 128))],
      out_specs=[_x_spec(128), _x_spec(128)],
      out_shape=[jax.ShapeDtypeStruct((N_NODES, 128), jnp.float32),
                 jax.ShapeDtypeStruct((N_NODES, 128), jnp.float32)],
  )(s2a, s2b, xa, xb, deg, wl, b, wr, w3l, w3r)


def _tc3(s3, r3, deg, b):
  return pl.pallas_call(
      _tc3_body,
      grid=(N_NODES // _B,),
      in_specs=[_S_SPEC, _x_spec(128), _DEG_SPEC, _full_spec((1, 128))],
      out_specs=_x_spec(128),
      out_shape=jax.ShapeDtypeStruct((N_NODES, 128), jnp.float32),
  )(s3, r3, deg, b)


def _tc4(s4, x, deg, wl, b, wr):
  return pl.pallas_call(
      _tc4_body,
      grid=(N_NODES // _B,),
      in_specs=[_S_SPEC, _x_spec(128), _DEG_SPEC, _full_spec((128, 128)),
                _full_spec((1, 128)), _full_spec((128, 128))],
      out_specs=_x_spec(128),
      out_shape=jax.ShapeDtypeStruct((N_NODES, 128), jnp.float32),
  )(s4, x, deg, wl, b, wr)


@jax.jit
def kernel(z, edge_index, W1l, b1, W1r, W2l, b2, W2r, W3l, b3, W3r, W4l, b4,
           W4r):
  src = edge_index[0].astype(jnp.int32)
  dst = edge_index[1].astype(jnp.int32)
  pad = E_PAD - E_EDGES
  src2 = jnp.concatenate([src, jnp.zeros((pad,), jnp.int32)]).reshape(-1, 128)
  dst2 = jnp.concatenate(
      [dst, jnp.full((pad,), N_NODES, jnp.int32)]).reshape(-1, 128)

  zrows = jnp.zeros((RPT, 128), jnp.float32)
  zdeg = jnp.zeros((RPT, 16), jnp.float32)
  ones_h = jnp.ones((128, 16), jnp.float32)
  b1r, b2r, b3r, b4r = (b.reshape(1, -1) for b in (b1, b2, b3, b4))

  sd3 = jnp.stack([src2, dst2], axis=1)
  (deg,) = _deg(dst2, zdeg, ones_h)
  (s1,) = _segsum(z, sd3, zrows)
  h1a, h1b = _tc1(s1, z, deg, W1l, b1r, W1r)
  (s2a,) = _segsum(h1a, sd3, zrows)
  (s2b,) = _segsum(h1b, sd3, zrows)
  p3, r3 = _tc2(s2a, s2b, h1a, h1b, deg, W2l, b2r, W2r, W3l, W3r)
  (s3,) = _segsum(p3, sd3, zrows)
  h3 = _tc3(s3, r3, deg, b3r)
  (s4,) = _segsum(h3, sd3, zrows)
  return _tc4(s4, h3, deg, W4l, b4r, W4r)

# --- scband reference (transcript-rebuilt; emitter-appended) ---
"""Pipeline reference for scband-graph-decoder-30949534335630 (READ-ONLY COPY).

The authoritative reference and input builder live on the scoring server;
editing this copy changes nothing except your own understanding.
"""

import jax, jax.numpy as jnp
import numpy as np

N = 10000
E = 320000
D_IN = 128    # out_channels of autoencoder latent = input to decoder
D_H2 = 256    # hidden_channels * 2
D_H = 128     # hidden_channels
D_OUT = 128   # in_channels (reconstruction)


def _sage_conv(x, src, dst, W_l, b_l, W_r, num_nodes):
    # PyG SAGEConv with mean aggregation:
    # out = lin_l(mean_{j in N(i)} x_j) + lin_r(x_i)
    msg = jnp.take(x, src, axis=0)
    agg = jax.ops.segment_sum(msg, dst, num_segments=num_nodes)
    deg = jax.ops.segment_sum(jnp.ones((msg.shape[0],), dtype=x.dtype), dst, num_segments=num_nodes)
    mean = agg / jnp.maximum(deg, 1.0)[:, None]
    return mean @ W_l + b_l + x @ W_r


def setup_inputs(seed: int = 0) -> dict:
    key = jax.random.key(seed)
    ks = jax.random.split(key, 16)
    z = jax.random.normal(ks[0], (N, D_IN), dtype=jnp.float32)
    edge_index = jax.random.randint(ks[1], (2, E), 0, N, dtype=jnp.int64)
    s = 0.05
    params = {
        'W1l': jax.random.normal(ks[2], (D_IN, D_H2), dtype=jnp.float32) * s,
        'b1': jnp.zeros((D_H2,), dtype=jnp.float32),
        'W1r': jax.random.normal(ks[3], (D_IN, D_H2), dtype=jnp.float32) * s,
        'W2l': jax.random.normal(ks[4], (D_H2, D_H2), dtype=jnp.float32) * s,
        'b2': jnp.zeros((D_H2,), dtype=jnp.float32),
        'W2r': jax.random.normal(ks[5], (D_H2, D_H2), dtype=jnp.float32) * s,
        'W3l': jax.random.normal(ks[6], (D_H2, D_H), dtype=jnp.float32) * s,
        'b3': jnp.zeros((D_H,), dtype=jnp.float32),
        'W3r': jax.random.normal(ks[7], (D_H2, D_H), dtype=jnp.float32) * s,
        'W4l': jax.random.normal(ks[8], (D_H, D_OUT), dtype=jnp.float32) * s,
        'b4': jnp.zeros((D_OUT,), dtype=jnp.float32),
        'W4r': jax.random.normal(ks[9], (D_H, D_OUT), dtype=jnp.float32) * s,
    }
    return {'z': z, 'edge_index': edge_index, **params}


def reference(z, edge_index, W1l, b1, W1r, W2l, b2, W2r, W3l, b3, W3r, W4l, b4, W4r):
    src = edge_index[0]
    dst = edge_index[1]
    h = jax.nn.relu(_sage_conv(z, src, dst, W1l, b1, W1r, N))
    h = jax.nn.relu(_sage_conv(h, src, dst, W2l, b2, W2r, N))
    h = jax.nn.relu(_sage_conv(h, src, dst, W3l, b3, W3r, N))
    h = _sage_conv(h, src, dst, W4l, b4, W4r, N)
    return h

if __name__ == "__main__":
    import jax
    _d = setup_inputs()
    print(jax.jit(kernel)(*tuple(_d.values())))

</pallas_src>

<mosaic_0001>
#map = affine_map<(d0, d1) -> (0, 0)>
#map1 = affine_map<(d0, d1) -> (0, 0, 0)>
module attributes {stable_mosaic.version = 14 : i64} {
  func.func @_segsum_body(%arg0: i32, %arg1: i32, %arg2: memref<10000x128xf32, #tpu.memory_space<hbm>>, %arg3: memref<2560x2x128xi32, #tpu.memory_space<hbm>>, %arg4: memref<632x128xf32, #tpu.memory_space<hbm>>, %arg5: memref<2x10112x128xf32, #tpu.memory_space<hbm>>, %arg6: memref<1x2x128xi32, #tpu.memory_space<vmem>>, %arg7: memref<1x2x128xi32, #tpu.memory_space<vmem>>, %arg8: memref<128x128xf32, #tpu.memory_space<vmem>>, %arg9: memref<128x128xf32, #tpu.memory_space<vmem>>, %arg10: memref<10112x128xf32, #tpu.memory_space<vmem_shared>>, %arg11: memref<!tpu.dma_semaphore, #tpu.memory_space<semaphore_mem>>, %arg12: memref<!tpu.dma_semaphore, #tpu.memory_space<semaphore_mem>>) attributes {dimension_semantics = [#tpu.dimension_semantics<core_parallel>, #tpu.dimension_semantics<subcore_parallel>], iteration_bounds = array<i64: 2, 16>, scalar_prefetch = 0 : i64, scratch_operands = 7 : i64, tpu.core_type = #tpu.core_type<sc_vector_subcore>, window_params = [{transform_indices = #map}, {transform_indices = #map1}, {transform_indices = #map}, {transform_indices = #map1}]} {
    %mul3A = arith.constant 632 : i32
    %mul3A_0 = arith.muli %arg1, %mul3A : i32
    "tpu.region"() ({
      %run_scoped3A = tpu.sem_alloc : memref<!tpu.dma_semaphore, #tpu.memory_space<semaphore_mem>>
      %dma_start3A_22 = arith.constant 0 : i32
      %dma_start3A_23 = tpu.memref_slice %arg10[%mul3A_0, %dma_start3A_22] : memref<10112x128xf32, #tpu.memory_space<vmem_shared>> -> memref<632x128xf32, #tpu.memory_space<vmem_shared>>
      tpu.enqueue_dma source(%arg4 : memref<632x128xf32, #tpu.memory_space<hbm>>) target(%dma_start3A_23 : memref<632x128xf32, #tpu.memory_space<vmem_shared>>) target_semaphore(%run_scoped3A : memref<!tpu.dma_semaphore, #tpu.memory_space<semaphore_mem>>)
      %dma_wait3A = arith.constant 0 : i32
      %dma_wait3A_24 = tpu.memref_slice %arg10[%mul3A_0, %dma_wait3A] : memref<10112x128xf32, #tpu.memory_space<vmem_shared>> -> memref<632x128xf32, #tpu.memory_space<vmem_shared>>
      tpu.wait_dma2 semaphore(%run_scoped3A : memref<!tpu.dma_semaphore, #tpu.memory_space<semaphore_mem>>) src(%arg4 : memref<632x128xf32, #tpu.memory_space<hbm>>) dst(%dma_wait3A_24 : memref<632x128xf32, #tpu.memory_space<vmem_shared>>)
      tpu.yield
    }) : () -> ()
    %barrier3A = arith.constant 0 : index
    tpu.barrier barrier_id(%barrier3A)
    %mul3A_1 = arith.constant 2 : i32
    %mul3A_2 = arith.muli %arg1, %mul3A_1 : i32
    %add3A = arith.addi %mul3A_2, %arg0 : i32
    %mul3A_3 = arith.constant 80 : i32
    %mul3A_4 = arith.muli %add3A, %mul3A_3 : i32
    "tpu.region"() ({
      %run_scoped3A = tpu.sem_alloc : memref<!tpu.dma_semaphore, #tpu.memory_space<semaphore_mem>>
      %dma_start3A_22 = arith.constant 0 : i32
      %dma_start3A_23 = arith.constant 0 : i32
      %dma_start3A_24 = tpu.memref_slice %arg3[%mul3A_4, %dma_start3A_22, %dma_start3A_23] : memref<2560x2x128xi32, #tpu.memory_space<hbm>> -> memref<1x2x128xi32, #tpu.memory_space<hbm>>
      %dma_start3A_25 = arith.constant 0 : i32
      %dma_start3A_26 = arith.constant 0 : i32
      %dma_start3A_27 = tpu.memref_slice %arg3[%mul3A_4, %dma_start3A_25, %dma_start3A_26] : memref<2560x2x128xi32, #tpu.memory_space<hbm>> -> memref<1x2x128xi32, #tpu.memory_space<hbm>>
      tpu.enqueue_dma source(%dma_start3A_27 : memref<1x2x128xi32, #tpu.memory_space<hbm>>) target(%arg6 : memref<1x2x128xi32, #tpu.memory_space<vmem>>) target_semaphore(%run_scoped3A : memref<!tpu.dma_semaphore, #tpu.memory_space<semaphore_mem>>)
      %dma_wait3A = arith.constant 0 : i32
      %dma_wait3A_28 = arith.constant 0 : i32
      %dma_wait3A_29 = tpu.memref_slice %arg3[%mul3A_4, %dma_wait3A, %dma_wait3A_28] : memref<2560x2x128xi32, #tpu.memory_space<hbm>> -> memref<1x2x128xi32, #tpu.memory_space<hbm>>
      %dma_wait3A_30 = arith.constant 0 : i32
      %dma_wait3A_31 = arith.constant 0 : i32
      %dma_wait3A_32 = tpu.memref_slice %arg3[%mul3A_4, %dma_wait3A_30, %dma_wait3A_31] : memref<2560x2x128xi32, #tpu.memory_space<hbm>> -> memref<1x2x128xi32, #tpu.memory_space<hbm>>
      tpu.wait_dma2 semaphore(%run_scoped3A : memref<!tpu.dma_semaphore, #tpu.memory_space<semaphore_mem>>) src(%dma_wait3A_32 : memref<1x2x128xi32, #tpu.memory_space<hbm>>) dst(%arg6 : memref<1x2x128xi32, #tpu.memory_space<vmem>>)
      tpu.yield
    }) : () -> ()
    %dma_start3A = arith.constant 0 : i32
    %dma_start3A_5 = arith.constant 0 : i32
    %dma_start3A_6 = arith.constant 0 : i32
    %dma_start3A_7 = tpu.memref_slice %arg6[%dma_start3A, %dma_start3A_5, %dma_start3A_6] : memref<1x2x128xi32, #tpu.memory_space<vmem>> -> memref<1x1x128xi32, #tpu.memory_space<vmem>>
    %dma_start3A_8 = tpu.memref_squeeze %dma_start3A_7 : memref<1x1x128xi32, #tpu.memory_space<vmem>> -> memref<128xi32, #tpu.memory_space<vmem>>
    %dma_start3A_9 = arith.constant 0 : i32
    %dma_start3A_10 = arith.constant 0 : i32
    %dma_start3A_11 = tpu.memref_slice %arg2[%dma_start3A_9, %dma_start3A_10] : memref<10000x128xf32, #tpu.memory_space<hbm>> -> memref<10000x128xf32, #tpu.memory_space<hbm>>
    tpu.enqueue_indirect_dma source(%dma_start3A_11 : memref<10000x128xf32, #tpu.memory_space<hbm>>) target(%arg8 : memref<128x128xf32, #tpu.memory_space<vmem>>) offsets(%dma_start3A_8 : memref<128xi32, #tpu.memory_space<vmem>>) semaphore(%arg11 : memref<!tpu.dma_semaphore, #tpu.memory_space<semaphore_mem>>)
    %scan3A = arith.constant 0 : i32
    %scan3A_12 = arith.constant 0 : i32
    %scan3A_13 = arith.constant 40 : i32
    %scan3A_14 = arith.addi %scan3A_12, %scan3A_13 : i32
    %scan3A_15 = arith.constant 1 : i32
    scf.for %scan3A_22 = %scan3A_12 to %scan3A_14 step %scan3A_15  : i32 {
      %mul3A_23 = arith.constant 2 : i32
      %mul3A_24 = arith.muli %mul3A_23, %scan3A_22 : i32
      %add3A_25 = arith.addi %mul3A_4, %mul3A_24 : i32
      %add3A_26 = arith.constant 1 : i32
      %add3A_27 = arith.addi %add3A_25, %add3A_26 : i32
      "tpu.region"() ({
        %run_scoped3A_58 = tpu.sem_alloc : memref<!tpu.dma_semaphore, #tpu.memory_space<semaphore_mem>>
        %dma_start3A_59 = arith.constant 0 : i32
        %dma_start3A_60 = arith.constant 0 : i32
        %dma_start3A_61 = tpu.memref_slice %arg3[%add3A_27, %dma_start3A_59, %dma_start3A_60] : memref<2560x2x128xi32, #tpu.memory_space<hbm>> -> memref<1x2x128xi32, #tpu.memory_space<hbm>>
        %dma_start3A_62 = arith.constant 0 : i32
        %dma_start3A_63 = arith.constant 0 : i32
        %dma_start3A_64 = tpu.memref_slice %arg3[%add3A_27, %dma_start3A_62, %dma_start3A_63] : memref<2560x2x128xi32, #tpu.memory_space<hbm>> -> memref<1x2x128xi32, #tpu.memory_space<hbm>>
        tpu.enqueue_dma source(%dma_start3A_64 : memref<1x2x128xi32, #tpu.memory_space<hbm>>) target(%arg7 : memref<1x2x128xi32, #tpu.memory_space<vmem>>) target_semaphore(%run_scoped3A_58 : memref<!tpu.dma_semaphore, #tpu.memory_space<semaphore_mem>>)
        %dma_wait3A_65 = arith.constant 0 : i32
        %dma_wait3A_66 = arith.constant 0 : i32
        %dma_wait3A_67 = tpu.memref_slice %arg3[%add3A_27, %dma_wait3A_65, %dma_wait3A_66] : memref<2560x2x128xi32, #tpu.memory_space<hbm>> -> memref<1x2x128xi32, #tpu.memory_space<hbm>>
        %dma_wait3A_68 = arith.constant 0 : i32
        %dma_wait3A_69 = arith.constant 0 : i32
        %dma_wait3A_70 = tpu.memref_slice %arg3[%add3A_27, %dma_wait3A_68, %dma_wait3A_69] : memref<2560x2x128xi32, #tpu.memory_space<hbm>> -> memref<1x2x128xi32, #tpu.memory_space<hbm>>
        tpu.wait_dma2 semaphore(%run_scoped3A_58 : memref<!tpu.dma_semaphore, #tpu.memory_space<semaphore_mem>>) src(%dma_wait3A_70 : memref<1x2x128xi32, #tpu.memory_space<hbm>>) dst(%arg7 : memref<1x2x128xi32, #tpu.memory_space<vmem>>)
        tpu.yield
      }) : () -> ()
      %dma_start3A_28 = arith.constant 0 : i32
      %dma_start3A_29 = arith.constant 0 : i32
      %dma_start3A_30 = arith.constant 0 : i32
      %dma_start3A_31 = tpu.memref_slice %arg7[%dma_start3A_28, %dma_start3A_29, %dma_start3A_30] : memref<1x2x128xi32, #tpu.memory_space<vmem>> -> memref<1x1x128xi32, #tpu.memory_space<vmem>>
      %dma_start3A_32 = tpu.memref_squeeze %dma_start3A_31 : memref<1x1x128xi32, #tpu.memory_space<vmem>> -> memref<128xi32, #tpu.memory_space<vmem>>
      %dma_start3A_33 = arith.constant 0 : i32
      %dma_start3A_34 = arith.constant 0 : i32
      %dma_start3A_35 = tpu.memref_slice %arg2[%dma_start3A_33, %dma_start3A_34] : memref<10000x128xf32, #tpu.memory_space<hbm>> -> memref<10000x128xf32, #tpu.memory_space<hbm>>
      tpu.enqueue_indirect_dma source(%dma_start3A_35 : memref<10000x128xf32, #tpu.memory_space<hbm>>) target(%arg9 : memref<128x128xf32, #tpu.memory_space<vmem>>) offsets(%dma_start3A_32 : memref<128xi32, #tpu.memory_space<vmem>>) semaphore(%arg12 : memref<!tpu.dma_semaphore, #tpu.memory_space<semaphore_mem>>)
      %dma_wait3A = arith.constant 0 : i32
      %dma_wait3A_36 = arith.constant 0 : i32
      %dma_wait3A_37 = arith.constant 0 : i32
      %dma_wait3A_38 = tpu.memref_slice %arg6[%dma_wait3A, %dma_wait3A_36, %dma_wait3A_37] : memref<1x2x128xi32, #tpu.memory_space<vmem>> -> memref<1x1x128xi32, #tpu.memory_space<vmem>>
      %dma_wait3A_39 = tpu.memref_squeeze %dma_wait3A_38 : memref<1x1x128xi32, #tpu.memory_space<vmem>> -> memref<128xi32, #tpu.memory_space<vmem>>
      %dma_wait3A_40 = arith.constant 0 : i32
      %dma_wait3A_41 = arith.constant 0 : i32
      %dma_wait3A_42 = tpu.memref_slice %arg2[%dma_wait3A_40, %dma_wait3A_41] : memref<10000x128xf32, #tpu.memory_space<hbm>> -> memref<10000x128xf32, #tpu.memory_space<hbm>>
      tpu.wait_indirect_dma semaphore(%arg11 : memref<!tpu.dma_semaphore, #tpu.memory_space<semaphore_mem>>) src(%dma_wait3A_42 : memref<10000x128xf32, #tpu.memory_space<hbm>>) dst(%arg8 : memref<128x128xf32, #tpu.memory_space<vmem>>)
      %run_scoped3A = arith.constant 0 : i32
      %run_scoped3A_43 = arith.constant 1 : i32
      "tpu.region"() ({
        %run_scoped3A_58 = tpu.sem_alloc : memref<!tpu.dma_semaphore, #tpu.memory_space<semaphore_mem>>
        %dma_start3A_59 = arith.constant 0 : i32
        %dma_start3A_60 = tpu.memref_slice %arg6[%run_scoped3A, %run_scoped3A_43, %dma_start3A_59] : memref<1x2x128xi32, #tpu.memory_space<vmem>> -> memref<1x1x128xi32, #tpu.memory_space<vmem>>
        %dma_start3A_61 = tpu.memref_squeeze %dma_start3A_60 : memref<1x1x128xi32, #tpu.memory_space<vmem>> -> memref<128xi32, #tpu.memory_space<vmem>>
        %dma_start3A_62 = arith.constant 0 : i32
        %dma_start3A_63 = arith.constant 0 : i32
        %dma_start3A_64 = tpu.memref_slice %arg10[%dma_start3A_62, %dma_start3A_63] : memref<10112x128xf32, #tpu.memory_space<vmem_shared>> -> memref<10112x128xf32, #tpu.memory_space<vmem_shared>>
        tpu.enqueue_indirect_dma source(%arg8 : memref<128x128xf32, #tpu.memory_space<vmem>>) target(%dma_start3A_64 : memref<10112x128xf32, #tpu.memory_space<vmem_shared>>) offsets(%dma_start3A_61 : memref<128xi32, #tpu.memory_space<vmem>>) semaphore(%run_scoped3A_58 : memref<!tpu.dma_semaphore, #tpu.memory_space<semaphore_mem>>) {add = true}
        %dma_wait3A_65 = arith.constant 0 : i32
        %dma_wait3A_66 = tpu.memref_slice %arg6[%run_scoped3A, %run_scoped3A_43, %dma_wait3A_65] : memref<1x2x128xi32, #tpu.memory_space<vmem>> -> memref<1x1x128xi32, #tpu.memory_space<vmem>>
        %dma_wait3A_67 = tpu.memref_squeeze %dma_wait3A_66 : memref<1x1x128xi32, #tpu.memory_space<vmem>> -> memref<128xi32, #tpu.memory_space<vmem>>
        %dma_wait3A_68 = arith.constant 0 : i32
        %dma_wait3A_69 = arith.constant 0 : i32
        %dma_wait3A_70 = tpu.memref_slice %arg10[%dma_wait3A_68, %dma_wait3A_69] : memref<10112x128xf32, #tpu.memory_space<vmem_shared>> -> memref<10112x128xf32, #tpu.memory_space<vmem_shared>>
        tpu.wait_indirect_dma semaphore(%run_scoped3A_58 : memref<!tpu.dma_semaphore, #tpu.memory_space<semaphore_mem>>) src(%arg8 : memref<128x128xf32, #tpu.memory_space<vmem>>) dst(%dma_wait3A_70 : memref<10112x128xf32, #tpu.memory_space<vmem_shared>>)
        tpu.yield
      }) : () -> ()
      %add3A_44 = arith.constant 1 : i32
      %add3A_45 = arith.addi %scan3A_22, %add3A_44 : i32
      %lt3A = arith.constant 40 : i32
      %lt3A_46 = arith.cmpi slt, %add3A_45, %lt3A : i32
      %convert_element_type3A = arith.extui %lt3A_46 : i1 to i32
      %cond3A = arith.constant 0 : i32
      %cond3A_47 = arith.cmpi ne, %convert_element_type3A, %cond3A : i32
      scf.if %cond3A_47 {
        %mul3A_58 = arith.constant 2 : i32
        %mul3A_59 = arith.muli %mul3A_58, %scan3A_22 : i32
        %add3A_60 = arith.addi %mul3A_4, %mul3A_59 : i32
        %add3A_61 = arith.constant 2 : i32
        %add3A_62 = arith.addi %add3A_60, %add3A_61 : i32
        "tpu.region"() ({
          %run_scoped3A_71 = tpu.sem_alloc : memref<!tpu.dma_semaphore, #tpu.memory_space<semaphore_mem>>
          %dma_start3A_72 = arith.constant 0 : i32
          %dma_start3A_73 = arith.constant 0 : i32
          %dma_start3A_74 = tpu.memref_slice %arg3[%add3A_62, %dma_start3A_72, %dma_start3A_73] : memref<2560x2x128xi32, #tpu.memory_space<hbm>> -> memref<1x2x128xi32, #tpu.memory_space<hbm>>
          %dma_start3A_75 = arith.constant 0 : i32
          %dma_start3A_76 = arith.constant 0 : i32
          %dma_start3A_77 = tpu.memref_slice %arg3[%add3A_62, %dma_start3A_75, %dma_start3A_76] : memref<2560x2x128xi32, #tpu.memory_space<hbm>> -> memref<1x2x128xi32, #tpu.memory_space<hbm>>
          tpu.enqueue_dma source(%dma_start3A_77 : memref<1x2x128xi32, #tpu.memory_space<hbm>>) target(%arg6 : memref<1x2x128xi32, #tpu.memory_space<vmem>>) target_semaphore(%run_scoped3A_71 : memref<!tpu.dma_semaphore, #tpu.memory_space<semaphore_mem>>)
          %dma_wait3A_78 = arith.constant 0 : i32
          %dma_wait3A_79 = arith.constant 0 : i32
          %dma_wait3A_80 = tpu.memref_slice %arg3[%add3A_62, %dma_wait3A_78, %dma_wait3A_79] : memref<2560x2x128xi32, #tpu.memory_space<hbm>> -> memref<1x2x128xi32, #tpu.memory_space<hbm>>
          %dma_wait3A_81 = arith.constant 0 : i32
          %dma_wait3A_82 = arith.constant 0 : i32
          %dma_wait3A_83 = tpu.memref_slice %arg3[%add3A_62, %dma_wait3A_81, %dma_wait3A_82] : memref<2560x2x128xi32, #tpu.memory_space<hbm>> -> memref<1x2x128xi32, #tpu.memory_space<hbm>>
          tpu.wait_dma2 semaphore(%run_scoped3A_71 : memref<!tpu.dma_semaphore, #tpu.memory_space<semaphore_mem>>) src(%dma_wait3A_83 : memref<1x2x128xi32, #tpu.memory_space<hbm>>) dst(%arg6 : memref<1x2x128xi32, #tpu.memory_space<vmem>>)
          tpu.yield
        }) : () -> ()
        %dma_start3A_63 = arith.constant 0 : i32
        %dma_start3A_64 = arith.constant 0 : i32
        %dma_start3A_65 = arith.constant 0 : i32
        %dma_start3A_66 = tpu.memref_slice %arg6[%dma_start3A_63, %dma_start3A_64, %dma_start3A_65] : memref<1x2x128xi32, #tpu.memory_space<vmem>> -> memref<1x1x128xi32, #tpu.memory_space<vmem>>
        %dma_start3A_67 = tpu.memref_squeeze %dma_start3A_66 : memref<1x1x128xi32, #tpu.memory_space<vmem>> -> memref<128xi32, #tpu.memory_space<vmem>>
        %dma_start3A_68 = arith.constant 0 : i32
        %dma_start3A_69 = arith.constant 0 : i32
        %dma_start3A_70 = tpu.memref_slice %arg2[%dma_start3A_68, %dma_start3A_69] : memref<10000x128xf32, #tpu.memory_space<hbm>> -> memref<10000x128xf32, #tpu.memory_space<hbm>>
        tpu.enqueue_indirect_dma source(%dma_start3A_70 : memref<10000x128xf32, #tpu.memory_space<hbm>>) target(%arg8 : memref<128x128xf32, #tpu.memory_space<vmem>>) offsets(%dma_start3A_67 : memref<128xi32, #tpu.memory_space<vmem>>) semaphore(%arg11 : memref<!tpu.dma_semaphore, #tpu.memory_space<semaphore_mem>>)
      } else {
      }
      %dma_wait3A_48 = arith.constant 0 : i32
      %dma_wait3A_49 = arith.constant 0 : i32
      %dma_wait3A_50 = arith.constant 0 : i32
      %dma_wait3A_51 = tpu.memref_slice %arg7[%dma_wait3A_48, %dma_wait3A_49, %dma_wait3A_50] : memref<1x2x128xi32, #tpu.memory_space<vmem>> -> memref<1x1x128xi32, #tpu.memory_space<vmem>>
      %dma_wait3A_52 = tpu.memref_squeeze %dma_wait3A_51 : memref<1x1x128xi32, #tpu.memory_space<vmem>> -> memref<128xi32, #tpu.memory_space<vmem>>
      %dma_wait3A_53 = arith.constant 0 : i32
      %dma_wait3A_54 = arith.constant 0 : i32
      %dma_wait3A_55 = tpu.memref_slice %arg2[%dma_wait3A_53, %dma_wait3A_54] : memref<10000x128xf32, #tpu.memory_space<hbm>> -> memref<10000x128xf32, #tpu.memory_space<hbm>>
      tpu.wait_indirect_dma semaphore(%arg12 : memref<!tpu.dma_semaphore, #tpu.memory_space<semaphore_mem>>) src(%dma_wait3A_55 : memref<10000x128xf32, #tpu.memory_space<hbm>>) dst(%arg9 : memref<128x128xf32, #tpu.memory_space<vmem>>)
      %run_scoped3A_56 = arith.constant 0 : i32
      %run_scoped3A_57 = arith.constant 1 : i32
      "tpu.region"() ({
        %run_scoped3A_58 = tpu.sem_alloc : memref<!tpu.dma_semaphore, #tpu.memory_space<semaphore_mem>>
        %dma_start3A_59 = arith.constant 0 : i32
        %dma_start3A_60 = tpu.memref_slice %arg7[%run_scoped3A_56, %run_scoped3A_57, %dma_start3A_59] : memref<1x2x128xi32, #tpu.memory_space<vmem>> -> memref<1x1x128xi32, #tpu.memory_space<vmem>>
        %dma_start3A_61 = tpu.memref_squeeze %dma_start3A_60 : memref<1x1x128xi32, #tpu.memory_space<vmem>> -> memref<128xi32, #tpu.memory_space<vmem>>
        %dma_start3A_62 = arith.constant 0 : i32
        %dma_start3A_63 = arith.constant 0 : i32
        %dma_start3A_64 = tpu.memref_slice %arg10[%dma_start3A_62, %dma_start3A_63] : memref<10112x128xf32, #tpu.memory_space<vmem_shared>> -> memref<10112x128xf32, #tpu.memory_space<vmem_shared>>
        tpu.enqueue_indirect_dma source(%arg9 : memref<128x128xf32, #tpu.memory_space<vmem>>) target(%dma_start3A_64 : memref<10112x128xf32, #tpu.memory_space<vmem_shared>>) offsets(%dma_start3A_61 : memref<128xi32, #tpu.memory_space<vmem>>) semaphore(%run_scoped3A_58 : memref<!tpu.dma_semaphore, #tpu.memory_space<semaphore_mem>>) {add = true}
        %dma_wait3A_65 = arith.constant 0 : i32
        %dma_wait3A_66 = tpu.memref_slice %arg7[%run_scoped3A_56, %run_scoped3A_57, %dma_wait3A_65] : memref<1x2x128xi32, #tpu.memory_space<vmem>> -> memref<1x1x128xi32, #tpu.memory_space<vmem>>
        %dma_wait3A_67 = tpu.memref_squeeze %dma_wait3A_66 : memref<1x1x128xi32, #tpu.memory_space<vmem>> -> memref<128xi32, #tpu.memory_space<vmem>>
        %dma_wait3A_68 = arith.constant 0 : i32
        %dma_wait3A_69 = arith.constant 0 : i32
        %dma_wait3A_70 = tpu.memref_slice %arg10[%dma_wait3A_68, %dma_wait3A_69] : memref<10112x128xf32, #tpu.memory_space<vmem_shared>> -> memref<10112x128xf32, #tpu.memory_space<vmem_shared>>
        tpu.wait_indirect_dma semaphore(%run_scoped3A_58 : memref<!tpu.dma_semaphore, #tpu.memory_space<semaphore_mem>>) src(%arg9 : memref<128x128xf32, #tpu.memory_space<vmem>>) dst(%dma_wait3A_70 : memref<10112x128xf32, #tpu.memory_space<vmem_shared>>)
        tpu.yield
      }) : () -> ()
    }
    %scan3A_16 = arith.constant 40 : i32
    %barrier3A_17 = arith.constant 0 : index
    tpu.barrier barrier_id(%barrier3A_17)
    %mul3A_18 = arith.constant 632 : i32
    %mul3A_19 = arith.muli %arg1, %mul3A_18 : i32
    %mul3A_20 = arith.constant 632 : i32
    %mul3A_21 = arith.muli %arg1, %mul3A_20 : i32
    "tpu.region"() ({
      %run_scoped3A = tpu.sem_alloc : memref<!tpu.dma_semaphore, #tpu.memory_space<semaphore_mem>>
      %dma_start3A_22 = arith.constant 0 : i32
      %dma_start3A_23 = arith.constant 0 : i32
      %dma_start3A_24 = tpu.memref_slice %arg5[%arg0, %dma_start3A_22, %dma_start3A_23] : memref<2x10112x128xf32, #tpu.memory_space<hbm>> -> memref<1x10112x128xf32, #tpu.memory_space<hbm>>
      %dma_start3A_25 = tpu.memref_squeeze %dma_start3A_24 : memref<1x10112x128xf32, #tpu.memory_space<hbm>> -> memref<10112x128xf32, #tpu.memory_space<hbm>>
      %dma_start3A_26 = arith.constant 0 : i32
      %dma_start3A_27 = tpu.memref_slice %dma_start3A_25[%mul3A_21, %dma_start3A_26] : memref<10112x128xf32, #tpu.memory_space<hbm>> -> memref<632x128xf32, #tpu.memory_space<hbm>>
      %dma_start3A_28 = arith.constant 0 : i32
      %dma_start3A_29 = tpu.memref_slice %arg10[%mul3A_19, %dma_start3A_28] : memref<10112x128xf32, #tpu.memory_space<vmem_shared>> -> memref<632x128xf32, #tpu.memory_space<vmem_shared>>
      tpu.enqueue_dma source(%dma_start3A_29 : memref<632x128xf32, #tpu.memory_space<vmem_shared>>) target(%dma_start3A_27 : memref<632x128xf32, #tpu.memory_space<hbm>>) target_semaphore(%run_scoped3A : memref<!tpu.dma_semaphore, #tpu.memory_space<semaphore_mem>>)
      %dma_wait3A = arith.constant 0 : i32
      %dma_wait3A_30 = arith.constant 0 : i32
      %dma_wait3A_31 = tpu.memref_slice %arg5[%arg0, %dma_wait3A, %dma_wait3A_30] : memref<2x10112x128xf32, #tpu.memory_space<hbm>> -> memref<1x10112x128xf32, #tpu.memory_space<hbm>>
      %dma_wait3A_32 = tpu.memref_squeeze %dma_wait3A_31 : memref<1x10112x128xf32, #tpu.memory_space<hbm>> -> memref<10112x128xf32, #tpu.memory_space<hbm>>
      %dma_wait3A_33 = arith.constant 0 : i32
      %dma_wait3A_34 = tpu.memref_slice %dma_wait3A_32[%mul3A_21, %dma_wait3A_33] : memref<10112x128xf32, #tpu.memory_space<hbm>> -> memref<632x128xf32, #tpu.memory_space<hbm>>
      %dma_wait3A_35 = arith.constant 0 : i32
      %dma_wait3A_36 = tpu.memref_slice %arg10[%mul3A_19, %dma_wait3A_35] : memref<10112x128xf32, #tpu.memory_space<vmem_shared>> -> memref<632x128xf32, #tpu.memory_space<vmem_shared>>
      tpu.wait_dma2 semaphore(%run_scoped3A : memref<!tpu.dma_semaphore, #tpu.memory_space<semaphore_mem>>) src(%dma_wait3A_36 : memref<632x128xf32, #tpu.memory_space<vmem_shared>>) dst(%dma_wait3A_34 : memref<632x128xf32, #tpu.memory_space<hbm>>)
      tpu.yield
    }) : () -> ()
    return
  }
}

#map = affine_map<(d0, d1) -> (0, 0)>
#map1 = affine_map<(d0, d1) -> (0, 0, 0)>
module attributes {stable_mosaic.version = 14 : i64} {
  func.func @_deg_body(%arg0: i32, %arg1: i32, %arg2: memref<2560x128xi32, #tpu.memory_space<hbm>>, %arg3: memref<632x16xf32, #tpu.memory_space<hbm>>, %arg4: memref<128x16xf32, #tpu.memory_space<hbm>>, %arg5: memref<2x10112x16xf32, #tpu.memory_space<hbm>>, %arg6: memref<8x128xi32, #tpu.memory_space<vmem>>, %arg7: memref<10112x16xf32, #tpu.memory_space<vmem_shared>>, %arg8: memref<128x16xf32, #tpu.memory_space<vmem>>, %arg9: memref<!tpu.dma_semaphore, #tpu.memory_space<semaphore_mem>>) attributes {dimension_semantics = [#tpu.dimension_semantics<core_parallel>, #tpu.dimension_semantics<subcore_parallel>], iteration_bounds = array<i64: 2, 16>, scalar_prefetch = 0 : i64, scratch_operands = 4 : i64, tpu.core_type = #tpu.core_type<sc_vector_subcore>, window_params = [{transform_indices = #map}, {transform_indices = #map}, {transform_indices = #map}, {transform_indices = #map1}]} {
    %mul3A = arith.constant 632 : i32
    %mul3A_0 = arith.muli %arg1, %mul3A : i32
    "tpu.region"() ({
      %run_scoped3A = tpu.sem_alloc : memref<!tpu.dma_semaphore, #tpu.memory_space<semaphore_mem>>
      %dma_start3A = arith.constant 0 : i32
      %dma_start3A_15 = tpu.memref_slice %arg7[%mul3A_0, %dma_start3A] : memref<10112x16xf32, #tpu.memory_space<vmem_shared>> -> memref<632x16xf32, #tpu.memory_space<vmem_shared>>
      tpu.enqueue_dma source(%arg3 : memref<632x16xf32, #tpu.memory_space<hbm>>) target(%dma_start3A_15 : memref<632x16xf32, #tpu.memory_space<vmem_shared>>) target_semaphore(%run_scoped3A : memref<!tpu.dma_semaphore, #tpu.memory_space<semaphore_mem>>)
      %dma_wait3A = arith.constant 0 : i32
      %dma_wait3A_16 = tpu.memref_slice %arg7[%mul3A_0, %dma_wait3A] : memref<10112x16xf32, #tpu.memory_space<vmem_shared>> -> memref<632x16xf32, #tpu.memory_space<vmem_shared>>
      tpu.wait_dma2 semaphore(%run_scoped3A : memref<!tpu.dma_semaphore, #tpu.memory_space<semaphore_mem>>) src(%arg3 : memref<632x16xf32, #tpu.memory_space<hbm>>) dst(%dma_wait3A_16 : memref<632x16xf32, #tpu.memory_space<vmem_shared>>)
      tpu.yield
    }) : () -> ()
    "tpu.region"() ({
      %run_scoped3A = tpu.sem_alloc : memref<!tpu.dma_semaphore, #tpu.memory_space<semaphore_mem>>
      tpu.enqueue_dma source(%arg4 : memref<128x16xf32, #tpu.memory_space<hbm>>) target(%arg8 : memref<128x16xf32, #tpu.memory_space<vmem>>) target_semaphore(%run_scoped3A : memref<!tpu.dma_semaphore, #tpu.memory_space<semaphore_mem>>)
      tpu.wait_dma2 semaphore(%run_scoped3A : memref<!tpu.dma_semaphore, #tpu.memory_space<semaphore_mem>>) src(%arg4 : memref<128x16xf32, #tpu.memory_space<hbm>>) dst(%arg8 : memref<128x16xf32, #tpu.memory_space<vmem>>)
      tpu.yield
    }) : () -> ()
    %barrier3A = arith.constant 0 : index
    tpu.barrier barrier_id(%barrier3A)
    %mul3A_1 = arith.constant 2 : i32
    %mul3A_2 = arith.muli %arg1, %mul3A_1 : i32
    %add3A = arith.addi %mul3A_2, %arg0 : i32
    %mul3A_3 = arith.constant 80 : i32
    %mul3A_4 = arith.muli %add3A, %mul3A_3 : i32
    %scan3A = arith.constant 0 : i32
    %scan3A_5 = arith.constant 0 : i32
    %scan3A_6 = arith.constant 10 : i32
    %scan3A_7 = arith.addi %scan3A_5, %scan3A_6 : i32
    %scan3A_8 = arith.constant 1 : i32
    scf.for %scan3A_15 = %scan3A_5 to %scan3A_7 step %scan3A_8  : i32 {
      %mul3A_16 = arith.constant 8 : i32
      %mul3A_17 = arith.muli %mul3A_16, %scan3A_15 : i32
      %add3A_18 = arith.addi %mul3A_4, %mul3A_17 : i32
      "tpu.region"() ({
        %run_scoped3A_26 = tpu.sem_alloc : memref<!tpu.dma_semaphore, #tpu.memory_space<semaphore_mem>>
        %dma_start3A = arith.constant 0 : i32
        %dma_start3A_27 = tpu.memref_slice %arg2[%add3A_18, %dma_start3A] : memref<2560x128xi32, #tpu.memory_space<hbm>> -> memref<8x128xi32, #tpu.memory_space<hbm>>
        %dma_start3A_28 = arith.constant 0 : i32
        %dma_start3A_29 = tpu.memref_slice %arg2[%add3A_18, %dma_start3A_28] : memref<2560x128xi32, #tpu.memory_space<hbm>> -> memref<8x128xi32, #tpu.memory_space<hbm>>
        tpu.enqueue_dma source(%dma_start3A_29 : memref<8x128xi32, #tpu.memory_space<hbm>>) target(%arg6 : memref<8x128xi32, #tpu.memory_space<vmem>>) target_semaphore(%run_scoped3A_26 : memref<!tpu.dma_semaphore, #tpu.memory_space<semaphore_mem>>)
        %dma_wait3A = arith.constant 0 : i32
        %dma_wait3A_30 = tpu.memref_slice %arg2[%add3A_18, %dma_wait3A] : memref<2560x128xi32, #tpu.memory_space<hbm>> -> memref<8x128xi32, #tpu.memory_space<hbm>>
        %dma_wait3A_31 = arith.constant 0 : i32
        %dma_wait3A_32 = tpu.memref_slice %arg2[%add3A_18, %dma_wait3A_31] : memref<2560x128xi32, #tpu.memory_space<hbm>> -> memref<8x128xi32, #tpu.memory_space<hbm>>
        tpu.wait_dma2 semaphore(%run_scoped3A_26 : memref<!tpu.dma_semaphore, #tpu.memory_space<semaphore_mem>>) src(%dma_wait3A_32 : memref<8x128xi32, #tpu.memory_space<hbm>>) dst(%arg6 : memref<8x128xi32, #tpu.memory_space<vmem>>)
        tpu.yield
      }) : () -> ()
      %run_scoped3A = arith.constant 0 : i32
      "tpu.region"() ({
        %run_scoped3A_26 = tpu.sem_alloc : memref<!tpu.dma_semaphore, #tpu.memory_space<semaphore_mem>>
        %dma_start3A = arith.constant 0 : i32
        %dma_start3A_27 = tpu.memref_slice %arg6[%run_scoped3A, %dma_start3A] : memref<8x128xi32, #tpu.memory_space<vmem>> -> memref<1x128xi32, #tpu.memory_space<vmem>>
        %dma_start3A_28 = tpu.memref_squeeze %dma_start3A_27 : memref<1x128xi32, #tpu.memory_space<vmem>> -> memref<128xi32, #tpu.memory_space<vmem>>
        %dma_start3A_29 = arith.constant 0 : i32
        %dma_start3A_30 = arith.constant 0 : i32
        %dma_start3A_31 = tpu.memref_slice %arg7[%dma_start3A_29, %dma_start3A_30] : memref<10112x16xf32, #tpu.memory_space<vmem_shared>> -> memref<10112x16xf32, #tpu.memory_space<vmem_shared>>
        tpu.enqueue_indirect_dma source(%arg8 : memref<128x16xf32, #tpu.memory_space<vmem>>) target(%dma_start3A_31 : memref<10112x16xf32, #tpu.memory_space<vmem_shared>>) offsets(%dma_start3A_28 : memref<128xi32, #tpu.memory_space<vmem>>) semaphore(%run_scoped3A_26 : memref<!tpu.dma_semaphore, #tpu.memory_space<semaphore_mem>>) {add = true}
        %dma_wait3A = arith.constant 0 : i32
        %dma_wait3A_32 = tpu.memref_slice %arg6[%run_scoped3A, %dma_wait3A] : memref<8x128xi32, #tpu.memory_space<vmem>> -> memref<1x128xi32, #tpu.memory_space<vmem>>
        %dma_wait3A_33 = tpu.memref_squeeze %dma_wait3A_32 : memref<1x128xi32, #tpu.memory_space<vmem>> -> memref<128xi32, #tpu.memory_space<vmem>>
        %dma_wait3A_34 = arith.constant 0 : i32
        %dma_wait3A_35 = arith.constant 0 : i32
        %dma_wait3A_36 = tpu.memref_slice %arg7[%dma_wait3A_34, %dma_wait3A_35] : memref<10112x16xf32, #tpu.memory_space<vmem_shared>> -> memref<10112x16xf32, #tpu.memory_space<vmem_shared>>
        tpu.wait_indirect_dma semaphore(%run_scoped3A_26 : memref<!tpu.dma_semaphore, #tpu.memory_space<semaphore_mem>>) src(%arg8 : memref<128x16xf32, #tpu.memory_space<vmem>>) dst(%dma_wait3A_36 : memref<10112x16xf32, #tpu.memory_space<vmem_shared>>)
        tpu.yield
      }) : () -> ()
      %run_scoped3A_19 = arith.constant 1 : i32
      "tpu.region"() ({
        %run_scoped3A_26 = tpu.sem_alloc : memref<!tpu.dma_semaphore, #tpu.memory_space<semaphore_mem>>
        %dma_start3A = arith.constant 0 : i32
        %dma_start3A_27 = tpu.memref_slice %arg6[%run_scoped3A_19, %dma_start3A] : memref<8x128xi32, #tpu.memory_space<vmem>> -> memref<1x128xi32, #tpu.memory_space<vmem>>
        %dma_start3A_28 = tpu.memref_squeeze %dma_start3A_27 : memref<1x128xi32, #tpu.memory_space<vmem>> -> memref<128xi32, #tpu.memory_space<vmem>>
        %dma_start3A_29 = arith.constant 0 : i32
        %dma_start3A_30 = arith.constant 0 : i32
        %dma_start3A_31 = tpu.memref_slice %arg7[%dma_start3A_29, %dma_start3A_30] : memref<10112x16xf32, #tpu.memory_space<vmem_shared>> -> memref<10112x16xf32, #tpu.memory_space<vmem_shared>>
        tpu.enqueue_indirect_dma source(%arg8 : memref<128x16xf32, #tpu.memory_space<vmem>>) target(%dma_start3A_31 : memref<10112x16xf32, #tpu.memory_space<vmem_shared>>) offsets(%dma_start3A_28 : memref<128xi32, #tpu.memory_space<vmem>>) semaphore(%run_scoped3A_26 : memref<!tpu.dma_semaphore, #tpu.memory_space<semaphore_mem>>) {add = true}
        %dma_wait3A = arith.constant 0 : i32
        %dma_wait3A_32 = tpu.memref_slice %arg6[%run_scoped3A_19, %dma_wait3A] : memref<8x128xi32, #tpu.memory_space<vmem>> -> memref<1x128xi32, #tpu.memory_space<vmem>>
        %dma_wait3A_33 = tpu.memref_squeeze %dma_wait3A_32 : memref<1x128xi32, #tpu.memory_space<vmem>> -> memref<128xi32, #tpu.memory_space<vmem>>
        %dma_wait3A_34 = arith.constant 0 : i32
        %dma_wait3A_35 = arith.constant 0 : i32
        %dma_wait3A_36 = tpu.memref_slice %arg7[%dma_wait3A_34, %dma_wait3A_35] : memref<10112x16xf32, #tpu.memory_space<vmem_shared>> -> memref<10112x16xf32, #tpu.memory_space<vmem_shared>>
        tpu.wait_indirect_dma semaphore(%run_scoped3A_26 : memref<!tpu.dma_semaphore, #tpu.memory_space<semaphore_mem>>) src(%arg8 : memref<128x16xf32, #tpu.memory_space<vmem>>) dst(%dma_wait3A_36 : memref<10112x16xf32, #tpu.memory_space<vmem_shared>>)
        tpu.yield
      }) : () -> ()
      %run_scoped3A_20 = arith.constant 2 : i32
      "tpu.region"() ({
        %run_scoped3A_26 = tpu.sem_alloc : memref<!tpu.dma_semaphore, #tpu.memory_space<semaphore_mem>>
        %dma_start3A = arith.constant 0 : i32
        %dma_start3A_27 = tpu.memref_slice %arg6[%run_scoped3A_20, %dma_start3A] : memref<8x128xi32, #tpu.memory_space<vmem>> -> memref<1x128xi32, #tpu.memory_space<vmem>>
        %dma_start3A_28 = tpu.memref_squeeze %dma_start3A_27 : memref<1x128xi32, #tpu.memory_space<vmem>> -> memref<128xi32, #tpu.memory_space<vmem>>
        %dma_start3A_29 = arith.constant 0 : i32
        %dma_start3A_30 = arith.constant 0 : i32
        %dma_start3A_31 = tpu.memref_slice %arg7[%dma_start3A_29, %dma_start3A_30] : memref<10112x16xf32, #tpu.memory_space<vmem_shared>> -> memref<10112x16xf32, #tpu.memory_space<vmem_shared>>
        tpu.enqueue_indirect_dma source(%arg8 : memref<128x16xf32, #tpu.memory_space<vmem>>) target(%dma_start3A_31 : memref<10112x16xf32, #tpu.memory_space<vmem_shared>>) offsets(%dma_start3A_28 : memref<128xi32, #tpu.memory_space<vmem>>) semaphore(%run_scoped3A_26 : memref<!tpu.dma_semaphore, #tpu.memory_space<semaphore_mem>>) {add = true}
        %dma_wait3A = arith.constant 0 : i32
        %dma_wait3A_32 = tpu.memref_slice %arg6[%run_scoped3A_20, %dma_wait3A] : memref<8x128xi32, #tpu.memory_space<vmem>> -> memref<1x128xi32, #tpu.memory_space<vmem>>
        %dma_wait3A_33 = tpu.memref_squeeze %dma_wait3A_32 : memref<1x128xi32, #tpu.memory_space<vmem>> -> memref<128xi32, #tpu.memory_space<vmem>>
        %dma_wait3A_34 = arith.constant 0 : i32
        %dma_wait3A_35 = arith.constant 0 : i32
        %dma_wait3A_36 = tpu.memref_slice %arg7[%dma_wait3A_34, %dma_wait3A_35] : memref<10112x16xf32, #tpu.memory_space<vmem_shared>> -> memref<10112x16xf32, #tpu.memory_space<vmem_shared>>
        tpu.wait_indirect_dma semaphore(%run_scoped3A_26 : memref<!tpu.dma_semaphore, #tpu.memory_space<semaphore_mem>>) src(%arg8 : memref<128x16xf32, #tpu.memory_space<vmem>>) dst(%dma_wait3A_36 : memref<10112x16xf32, #tpu.memory_space<vmem_shared>>)
        tpu.yield
      }) : () -> ()
      %run_scoped3A_21 = arith.constant 3 : i32
      "tpu.region"() ({
        %run_scoped3A_26 = tpu.sem_alloc : memref<!tpu.dma_semaphore, #tpu.memory_space<semaphore_mem>>
        %dma_start3A = arith.constant 0 : i32
        %dma_start3A_27 = tpu.memref_slice %arg6[%run_scoped3A_21, %dma_start3A] : memref<8x128xi32, #tpu.memory_space<vmem>> -> memref<1x128xi32, #tpu.memory_space<vmem>>
        %dma_start3A_28 = tpu.memref_squeeze %dma_start3A_27 : memref<1x128xi32, #tpu.memory_space<vmem>> -> memref<128xi32, #tpu.memory_space<vmem>>
        %dma_start3A_29 = arith.constant 0 : i32
        %dma_start3A_30 = arith.constant 0 : i32
        %dma_start3A_31 = tpu.memref_slice %arg7[%dma_start3A_29, %dma_start3A_30] : memref<10112x16xf32, #tpu.memory_space<vmem_shared>> -> memref<10112x16xf32, #tpu.memory_space<vmem_shared>>
        tpu.enqueue_indirect_dma source(%arg8 : memref<128x16xf32, #tpu.memory_space<vmem>>) target(%dma_start3A_31 : memref<10112x16xf32, #tpu.memory_space<vmem_shared>>) offsets(%dma_start3A_28 : memref<128xi32, #tpu.memory_space<vmem>>) semaphore(%run_scoped3A_26 : memref<!tpu.dma_semaphore, #tpu.memory_space<semaphore_mem>>) {add = true}
        %dma_wait3A = arith.constant 0 : i32
        %dma_wait3A_32 = tpu.memref_slice %arg6[%run_scoped3A_21, %dma_wait3A] : memref<8x128xi32, #tpu.memory_space<vmem>> -> memref<1x128xi32, #tpu.memory_space<vmem>>
        %dma_wait3A_33 = tpu.memref_squeeze %dma_wait3A_32 : memref<1x128xi32, #tpu.memory_space<vmem>> -> memref<128xi32, #tpu.memory_space<vmem>>
        %dma_wait3A_34 = arith.constant 0 : i32
        %dma_wait3A_35 = arith.constant 0 : i32
        %dma_wait3A_36 = tpu.memref_slice %arg7[%dma_wait3A_34, %dma_wait3A_35] : memref<10112x16xf32, #tpu.memory_space<vmem_shared>> -> memref<10112x16xf32, #tpu.memory_space<vmem_shared>>
        tpu.wait_indirect_dma semaphore(%run_scoped3A_26 : memref<!tpu.dma_semaphore, #tpu.memory_space<semaphore_mem>>) src(%arg8 : memref<128x16xf32, #tpu.memory_space<vmem>>) dst(%dma_wait3A_36 : memref<10112x16xf32, #tpu.memory_space<vmem_shared>>)
        tpu.yield
      }) : () -> ()
      %run_scoped3A_22 = arith.constant 4 : i32
      "tpu.region"() ({
        %run_scoped3A_26 = tpu.sem_alloc : memref<!tpu.dma_semaphore, #tpu.memory_space<semaphore_mem>>
        %dma_start3A = arith.constant 0 : i32
        %dma_start3A_27 = tpu.memref_slice %arg6[%run_scoped3A_22, %dma_start3A] : memref<8x128xi32, #tpu.memory_space<vmem>> -> memref<1x128xi32, #tpu.memory_space<vmem>>
        %dma_start3A_28 = tpu.memref_squeeze %dma_start3A_27 : memref<1x128xi32, #tpu.memory_space<vmem>> -> memref<128xi32, #tpu.memory_space<vmem>>
        %dma_start3A_29 = arith.constant 0 : i32
        %dma_start3A_30 = arith.constant 0 : i32
        %dma_start3A_31 = tpu.memref_slice %arg7[%dma_start3A_29, %dma_start3A_30] : memref<10112x16xf32, #tpu.memory_space<vmem_shared>> -> memref<10112x16xf32, #tpu.memory_space<vmem_shared>>
        tpu.enqueue_indirect_dma source(%arg8 : memref<128x16xf32, #tpu.memory_space<vmem>>) target(%dma_start3A_31 : memref<10112x16xf32, #tpu.memory_space<vmem_shared>>) offsets(%dma_start3A_28 : memref<128xi32, #tpu.memory_space<vmem>>) semaphore(%run_scoped3A_26 : memref<!tpu.dma_semaphore, #tpu.memory_space<semaphore_mem>>) {add = true}
        %dma_wait3A = arith.constant 0 : i32
        %dma_wait3A_32 = tpu.memref_slice %arg6[%run_scoped3A_22, %dma_wait3A] : memref<8x128xi32, #tpu.memory_space<vmem>> -> memref<1x128xi32, #tpu.memory_space<vmem>>
        %dma_wait3A_33 = tpu.memref_squeeze %dma_wait3A_32 : memref<1x128xi32, #tpu.memory_space<vmem>> -> memref<128xi32, #tpu.memory_space<vmem>>
        %dma_wait3A_34 = arith.constant 0 : i32
        %dma_wait3A_35 = arith.constant 0 : i32
        %dma_wait3A_36 = tpu.memref_slice %arg7[%dma_wait3A_34, %dma_wait3A_35] : memref<10112x16xf32, #tpu.memory_space<vmem_shared>> -> memref<10112x16xf32, #tpu.memory_space<vmem_shared>>
        tpu.wait_indirect_dma semaphore(%run_scoped3A_26 : memref<!tpu.dma_semaphore, #tpu.memory_space<semaphore_mem>>) src(%arg8 : memref<128x16xf32, #tpu.memory_space<vmem>>) dst(%dma_wait3A_36 : memref<10112x16xf32, #tpu.memory_space<vmem_shared>>)
        tpu.yield
      }) : () -> ()
      %run_scoped3A_23 = arith.constant 5 : i32
      "tpu.region"() ({
        %run_scoped3A_26 = tpu.sem_alloc : memref<!tpu.dma_semaphore, #tpu.memory_space<semaphore_mem>>
        %dma_start3A = arith.constant 0 : i32
        %dma_start3A_27 = tpu.memref_slice %arg6[%run_scoped3A_23, %dma_start3A] : memref<8x128xi32, #tpu.memory_space<vmem>> -> memref<1x128xi32, #tpu.memory_space<vmem>>
        %dma_start3A_28 = tpu.memref_squeeze %dma_start3A_27 : memref<1x128xi32, #tpu.memory_space<vmem>> -> memref<128xi32, #tpu.memory_space<vmem>>
        %dma_start3A_29 = arith.constant 0 : i32
        %dma_start3A_30 = arith.constant 0 : i32
        %dma_start3A_31 = tpu.memref_slice %arg7[%dma_start3A_29, %dma_start3A_30] : memref<10112x16xf32, #tpu.memory_space<vmem_shared>> -> memref<10112x16xf32, #tpu.memory_space<vmem_shared>>
        tpu.enqueue_indirect_dma source(%arg8 : memref<128x16xf32, #tpu.memory_space<vmem>>) target(%dma_start3A_31 : memref<10112x16xf32, #tpu.memory_space<vmem_shared>>) offsets(%dma_start3A_28 : memref<128xi32, #tpu.memory_space<vmem>>) semaphore(%run_scoped3A_26 : memref<!tpu.dma_semaphore, #tpu.memory_space<semaphore_mem>>) {add = true}
        %dma_wait3A = arith.constant 0 : i32
        %dma_wait3A_32 = tpu.memref_slice %arg6[%run_scoped3A_23, %dma_wait3A] : memref<8x128xi32, #tpu.memory_space<vmem>> -> memref<1x128xi32, #tpu.memory_space<vmem>>
        %dma_wait3A_33 = tpu.memref_squeeze %dma_wait3A_32 : memref<1x128xi32, #tpu.memory_space<vmem>> -> memref<128xi32, #tpu.memory_space<vmem>>
        %dma_wait3A_34 = arith.constant 0 : i32
        %dma_wait3A_35 = arith.constant 0 : i32
        %dma_wait3A_36 = tpu.memref_slice %arg7[%dma_wait3A_34, %dma_wait3A_35] : memref<10112x16xf32, #tpu.memory_space<vmem_shared>> -> memref<10112x16xf32, #tpu.memory_space<vmem_shared>>
        tpu.wait_indirect_dma semaphore(%run_scoped3A_26 : memref<!tpu.dma_semaphore, #tpu.memory_space<semaphore_mem>>) src(%arg8 : memref<128x16xf32, #tpu.memory_space<vmem>>) dst(%dma_wait3A_36 : memref<10112x16xf32, #tpu.memory_space<vmem_shared>>)
        tpu.yield
      }) : () -> ()
      %run_scoped3A_24 = arith.constant 6 : i32
      "tpu.region"() ({
        %run_scoped3A_26 = tpu.sem_alloc : memref<!tpu.dma_semaphore, #tpu.memory_space<semaphore_mem>>
        %dma_start3A = arith.constant 0 : i32
        %dma_start3A_27 = tpu.memref_slice %arg6[%run_scoped3A_24, %dma_start3A] : memref<8x128xi32, #tpu.memory_space<vmem>> -> memref<1x128xi32, #tpu.memory_space<vmem>>
        %dma_start3A_28 = tpu.memref_squeeze %dma_start3A_27 : memref<1x128xi32, #tpu.memory_space<vmem>> -> memref<128xi32, #tpu.memory_space<vmem>>
        %dma_start3A_29 = arith.constant 0 : i32
        %dma_start3A_30 = arith.constant 0 : i32
        %dma_start3A_31 = tpu.memref_slice %arg7[%dma_start3A_29, %dma_start3A_30] : memref<10112x16xf32, #tpu.memory_space<vmem_shared>> -> memref<10112x16xf32, #tpu.memory_space<vmem_shared>>
        tpu.enqueue_indirect_dma source(%arg8 : memref<128x16xf32, #tpu.memory_space<vmem>>) target(%dma_start3A_31 : memref<10112x16xf32, #tpu.memory_space<vmem_shared>>) offsets(%dma_start3A_28 : memref<128xi32, #tpu.memory_space<vmem>>) semaphore(%run_scoped3A_26 : memref<!tpu.dma_semaphore, #tpu.memory_space<semaphore_mem>>) {add = true}
        %dma_wait3A = arith.constant 0 : i32
        %dma_wait3A_32 = tpu.memref_slice %arg6[%run_scoped3A_24, %dma_wait3A] : memref<8x128xi32, #tpu.memory_space<vmem>> -> memref<1x128xi32, #tpu.memory_space<vmem>>
        %dma_wait3A_33 = tpu.memref_squeeze %dma_wait3A_32 : memref<1x128xi32, #tpu.memory_space<vmem>> -> memref<128xi32, #tpu.memory_space<vmem>>
        %dma_wait3A_34 = arith.constant 0 : i32
        %dma_wait3A_35 = arith.constant 0 : i32
        %dma_wait3A_36 = tpu.memref_slice %arg7[%dma_wait3A_34, %dma_wait3A_35] : memref<10112x16xf32, #tpu.memory_space<vmem_shared>> -> memref<10112x16xf32, #tpu.memory_space<vmem_shared>>
        tpu.wait_indirect_dma semaphore(%run_scoped3A_26 : memref<!tpu.dma_semaphore, #tpu.memory_space<semaphore_mem>>) src(%arg8 : memref<128x16xf32, #tpu.memory_space<vmem>>) dst(%dma_wait3A_36 : memref<10112x16xf32, #tpu.memory_space<vmem_shared>>)
        tpu.yield
      }) : () -> ()
      %run_scoped3A_25 = arith.constant 7 : i32
      "tpu.region"() ({
        %run_scoped3A_26 = tpu.sem_alloc : memref<!tpu.dma_semaphore, #tpu.memory_space<semaphore_mem>>
        %dma_start3A = arith.constant 0 : i32
        %dma_start3A_27 = tpu.memref_slice %arg6[%run_scoped3A_25, %dma_start3A] : memref<8x128xi32, #tpu.memory_space<vmem>> -> memref<1x128xi32, #tpu.memory_space<vmem>>
        %dma_start3A_28 = tpu.memref_squeeze %dma_start3A_27 : memref<1x128xi32, #tpu.memory_space<vmem>> -> memref<128xi32, #tpu.memory_space<vmem>>
        %dma_start3A_29 = arith.constant 0 : i32
        %dma_start3A_30 = arith.constant 0 : i32
        %dma_start3A_31 = tpu.memref_slice %arg7[%dma_start3A_29, %dma_start3A_30] : memref<10112x16xf32, #tpu.memory_space<vmem_shared>> -> memref<10112x16xf32, #tpu.memory_space<vmem_shared>>
        tpu.enqueue_indirect_dma source(%arg8 : memref<128x16xf32, #tpu.memory_space<vmem>>) target(%dma_start3A_31 : memref<10112x16xf32, #tpu.memory_space<vmem_shared>>) offsets(%dma_start3A_28 : memref<128xi32, #tpu.memory_space<vmem>>) semaphore(%run_scoped3A_26 : memref<!tpu.dma_semaphore, #tpu.memory_space<semaphore_mem>>) {add = true}
        %dma_wait3A = arith.constant 0 : i32
        %dma_wait3A_32 = tpu.memref_slice %arg6[%run_scoped3A_25, %dma_wait3A] : memref<8x128xi32, #tpu.memory_space<vmem>> -> memref<1x128xi32, #tpu.memory_space<vmem>>
        %dma_wait3A_33 = tpu.memref_squeeze %dma_wait3A_32 : memref<1x128xi32, #tpu.memory_space<vmem>> -> memref<128xi32, #tpu.memory_space<vmem>>
        %dma_wait3A_34 = arith.constant 0 : i32
        %dma_wait3A_35 = arith.constant 0 : i32
        %dma_wait3A_36 = tpu.memref_slice %arg7[%dma_wait3A_34, %dma_wait3A_35] : memref<10112x16xf32, #tpu.memory_space<vmem_shared>> -> memref<10112x16xf32, #tpu.memory_space<vmem_shared>>
        tpu.wait_indirect_dma semaphore(%run_scoped3A_26 : memref<!tpu.dma_semaphore, #tpu.memory_space<semaphore_mem>>) src(%arg8 : memref<128x16xf32, #tpu.memory_space<vmem>>) dst(%dma_wait3A_36 : memref<10112x16xf32, #tpu.memory_space<vmem_shared>>)
        tpu.yield
      }) : () -> ()
    }
    %scan3A_9 = arith.constant 10 : i32
    %barrier3A_10 = arith.constant 0 : index
    tpu.barrier barrier_id(%barrier3A_10)
    %mul3A_11 = arith.constant 632 : i32
    %mul3A_12 = arith.muli %arg1, %mul3A_11 : i32
    %mul3A_13 = arith.constant 632 : i32
    %mul3A_14 = arith.muli %arg1, %mul3A_13 : i32
    "tpu.region"() ({
      %run_scoped3A = tpu.sem_alloc : memref<!tpu.dma_semaphore, #tpu.memory_space<semaphore_mem>>
      %dma_start3A = arith.constant 0 : i32
      %dma_start3A_15 = arith.constant 0 : i32
      %dma_start3A_16 = tpu.memref_slice %arg5[%arg0, %dma_start3A, %dma_start3A_15] : memref<2x10112x16xf32, #tpu.memory_space<hbm>> -> memref<1x10112x16xf32, #tpu.memory_space<hbm>>
      %dma_start3A_17 = tpu.memref_squeeze %dma_start3A_16 : memref<1x10112x16xf32, #tpu.memory_space<hbm>> -> memref<10112x16xf32, #tpu.memory_space<hbm>>
      %dma_start3A_18 = arith.constant 0 : i32
      %dma_start3A_19 = tpu.memref_slice %dma_start3A_17[%mul3A_14, %dma_start3A_18] : memref<10112x16xf32, #tpu.memory_space<hbm>> -> memref<632x16xf32, #tpu.memory_space<hbm>>
      %dma_start3A_20 = arith.constant 0 : i32
      %dma_start3A_21 = tpu.memref_slice %arg7[%mul3A_12, %dma_start3A_20] : memref<10112x16xf32, #tpu.memory_space<vmem_shared>> -> memref<632x16xf32, #tpu.memory_space<vmem_shared>>
      tpu.enqueue_dma source(%dma_start3A_21 : memref<632x16xf32, #tpu.memory_space<vmem_shared>>) target(%dma_start3A_19 : memref<632x16xf32, #tpu.memory_space<hbm>>) target_semaphore(%run_scoped3A : memref<!tpu.dma_semaphore, #tpu.memory_space<semaphore_mem>>)
      %dma_wait3A = arith.constant 0 : i32
      %dma_wait3A_22 = arith.constant 0 : i32
      %dma_wait3A_23 = tpu.memref_slice %arg5[%arg0, %dma_wait3A, %dma_wait3A_22] : memref<2x10112x16xf32, #tpu.memory_space<hbm>> -> memref<1x10112x16xf32, #tpu.memory_space<hbm>>
      %dma_wait3A_24 = tpu.memref_squeeze %dma_wait3A_23 : memref<1x10112x16xf32, #tpu.memory_space<hbm>> -> memref<10112x16xf32, #tpu.memory_space<hbm>>
      %dma_wait3A_25 = arith.constant 0 : i32
      %dma_wait3A_26 = tpu.memref_slice %dma_wait3A_24[%mul3A_14, %dma_wait3A_25] : memref<10112x16xf32, #tpu.memory_space<hbm>> -> memref<632x16xf32, #tpu.memory_space<hbm>>
      %dma_wait3A_27 = arith.constant 0 : i32
      %dma_wait3A_28 = tpu.memref_slice %arg7[%mul3A_12, %dma_wait3A_27] : memref<10112x16xf32, #tpu.memory_space<vmem_shared>> -> memref<632x16xf32, #tpu.memory_space<vmem_shared>>
      tpu.wait_dma2 semaphore(%run_scoped3A : memref<!tpu.dma_semaphore, #tpu.memory_space<semaphore_mem>>) src(%dma_wait3A_28 : memref<632x16xf32, #tpu.memory_space<vmem_shared>>) dst(%dma_wait3A_26 : memref<632x16xf32, #tpu.memory_space<hbm>>)
      tpu.yield
    }) : () -> ()
    return
  }
}

#map = affine_map<(d0, d1) -> (0, 0)>
#map1 = affine_map<(d0, d1) -> (0, 0, 0)>
module attributes {stable_mosaic.version = 14 : i64} {
  func.func @_segsum_body(%arg0: i32, %arg1: i32, %arg2: memref<10000x128xf32, #tpu.memory_space<hbm>>, %arg3: memref<2560x2x128xi32, #tpu.memory_space<hbm>>, %arg4: memref<632x128xf32, #tpu.memory_space<hbm>>, %arg5: memref<2x10112x128xf32, #tpu.memory_space<hbm>>, %arg6: memref<1x2x128xi32, #tpu.memory_space<vmem>>, %arg7: memref<1x2x128xi32, #tpu.memory_space<vmem>>, %arg8: memref<128x128xf32, #tpu.memory_space<vmem>>, %arg9: memref<128x128xf32, #tpu.memory_space<vmem>>, %arg10: memref<10112x128xf32, #tpu.memory_space<vmem_shared>>, %arg11: memref<!tpu.dma_semaphore, #tpu.memory_space<semaphore_mem>>, %arg12: memref<!tpu.dma_semaphore, #tpu.memory_space<semaphore_mem>>) attributes {dimension_semantics = [#tpu.dimension_semantics<core_parallel>, #tpu.dimension_semantics<subcore_parallel>], iteration_bounds = array<i64: 2, 16>, scalar_prefetch = 0 : i64, scratch_operands = 7 : i64, tpu.core_type = #tpu.core_type<sc_vector_subcore>, window_params = [{transform_indices = #map}, {transform_indices = #map1}, {transform_indices = #map}, {transform_indices = #map1}]} {
    %mul3A = arith.constant 632 : i32
    %mul3A_0 = arith.muli %arg1, %mul3A : i32
    "tpu.region"() ({
      %run_scoped3A = tpu.sem_alloc : memref<!tpu.dma_semaphore, #tpu.memory_space<semaphore_mem>>
      %dma_start3A_22 = arith.constant 0 : i32
      %dma_start3A_23 = tpu.memref_slice %arg10[%mul3A_0, %dma_start3A_22] : memref<10112x128xf32, #tpu.memory_space<vmem_shared>> -> memref<632x128xf32, #tpu.memory_space<vmem_shared>>
      tpu.enqueue_dma source(%arg4 : memref<632x128xf32, #tpu.memory_space<hbm>>) target(%dma_start3A_23 : memref<632x128xf32, #tpu.memory_space<vmem_shared>>) target_semaphore(%run_scoped3A : memref<!tpu.dma_semaphore, #tpu.memory_space<semaphore_mem>>)
      %dma_wait3A = arith.constant 0 : i32
      %dma_wait3A_24 = tpu.memref_slice %arg10[%mul3A_0, %dma_wait3A] : memref<10112x128xf32, #tpu.memory_space<vmem_shared>> -> memref<632x128xf32, #tpu.memory_space<vmem_shared>>
      tpu.wait_dma2 semaphore(%run_scoped3A : memref<!tpu.dma_semaphore, #tpu.memory_space<semaphore_mem>>) src(%arg4 : memref<632x128xf32, #tpu.memory_space<hbm>>) dst(%dma_wait3A_24 : memref<632x128xf32, #tpu.memory_space<vmem_shared>>)
      tpu.yield
    }) : () -> ()
    %barrier3A = arith.constant 0 : index
    tpu.barrier barrier_id(%barrier3A)
    %mul3A_1 = arith.constant 2 : i32
    %mul3A_2 = arith.muli %arg1, %mul3A_1 : i32
    %add3A = arith.addi %mul3A_2, %arg0 : i32
    %mul3A_3 = arith.constant 80 : i32
    %mul3A_4 = arith.muli %add3A, %mul3A_3 : i32
    "tpu.region"() ({
      %run_scoped3A = tpu.sem_alloc : memref<!tpu.dma_semaphore, #tpu.memory_space<semaphore_mem>>
      %dma_start3A_22 = arith.constant 0 : i32
      %dma_start3A_23 = arith.constant 0 : i32
      %dma_start3A_24 = tpu.memref_slice %arg3[%mul3A_4, %dma_start3A_22, %dma_start3A_23] : memref<2560x2x128xi32, #tpu.memory_space<hbm>> -> memref<1x2x128xi32, #tpu.memory_space<hbm>>
      %dma_start3A_25 = arith.constant 0 : i32
      %dma_start3A_26 = arith.constant 0 : i32
      %dma_start3A_27 = tpu.memref_slice %arg3[%mul3A_4, %dma_start3A_25, %dma_start3A_26] : memref<2560x2x128xi32, #tpu.memory_space<hbm>> -> memref<1x2x128xi32, #tpu.memory_space<hbm>>
      tpu.enqueue_dma source(%dma_start3A_27 : memref<1x2x128xi32, #tpu.memory_space<hbm>>) target(%arg6 : memref<1x2x128xi32, #tpu.memory_space<vmem>>) target_semaphore(%run_scoped3A : memref<!tpu.dma_semaphore, #tpu.memory_space<semaphore_mem>>)
      %dma_wait3A = arith.constant 0 : i32
      %dma_wait3A_28 = arith.constant 0 : i32
      %dma_wait3A_29 = tpu.memref_slice %arg3[%mul3A_4, %dma_wait3A, %dma_wait3A_28] : memref<2560x2x128xi32, #tpu.memory_space<hbm>> -> memref<1x2x128xi32, #tpu.memory_space<hbm>>
      %dma_wait3A_30 = arith.constant 0 : i32
      %dma_wait3A_31 = arith.constant 0 : i32
      %dma_wait3A_32 = tpu.memref_slice %arg3[%mul3A_4, %dma_wait3A_30, %dma_wait3A_31] : memref<2560x2x128xi32, #tpu.memory_space<hbm>> -> memref<1x2x128xi32, #tpu.memory_space<hbm>>
      tpu.wait_dma2 semaphore(%run_scoped3A : memref<!tpu.dma_semaphore, #tpu.memory_space<semaphore_mem>>) src(%dma_wait3A_32 : memref<1x2x128xi32, #tpu.memory_space<hbm>>) dst(%arg6 : memref<1x2x128xi32, #tpu.memory_space<vmem>>)
      tpu.yield
    }) : () -> ()
    %dma_start3A = arith.constant 0 : i32
    %dma_start3A_5 = arith.constant 0 : i32
    %dma_start3A_6 = arith.constant 0 : i32
    %dma_start3A_7 = tpu.memref_slice %arg6[%dma_start3A, %dma_start3A_5, %dma_start3A_6] : memref<1x2x128xi32, #tpu.memory_space<vmem>> -> memref<1x1x128xi32, #tpu.memory_space<vmem>>
    %dma_start3A_8 = tpu.memref_squeeze %dma_start3A_7 : memref<1x1x128xi32, #tpu.memory_space<vmem>> -> memref<128xi32, #tpu.memory_space<vmem>>
    %dma_start3A_9 = arith.constant 0 : i32
    %dma_start3A_10 = arith.constant 0 : i32
    %dma_start3A_11 = tpu.memref_slice %arg2[%dma_start3A_9, %dma_start3A_10] : memref<10000x128xf32, #tpu.memory_space<hbm>> -> memref<10000x128xf32, #tpu.memory_space<hbm>>
    tpu.enqueue_indirect_dma source(%dma_start3A_11 : memref<10000x128xf32, #tpu.memory_space<hbm>>) target(%arg8 : memref<128x128xf32, #tpu.memory_space<vmem>>) offsets(%dma_start3A_8 : memref<128xi32, #tpu.memory_space<vmem>>) semaphore(%arg11 : memref<!tpu.dma_semaphore, #tpu.memory_space<semaphore_mem>>)
    %scan3A = arith.constant 0 : i32
    %scan3A_12 = arith.constant 0 : i32
    %scan3A_13 = arith.constant 40 : i32
    %scan3A_14 = arith.addi %scan3A_12, %scan3A_13 : i32
    %scan3A_15 = arith.constant 1 : i32
    scf.for %scan3A_22 = %scan3A_12 to %scan3A_14 step %scan3A_15  : i32 {
      %mul3A_23 = arith.constant 2 : i32
      %mul3A_24 = arith.muli %mul3A_23, %scan3A_22 : i32
      %add3A_25 = arith.addi %mul3A_4, %mul3A_24 : i32
      %add3A_26 = arith.constant 1 : i32
      %add3A_27 = arith.addi %add3A_25, %add3A_26 : i32
      "tpu.region"() ({
        %run_scoped3A_58 = tpu.sem_alloc : memref<!tpu.dma_semaphore, #tpu.memory_space<semaphore_mem>>
        %dma_start3A_59 = arith.constant 0 : i32
        %dma_start3A_60 = arith.constant 0 : i32
        %dma_start3A_61 = tpu.memref_slice %arg3[%add3A_27, %dma_start3A_59, %dma_start3A_60] : memref<2560x2x128xi32, #tpu.memory_space<hbm>> -> memref<1x2x128xi32, #tpu.memory_space<hbm>>
        %dma_start3A_62 = arith.constant 0 : i32
        %dma_start3A_63 = arith.constant 0 : i32
        %dma_start3A_64 = tpu.memref_slice %arg3[%add3A_27, %dma_start3A_62, %dma_start3A_63] : memref<2560x2x128xi32, #tpu.memory_space<hbm>> -> memref<1x2x128xi32, #tpu.memory_space<hbm>>
        tpu.enqueue_dma source(%dma_start3A_64 : memref<1x2x128xi32, #tpu.memory_space<hbm>>) target(%arg7 : memref<1x2x128xi32, #tpu.memory_space<vmem>>) target_semaphore(%run_scoped3A_58 : memref<!tpu.dma_semaphore, #tpu.memory_space<semaphore_mem>>)
        %dma_wait3A_65 = arith.constant 0 : i32
        %dma_wait3A_66 = arith.constant 0 : i32
        %dma_wait3A_67 = tpu.memref_slice %arg3[%add3A_27, %dma_wait3A_65, %dma_wait3A_66] : memref<2560x2x128xi32, #tpu.memory_space<hbm>> -> memref<1x2x128xi32, #tpu.memory_space<hbm>>
        %dma_wait3A_68 = arith.constant 0 : i32
        %dma_wait3A_69 = arith.constant 0 : i32
        %dma_wait3A_70 = tpu.memref_slice %arg3[%add3A_27, %dma_wait3A_68, %dma_wait3A_69] : memref<2560x2x128xi32, #tpu.memory_space<hbm>> -> memref<1x2x128xi32, #tpu.memory_space<hbm>>
        tpu.wait_dma2 semaphore(%run_scoped3A_58 : memref<!tpu.dma_semaphore, #tpu.memory_space<semaphore_mem>>) src(%dma_wait3A_70 : memref<1x2x128xi32, #tpu.memory_space<hbm>>) dst(%arg7 : memref<1x2x128xi32, #tpu.memory_space<vmem>>)
        tpu.yield
      }) : () -> ()
      %dma_start3A_28 = arith.constant 0 : i32
      %dma_start3A_29 = arith.constant 0 : i32
      %dma_start3A_30 = arith.constant 0 : i32
      %dma_start3A_31 = tpu.memref_slice %arg7[%dma_start3A_28, %dma_start3A_29, %dma_start3A_30] : memref<1x2x128xi32, #tpu.memory_space<vmem>> -> memref<1x1x128xi32, #tpu.memory_space<vmem>>
      %dma_start3A_32 = tpu.memref_squeeze %dma_start3A_31 : memref<1x1x128xi32, #tpu.memory_space<vmem>> -> memref<128xi32, #tpu.memory_space<vmem>>
      %dma_start3A_33 = arith.constant 0 : i32
      %dma_start3A_34 = arith.constant 0 : i32
      %dma_start3A_35 = tpu.memref_slice %arg2[%dma_start3A_33, %dma_start3A_34] : memref<10000x128xf32, #tpu.memory_space<hbm>> -> memref<10000x128xf32, #tpu.memory_space<hbm>>
      tpu.enqueue_indirect_dma source(%dma_start3A_35 : memref<10000x128xf32, #tpu.memory_space<hbm>>) target(%arg9 : memref<128x128xf32, #tpu.memory_space<vmem>>) offsets(%dma_start3A_32 : memref<128xi32, #tpu.memory_space<vmem>>) semaphore(%arg12 : memref<!tpu.dma_semaphore, #tpu.memory_space<semaphore_mem>>)
      %dma_wait3A = arith.constant 0 : i32
      %dma_wait3A_36 = arith.constant 0 : i32
      %dma_wait3A_37 = arith.constant 0 : i32
      %dma_wait3A_38 = tpu.memref_slice %arg6[%dma_wait3A, %dma_wait3A_36, %dma_wait3A_37] : memref<1x2x128xi32, #tpu.memory_space<vmem>> -> memref<1x1x128xi32, #tpu.memory_space<vmem>>
      %dma_wait3A_39 = tpu.memref_squeeze %dma_wait3A_38 : memref<1x1x128xi32, #tpu.memory_space<vmem>> -> memref<128xi32, #tpu.memory_space<vmem>>
      %dma_wait3A_40 = arith.constant 0 : i32
      %dma_wait3A_41 = arith.constant 0 : i32
      %dma_wait3A_42 = tpu.memref_slice %arg2[%dma_wait3A_40, %dma_wait3A_41] : memref<10000x128xf32, #tpu.memory_space<hbm>> -> memref<10000x128xf32, #tpu.memory_space<hbm>>
      tpu.wait_indirect_dma semaphore(%arg11 : memref<!tpu.dma_semaphore, #tpu.memory_space<semaphore_mem>>) src(%dma_wait3A_42 : memref<10000x128xf32, #tpu.memory_space<hbm>>) dst(%arg8 : memref<128x128xf32, #tpu.memory_space<vmem>>)
      %run_scoped3A = arith.constant 0 : i32
      %run_scoped3A_43 = arith.constant 1 : i32
      "tpu.region"() ({
        %run_scoped3A_58 = tpu.sem_alloc : memref<!tpu.dma_semaphore, #tpu.memory_space<semaphore_mem>>
        %dma_start3A_59 = arith.constant 0 : i32
        %dma_start3A_60 = tpu.memref_slice %arg6[%run_scoped3A, %run_scoped3A_43, %dma_start3A_59] : memref<1x2x128xi32, #tpu.memory_space<vmem>> -> memref<1x1x128xi32, #tpu.memory_space<vmem>>
        %dma_start3A_61 = tpu.memref_squeeze %dma_start3A_60 : memref<1x1x128xi32, #tpu.memory_space<vmem>> -> memref<128xi32, #tpu.memory_space<vmem>>
        %dma_start3A_62 = arith.constant 0 : i32
        %dma_start3A_63 = arith.constant 0 : i32
        %dma_start3A_64 = tpu.memref_slice %arg10[%dma_start3A_62, %dma_start3A_63] : memref<10112x128xf32, #tpu.memory_space<vmem_shared>> -> memref<10112x128xf32, #tpu.memory_space<vmem_shared>>
        tpu.enqueue_indirect_dma source(%arg8 : memref<128x128xf32, #tpu.memory_space<vmem>>) target(%dma_start3A_64 : memref<10112x128xf32, #tpu.memory_space<vmem_shared>>) offsets(%dma_start3A_61 : memref<128xi32, #tpu.memory_space<vmem>>) semaphore(%run_scoped3A_58 : memref<!tpu.dma_semaphore, #tpu.memory_space<semaphore_mem>>) {add = true}
        %dma_wait3A_65 = arith.constant 0 : i32
        %dma_wait3A_66 = tpu.memref_slice %arg6[%run_scoped3A, %run_scoped3A_43, %dma_wait3A_65] : memref<1x2x128xi32, #tpu.memory_space<vmem>> -> memref<1x1x128xi32, #tpu.memory_space<vmem>>
        %dma_wait3A_67 = tpu.memref_squeeze %dma_wait3A_66 : memref<1x1x128xi32, #tpu.memory_space<vmem>> -> memref<128xi32, #tpu.memory_space<vmem>>
        %dma_wait3A_68 = arith.constant 0 : i32
        %dma_wait3A_69 = arith.constant 0 : i32
        %dma_wait3A_70 = tpu.memref_slice %arg10[%dma_wait3A_68, %dma_wait3A_69] : memref<10112x128xf32, #tpu.memory_space<vmem_shared>> -> memref<10112x128xf32, #tpu.memory_space<vmem_shared>>
        tpu.wait_indirect_dma semaphore(%run_scoped3A_58 : memref<!tpu.dma_semaphore, #tpu.memory_space<semaphore_mem>>) src(%arg8 : memref<128x128xf32, #tpu.memory_space<vmem>>) dst(%dma_wait3A_70 : memref<10112x128xf32, #tpu.memory_space<vmem_shared>>)
        tpu.yield
      }) : () -> ()
      %add3A_44 = arith.constant 1 : i32
      %add3A_45 = arith.addi %scan3A_22, %add3A_44 : i32
      %lt3A = arith.constant 40 : i32
      %lt3A_46 = arith.cmpi slt, %add3A_45, %lt3A : i32
      %convert_element_type3A = arith.extui %lt3A_46 : i1 to i32
      %cond3A = arith.constant 0 : i32
      %cond3A_47 = arith.cmpi ne, %convert_element_type3A, %cond3A : i32
      scf.if %cond3A_47 {
        %mul3A_58 = arith.constant 2 : i32
        %mul3A_59 = arith.muli %mul3A_58, %scan3A_22 : i32
        %add3A_60 = arith.addi %mul3A_4, %mul3A_59 : i32
        %add3A_61 = arith.constant 2 : i32
        %add3A_62 = arith.addi %add3A_60, %add3A_61 : i32
        "tpu.region"() ({
          %run_scoped3A_71 = tpu.sem_alloc : memref<!tpu.dma_semaphore, #tpu.memory_space<semaphore_mem>>
          %dma_start3A_72 = arith.constant 0 : i32
          %dma_start3A_73 = arith.constant 0 : i32
          %dma_start3A_74 = tpu.memref_slice %arg3[%add3A_62, %dma_start3A_72, %dma_start3A_73] : memref<2560x2x128xi32, #tpu.memory_space<hbm>> -> memref<1x2x128xi32, #tpu.memory_space<hbm>>
          %dma_start3A_75 = arith.constant 0 : i32
          %dma_start3A_76 = arith.constant 0 : i32
          %dma_start3A_77 = tpu.memref_slice %arg3[%add3A_62, %dma_start3A_75, %dma_start3A_76] : memref<2560x2x128xi32, #tpu.memory_space<hbm>> -> memref<1x2x128xi32, #tpu.memory_space<hbm>>
          tpu.enqueue_dma source(%dma_start3A_77 : memref<1x2x128xi32, #tpu.memory_space<hbm>>) target(%arg6 : memref<1x2x128xi32, #tpu.memory_space<vmem>>) target_semaphore(%run_scoped3A_71 : memref<!tpu.dma_semaphore, #tpu.memory_space<semaphore_mem>>)
          %dma_wait3A_78 = arith.constant 0 : i32
          %dma_wait3A_79 = arith.constant 0 : i32
          %dma_wait3A_80 = tpu.memref_slice %arg3[%add3A_62, %dma_wait3A_78, %dma_wait3A_79] : memref<2560x2x128xi32, #tpu.memory_space<hbm>> -> memref<1x2x128xi32, #tpu.memory_space<hbm>>
          %dma_wait3A_81 = arith.constant 0 : i32
          %dma_wait3A_82 = arith.constant 0 : i32
          %dma_wait3A_83 = tpu.memref_slice %arg3[%add3A_62, %dma_wait3A_81, %dma_wait3A_82] : memref<2560x2x128xi32, #tpu.memory_space<hbm>> -> memref<1x2x128xi32, #tpu.memory_space<hbm>>
          tpu.wait_dma2 semaphore(%run_scoped3A_71 : memref<!tpu.dma_semaphore, #tpu.memory_space<semaphore_mem>>) src(%dma_wait3A_83 : memref<1x2x128xi32, #tpu.memory_space<hbm>>) dst(%arg6 : memref<1x2x128xi32, #tpu.memory_space<vmem>>)
          tpu.yield
        }) : () -> ()
        %dma_start3A_63 = arith.constant 0 : i32
        %dma_start3A_64 = arith.constant 0 : i32
        %dma_start3A_65 = arith.constant 0 : i32
        %dma_start3A_66 = tpu.memref_slice %arg6[%dma_start3A_63, %dma_start3A_64, %dma_start3A_65] : memref<1x2x128xi32, #tpu.memory_space<vmem>> -> memref<1x1x128xi32, #tpu.memory_space<vmem>>
        %dma_start3A_67 = tpu.memref_squeeze %dma_start3A_66 : memref<1x1x128xi32, #tpu.memory_space<vmem>> -> memref<128xi32, #tpu.memory_space<vmem>>
        %dma_start3A_68 = arith.constant 0 : i32
        %dma_start3A_69 = arith.constant 0 : i32
        %dma_start3A_70 = tpu.memref_slice %arg2[%dma_start3A_68, %dma_start3A_69] : memref<10000x128xf32, #tpu.memory_space<hbm>> -> memref<10000x128xf32, #tpu.memory_space<hbm>>
        tpu.enqueue_indirect_dma source(%dma_start3A_70 : memref<10000x128xf32, #tpu.memory_space<hbm>>) target(%arg8 : memref<128x128xf32, #tpu.memory_space<vmem>>) offsets(%dma_start3A_67 : memref<128xi32, #tpu.memory_space<vmem>>) semaphore(%arg11 : memref<!tpu.dma_semaphore, #tpu.memory_space<semaphore_mem>>)
      } else {
      }
      %dma_wait3A_48 = arith.constant 0 : i32
      %dma_wait3A_49 = arith.constant 0 : i32
      %dma_wait3A_50 = arith.constant 0 : i32
      %dma_wait3A_51 = tpu.memref_slice %arg7[%dma_wait3A_48, %dma_wait3A_49, %dma_wait3A_50] : memref<1x2x128xi32, #tpu.memory_space<vmem>> -> memref<1x1x128xi32, #tpu.memory_space<vmem>>
      %dma_wait3A_52 = tpu.memref_squeeze %dma_wait3A_51 : memref<1x1x128xi32, #tpu.memory_space<vmem>> -> memref<128xi32, #tpu.memory_space<vmem>>
      %dma_wait3A_53 = arith.constant 0 : i32
      %dma_wait3A_54 = arith.constant 0 : i32
      %dma_wait3A_55 = tpu.memref_slice %arg2[%dma_wait3A_53, %dma_wait3A_54] : memref<10000x128xf32, #tpu.memory_space<hbm>> -> memref<10000x128xf32, #tpu.memory_space<hbm>>
      tpu.wait_indirect_dma semaphore(%arg12 : memref<!tpu.dma_semaphore, #tpu.memory_space<semaphore_mem>>) src(%dma_wait3A_55 : memref<10000x128xf32, #tpu.memory_space<hbm>>) dst(%arg9 : memref<128x128xf32, #tpu.memory_space<vmem>>)
      %run_scoped3A_56 = arith.constant 0 : i32
      %run_scoped3A_57 = arith.constant 1 : i32
      "tpu.region"() ({
        %run_scoped3A_58 = tpu.sem_alloc : memref<!tpu.dma_semaphore, #tpu.memory_space<semaphore_mem>>
        %dma_start3A_59 = arith.constant 0 : i32
        %dma_start3A_60 = tpu.memref_slice %arg7[%run_scoped3A_56, %run_scoped3A_57, %dma_start3A_59] : memref<1x2x128xi32, #tpu.memory_space<vmem>> -> memref<1x1x128xi32, #tpu.memory_space<vmem>>
        %dma_start3A_61 = tpu.memref_squeeze %dma_start3A_60 : memref<1x1x128xi32, #tpu.memory_space<vmem>> -> memref<128xi32, #tpu.memory_space<vmem>>
        %dma_start3A_62 = arith.constant 0 : i32
        %dma_start3A_63 = arith.constant 0 : i32
        %dma_start3A_64 = tpu.memref_slice %arg10[%dma_start3A_62, %dma_start3A_63] : memref<10112x128xf32, #tpu.memory_space<vmem_shared>> -> memref<10112x128xf32, #tpu.memory_space<vmem_shared>>
        tpu.enqueue_indirect_dma source(%arg9 : memref<128x128xf32, #tpu.memory_space<vmem>>) target(%dma_start3A_64 : memref<10112x128xf32, #tpu.memory_space<vmem_shared>>) offsets(%dma_start3A_61 : memref<128xi32, #tpu.memory_space<vmem>>) semaphore(%run_scoped3A_58 : memref<!tpu.dma_semaphore, #tpu.memory_space<semaphore_mem>>) {add = true}
        %dma_wait3A_65 = arith.constant 0 : i32
        %dma_wait3A_66 = tpu.memref_slice %arg7[%run_scoped3A_56, %run_scoped3A_57, %dma_wait3A_65] : memref<1x2x128xi32, #tpu.memory_space<vmem>> -> memref<1x1x128xi32, #tpu.memory_space<vmem>>
        %dma_wait3A_67 = tpu.memref_squeeze %dma_wait3A_66 : memref<1x1x128xi32, #tpu.memory_space<vmem>> -> memref<128xi32, #tpu.memory_space<vmem>>
        %dma_wait3A_68 = arith.constant 0 : i32
        %dma_wait3A_69 = arith.constant 0 : i32
        %dma_wait3A_70 = tpu.memref_slice %arg10[%dma_wait3A_68, %dma_wait3A_69] : memref<10112x128xf32, #tpu.memory_space<vmem_shared>> -> memref<10112x128xf32, #tpu.memory_space<vmem_shared>>
        tpu.wait_indirect_dma semaphore(%run_scoped3A_58 : memref<!tpu.dma_semaphore, #tpu.memory_space<semaphore_mem>>) src(%arg9 : memref<128x128xf32, #tpu.memory_space<vmem>>) dst(%dma_wait3A_70 : memref<10112x128xf32, #tpu.memory_space<vmem_shared>>)
        tpu.yield
      }) : () -> ()
    }
    %scan3A_16 = arith.constant 40 : i32
    %barrier3A_17 = arith.constant 0 : index
    tpu.barrier barrier_id(%barrier3A_17)
    %mul3A_18 = arith.constant 632 : i32
    %mul3A_19 = arith.muli %arg1, %mul3A_18 : i32
    %mul3A_20 = arith.constant 632 : i32
    %mul3A_21 = arith.muli %arg1, %mul3A_20 : i32
    "tpu.region"() ({
      %run_scoped3A = tpu.sem_alloc : memref<!tpu.dma_semaphore, #tpu.memory_space<semaphore_mem>>
      %dma_start3A_22 = arith.constant 0 : i32
      %dma_start3A_23 = arith.constant 0 : i32
      %dma_start3A_24 = tpu.memref_slice %arg5[%arg0, %dma_start3A_22, %dma_start3A_23] : memref<2x10112x128xf32, #tpu.memory_space<hbm>> -> memref<1x10112x128xf32, #tpu.memory_space<hbm>>
      %dma_start3A_25 = tpu.memref_squeeze %dma_start3A_24 : memref<1x10112x128xf32, #tpu.memory_space<hbm>> -> memref<10112x128xf32, #tpu.memory_space<hbm>>
      %dma_start3A_26 = arith.constant 0 : i32
      %dma_start3A_27 = tpu.memref_slice %dma_start3A_25[%mul3A_21, %dma_start3A_26] : memref<10112x128xf32, #tpu.memory_space<hbm>> -> memref<632x128xf32, #tpu.memory_space<hbm>>
      %dma_start3A_28 = arith.constant 0 : i32
      %dma_start3A_29 = tpu.memref_slice %arg10[%mul3A_19, %dma_start3A_28] : memref<10112x128xf32, #tpu.memory_space<vmem_shared>> -> memref<632x128xf32, #tpu.memory_space<vmem_shared>>
      tpu.enqueue_dma source(%dma_start3A_29 : memref<632x128xf32, #tpu.memory_space<vmem_shared>>) target(%dma_start3A_27 : memref<632x128xf32, #tpu.memory_space<hbm>>) target_semaphore(%run_scoped3A : memref<!tpu.dma_semaphore, #tpu.memory_space<semaphore_mem>>)
      %dma_wait3A = arith.constant 0 : i32
      %dma_wait3A_30 = arith.constant 0 : i32
      %dma_wait3A_31 = tpu.memref_slice %arg5[%arg0, %dma_wait3A, %dma_wait3A_30] : memref<2x10112x128xf32, #tpu.memory_space<hbm>> -> memref<1x10112x128xf32, #tpu.memory_space<hbm>>
      %dma_wait3A_32 = tpu.memref_squeeze %dma_wait3A_31 : memref<1x10112x128xf32, #tpu.memory_space<hbm>> -> memref<10112x128xf32, #tpu.memory_space<hbm>>
      %dma_wait3A_33 = arith.constant 0 : i32
      %dma_wait3A_34 = tpu.memref_slice %dma_wait3A_32[%mul3A_21, %dma_wait3A_33] : memref<10112x128xf32, #tpu.memory_space<hbm>> -> memref<632x128xf32, #tpu.memory_space<hbm>>
      %dma_wait3A_35 = arith.constant 0 : i32
      %dma_wait3A_36 = tpu.memref_slice %arg10[%mul3A_19, %dma_wait3A_35] : memref<10112x128xf32, #tpu.memory_space<vmem_shared>> -> memref<632x128xf32, #tpu.memory_space<vmem_shared>>
      tpu.wait_dma2 semaphore(%run_scoped3A : memref<!tpu.dma_semaphore, #tpu.memory_space<semaphore_mem>>) src(%dma_wait3A_36 : memref<632x128xf32, #tpu.memory_space<vmem_shared>>) dst(%dma_wait3A_34 : memref<632x128xf32, #tpu.memory_space<hbm>>)
      tpu.yield
    }) : () -> ()
    return
  }
}

#map = affine_map<(d0, d1) -> (0, 0)>
#map1 = affine_map<(d0, d1) -> (0, 0, 0)>
module attributes {stable_mosaic.version = 14 : i64} {
  func.func @_segsum_body(%arg0: i32, %arg1: i32, %arg2: memref<10000x128xf32, #tpu.memory_space<hbm>>, %arg3: memref<2560x2x128xi32, #tpu.memory_space<hbm>>, %arg4: memref<632x128xf32, #tpu.memory_space<hbm>>, %arg5: memref<2x10112x128xf32, #tpu.memory_space<hbm>>, %arg6: memref<1x2x128xi32, #tpu.memory_space<vmem>>, %arg7: memref<1x2x128xi32, #tpu.memory_space<vmem>>, %arg8: memref<128x128xf32, #tpu.memory_space<vmem>>, %arg9: memref<128x128xf32, #tpu.memory_space<vmem>>, %arg10: memref<10112x128xf32, #tpu.memory_space<vmem_shared>>, %arg11: memref<!tpu.dma_semaphore, #tpu.memory_space<semaphore_mem>>, %arg12: memref<!tpu.dma_semaphore, #tpu.memory_space<semaphore_mem>>) attributes {dimension_semantics = [#tpu.dimension_semantics<core_parallel>, #tpu.dimension_semantics<subcore_parallel>], iteration_bounds = array<i64: 2, 16>, scalar_prefetch = 0 : i64, scratch_operands = 7 : i64, tpu.core_type = #tpu.core_type<sc_vector_subcore>, window_params = [{transform_indices = #map}, {transform_indices = #map1}, {transform_indices = #map}, {transform_indices = #map1}]} {
    %mul3A = arith.constant 632 : i32
    %mul3A_0 = arith.muli %arg1, %mul3A : i32
    "tpu.region"() ({
      %run_scoped3A = tpu.sem_alloc : memref<!tpu.dma_semaphore, #tpu.memory_space<semaphore_mem>>
      %dma_start3A_22 = arith.constant 0 : i32
      %dma_start3A_23 = tpu.memref_slice %arg10[%mul3A_0, %dma_start3A_22] : memref<10112x128xf32, #tpu.memory_space<vmem_shared>> -> memref<632x128xf32, #tpu.memory_space<vmem_shared>>
      tpu.enqueue_dma source(%arg4 : memref<632x128xf32, #tpu.memory_space<hbm>>) target(%dma_start3A_23 : memref<632x128xf32, #tpu.memory_space<vmem_shared>>) target_semaphore(%run_scoped3A : memref<!tpu.dma_semaphore, #tpu.memory_space<semaphore_mem>>)
      %dma_wait3A = arith.constant 0 : i32
      %dma_wait3A_24 = tpu.memref_slice %arg10[%mul3A_0, %dma_wait3A] : memref<10112x128xf32, #tpu.memory_space<vmem_shared>> -> memref<632x128xf32, #tpu.memory_space<vmem_shared>>
      tpu.wait_dma2 semaphore(%run_scoped3A : memref<!tpu.dma_semaphore, #tpu.memory_space<semaphore_mem>>) src(%arg4 : memref<632x128xf32, #tpu.memory_space<hbm>>) dst(%dma_wait3A_24 : memref<632x128xf32, #tpu.memory_space<vmem_shared>>)
      tpu.yield
    }) : () -> ()
    %barrier3A = arith.constant 0 : index
    tpu.barrier barrier_id(%barrier3A)
    %mul3A_1 = arith.constant 2 : i32
    %mul3A_2 = arith.muli %arg1, %mul3A_1 : i32
    %add3A = arith.addi %mul3A_2, %arg0 : i32
    %mul3A_3 = arith.constant 80 : i32
    %mul3A_4 = arith.muli %add3A, %mul3A_3 : i32
    "tpu.region"() ({
      %run_scoped3A = tpu.sem_alloc : memref<!tpu.dma_semaphore, #tpu.memory_space<semaphore_mem>>
      %dma_start3A_22 = arith.constant 0 : i32
      %dma_start3A_23 = arith.constant 0 : i32
      %dma_start3A_24 = tpu.memref_slice %arg3[%mul3A_4, %dma_start3A_22, %dma_start3A_23] : memref<2560x2x128xi32, #tpu.memory_space<hbm>> -> memref<1x2x128xi32, #tpu.memory_space<hbm>>
      %dma_start3A_25 = arith.constant 0 : i32
      %dma_start3A_26 = arith.constant 0 : i32
      %dma_start3A_27 = tpu.memref_slice %arg3[%mul3A_4, %dma_start3A_25, %dma_start3A_26] : memref<2560x2x128xi32, #tpu.memory_space<hbm>> -> memref<1x2x128xi32, #tpu.memory_space<hbm>>
      tpu.enqueue_dma source(%dma_start3A_27 : memref<1x2x128xi32, #tpu.memory_space<hbm>>) target(%arg6 : memref<1x2x128xi32, #tpu.memory_space<vmem>>) target_semaphore(%run_scoped3A : memref<!tpu.dma_semaphore, #tpu.memory_space<semaphore_mem>>)
      %dma_wait3A = arith.constant 0 : i32
      %dma_wait3A_28 = arith.constant 0 : i32
      %dma_wait3A_29 = tpu.memref_slice %arg3[%mul3A_4, %dma_wait3A, %dma_wait3A_28] : memref<2560x2x128xi32, #tpu.memory_space<hbm>> -> memref<1x2x128xi32, #tpu.memory_space<hbm>>
      %dma_wait3A_30 = arith.constant 0 : i32
      %dma_wait3A_31 = arith.constant 0 : i32
      %dma_wait3A_32 = tpu.memref_slice %arg3[%mul3A_4, %dma_wait3A_30, %dma_wait3A_31] : memref<2560x2x128xi32, #tpu.memory_space<hbm>> -> memref<1x2x128xi32, #tpu.memory_space<hbm>>
      tpu.wait_dma2 semaphore(%run_scoped3A : memref<!tpu.dma_semaphore, #tpu.memory_space<semaphore_mem>>) src(%dma_wait3A_32 : memref<1x2x128xi32, #tpu.memory_space<hbm>>) dst(%arg6 : memref<1x2x128xi32, #tpu.memory_space<vmem>>)
      tpu.yield
    }) : () -> ()
    %dma_start3A = arith.constant 0 : i32
    %dma_start3A_5 = arith.constant 0 : i32
    %dma_start3A_6 = arith.constant 0 : i32
    %dma_start3A_7 = tpu.memref_slice %arg6[%dma_start3A, %dma_start3A_5, %dma_start3A_6] : memref<1x2x128xi32, #tpu.memory_space<vmem>> -> memref<1x1x128xi32, #tpu.memory_space<vmem>>
    %dma_start3A_8 = tpu.memref_squeeze %dma_start3A_7 : memref<1x1x128xi32, #tpu.memory_space<vmem>> -> memref<128xi32, #tpu.memory_space<vmem>>
    %dma_start3A_9 = arith.constant 0 : i32
    %dma_start3A_10 = arith.constant 0 : i32
    %dma_start3A_11 = tpu.memref_slice %arg2[%dma_start3A_9, %dma_start3A_10] : memref<10000x128xf32, #tpu.memory_space<hbm>> -> memref<10000x128xf32, #tpu.memory_space<hbm>>
    tpu.enqueue_indirect_dma source(%dma_start3A_11 : memref<10000x128xf32, #tpu.memory_space<hbm>>) target(%arg8 : memref<128x128xf32, #tpu.memory_space<vmem>>) offsets(%dma_start3A_8 : memref<128xi32, #tpu.memory_space<vmem>>) semaphore(%arg11 : memref<!tpu.dma_semaphore, #tpu.memory_space<semaphore_mem>>)
    %scan3A = arith.constant 0 : i32
    %scan3A_12 = arith.constant 0 : i32
    %scan3A_13 = arith.constant 40 : i32
    %scan3A_14 = arith.addi %scan3A_12, %scan3A_13 : i32
    %scan3A_15 = arith.constant 1 : i32
    scf.for %scan3A_22 = %scan3A_12 to %scan3A_14 step %scan3A_15  : i32 {
      %mul3A_23 = arith.constant 2 : i32
      %mul3A_24 = arith.muli %mul3A_23, %scan3A_22 : i32
      %add3A_25 = arith.addi %mul3A_4, %mul3A_24 : i32
      %add3A_26 = arith.constant 1 : i32
      %add3A_27 = arith.addi %add3A_25, %add3A_26 : i32
      "tpu.region"() ({
        %run_scoped3A_58 = tpu.sem_alloc : memref<!tpu.dma_semaphore, #tpu.memory_space<semaphore_mem>>
        %dma_start3A_59 = arith.constant 0 : i32
        %dma_start3A_60 = arith.constant 0 : i32
        %dma_start3A_61 = tpu.memref_slice %arg3[%add3A_27, %dma_start3A_59, %dma_start3A_60] : memref<2560x2x128xi32, #tpu.memory_space<hbm>> -> memref<1x2x128xi32, #tpu.memory_space<hbm>>
        %dma_start3A_62 = arith.constant 0 : i32
        %dma_start3A_63 = arith.constant 0 : i32
        %dma_start3A_64 = tpu.memref_slice %arg3[%add3A_27, %dma_start3A_62, %dma_start3A_63] : memref<2560x2x128xi32, #tpu.memory_space<hbm>> -> memref<1x2x128xi32, #tpu.memory_space<hbm>>
        tpu.enqueue_dma source(%dma_start3A_64 : memref<1x2x128xi32, #tpu.memory_space<hbm>>) target(%arg7 : memref<1x2x128xi32, #tpu.memory_space<vmem>>) target_semaphore(%run_scoped3A_58 : memref<!tpu.dma_semaphore, #tpu.memory_space<semaphore_mem>>)
        %dma_wait3A_65 = arith.constant 0 : i32
        %dma_wait3A_66 = arith.constant 0 : i32
        %dma_wait3A_67 = tpu.memref_slice %arg3[%add3A_27, %dma_wait3A_65, %dma_wait3A_66] : memref<2560x2x128xi32, #tpu.memory_space<hbm>> -> memref<1x2x128xi32, #tpu.memory_space<hbm>>
        %dma_wait3A_68 = arith.constant 0 : i32
        %dma_wait3A_69 = arith.constant 0 : i32
        %dma_wait3A_70 = tpu.memref_slice %arg3[%add3A_27, %dma_wait3A_68, %dma_wait3A_69] : memref<2560x2x128xi32, #tpu.memory_space<hbm>> -> memref<1x2x128xi32, #tpu.memory_space<hbm>>
        tpu.wait_dma2 semaphore(%run_scoped3A_58 : memref<!tpu.dma_semaphore, #tpu.memory_space<semaphore_mem>>) src(%dma_wait3A_70 : memref<1x2x128xi32, #tpu.memory_space<hbm>>) dst(%arg7 : memref<1x2x128xi32, #tpu.memory_space<vmem>>)
        tpu.yield
      }) : () -> ()
      %dma_start3A_28 = arith.constant 0 : i32
      %dma_start3A_29 = arith.constant 0 : i32
      %dma_start3A_30 = arith.constant 0 : i32
      %dma_start3A_31 = tpu.memref_slice %arg7[%dma_start3A_28, %dma_start3A_29, %dma_start3A_30] : memref<1x2x128xi32, #tpu.memory_space<vmem>> -> memref<1x1x128xi32, #tpu.memory_space<vmem>>
      %dma_start3A_32 = tpu.memref_squeeze %dma_start3A_31 : memref<1x1x128xi32, #tpu.memory_space<vmem>> -> memref<128xi32, #tpu.memory_space<vmem>>
      %dma_start3A_33 = arith.constant 0 : i32
      %dma_start3A_34 = arith.constant 0 : i32
      %dma_start3A_35 = tpu.memref_slice %arg2[%dma_start3A_33, %dma_start3A_34] : memref<10000x128xf32, #tpu.memory_space<hbm>> -> memref<10000x128xf32, #tpu.memory_space<hbm>>
      tpu.enqueue_indirect_dma source(%dma_start3A_35 : memref<10000x128xf32, #tpu.memory_space<hbm>>) target(%arg9 : memref<128x128xf32, #tpu.memory_space<vmem>>) offsets(%dma_start3A_32 : memref<128xi32, #tpu.memory_space<vmem>>) semaphore(%arg12 : memref<!tpu.dma_semaphore, #tpu.memory_space<semaphore_mem>>)
      %dma_wait3A = arith.constant 0 : i32
      %dma_wait3A_36 = arith.constant 0 : i32
      %dma_wait3A_37 = arith.constant 0 : i32
      %dma_wait3A_38 = tpu.memref_slice %arg6[%dma_wait3A, %dma_wait3A_36, %dma_wait3A_37] : memref<1x2x128xi32, #tpu.memory_space<vmem>> -> memref<1x1x128xi32, #tpu.memory_space<vmem>>
      %dma_wait3A_39 = tpu.memref_squeeze %dma_wait3A_38 : memref<1x1x128xi32, #tpu.memory_space<vmem>> -> memref<128xi32, #tpu.memory_space<vmem>>
      %dma_wait3A_40 = arith.constant 0 : i32
      %dma_wait3A_41 = arith.constant 0 : i32
      %dma_wait3A_42 = tpu.memref_slice %arg2[%dma_wait3A_40, %dma_wait3A_41] : memref<10000x128xf32, #tpu.memory_space<hbm>> -> memref<10000x128xf32, #tpu.memory_space<hbm>>
      tpu.wait_indirect_dma semaphore(%arg11 : memref<!tpu.dma_semaphore, #tpu.memory_space<semaphore_mem>>) src(%dma_wait3A_42 : memref<10000x128xf32, #tpu.memory_space<hbm>>) dst(%arg8 : memref<128x128xf32, #tpu.memory_space<vmem>>)
      %run_scoped3A = arith.constant 0 : i32
      %run_scoped3A_43 = arith.constant 1 : i32
      "tpu.region"() ({
        %run_scoped3A_58 = tpu.sem_alloc : memref<!tpu.dma_semaphore, #tpu.memory_space<semaphore_mem>>
        %dma_start3A_59 = arith.constant 0 : i32
        %dma_start3A_60 = tpu.memref_slice %arg6[%run_scoped3A, %run_scoped3A_43, %dma_start3A_59] : memref<1x2x128xi32, #tpu.memory_space<vmem>> -> memref<1x1x128xi32, #tpu.memory_space<vmem>>
        %dma_start3A_61 = tpu.memref_squeeze %dma_start3A_60 : memref<1x1x128xi32, #tpu.memory_space<vmem>> -> memref<128xi32, #tpu.memory_space<vmem>>
        %dma_start3A_62 = arith.constant 0 : i32
        %dma_start3A_63 = arith.constant 0 : i32
        %dma_start3A_64 = tpu.memref_slice %arg10[%dma_start3A_62, %dma_start3A_63] : memref<10112x128xf32, #tpu.memory_space<vmem_shared>> -> memref<10112x128xf32, #tpu.memory_space<vmem_shared>>
        tpu.enqueue_indirect_dma source(%arg8 : memref<128x128xf32, #tpu.memory_space<vmem>>) target(%dma_start3A_64 : memref<10112x128xf32, #tpu.memory_space<vmem_shared>>) offsets(%dma_start3A_61 : memref<128xi32, #tpu.memory_space<vmem>>) semaphore(%run_scoped3A_58 : memref<!tpu.dma_semaphore, #tpu.memory_space<semaphore_mem>>) {add = true}
        %dma_wait3A_65 = arith.constant 0 : i32
        %dma_wait3A_66 = tpu.memref_slice %arg6[%run_scoped3A, %run_scoped3A_43, %dma_wait3A_65] : memref<1x2x128xi32, #tpu.memory_space<vmem>> -> memref<1x1x128xi32, #tpu.memory_space<vmem>>
        %dma_wait3A_67 = tpu.memref_squeeze %dma_wait3A_66 : memref<1x1x128xi32, #tpu.memory_space<vmem>> -> memref<128xi32, #tpu.memory_space<vmem>>
        %dma_wait3A_68 = arith.constant 0 : i32
        %dma_wait3A_69 = arith.constant 0 : i32
        %dma_wait3A_70 = tpu.memref_slice %arg10[%dma_wait3A_68, %dma_wait3A_69] : memref<10112x128xf32, #tpu.memory_space<vmem_shared>> -> memref<10112x128xf32, #tpu.memory_space<vmem_shared>>
        tpu.wait_indirect_dma semaphore(%run_scoped3A_58 : memref<!tpu.dma_semaphore, #tpu.memory_space<semaphore_mem>>) src(%arg8 : memref<128x128xf32, #tpu.memory_space<vmem>>) dst(%dma_wait3A_70 : memref<10112x128xf32, #tpu.memory_space<vmem_shared>>)
        tpu.yield
      }) : () -> ()
      %add3A_44 = arith.constant 1 : i32
      %add3A_45 = arith.addi %scan3A_22, %add3A_44 : i32
      %lt3A = arith.constant 40 : i32
      %lt3A_46 = arith.cmpi slt, %add3A_45, %lt3A : i32
      %convert_element_type3A = arith.extui %lt3A_46 : i1 to i32
      %cond3A = arith.constant 0 : i32
      %cond3A_47 = arith.cmpi ne, %convert_element_type3A, %cond3A : i32
      scf.if %cond3A_47 {
        %mul3A_58 = arith.constant 2 : i32
        %mul3A_59 = arith.muli %mul3A_58, %scan3A_22 : i32
        %add3A_60 = arith.addi %mul3A_4, %mul3A_59 : i32
        %add3A_61 = arith.constant 2 : i32
        %add3A_62 = arith.addi %add3A_60, %add3A_61 : i32
        "tpu.region"() ({
          %run_scoped3A_71 = tpu.sem_alloc : memref<!tpu.dma_semaphore, #tpu.memory_space<semaphore_mem>>
          %dma_start3A_72 = arith.constant 0 : i32
          %dma_start3A_73 = arith.constant 0 : i32
          %dma_start3A_74 = tpu.memref_slice %arg3[%add3A_62, %dma_start3A_72, %dma_start3A_73] : memref<2560x2x128xi32, #tpu.memory_space<hbm>> -> memref<1x2x128xi32, #tpu.memory_space<hbm>>
          %dma_start3A_75 = arith.constant 0 : i32
          %dma_start3A_76 = arith.constant 0 : i32
          %dma_start3A_77 = tpu.memref_slice %arg3[%add3A_62, %dma_start3A_75, %dma_start3A_76] : memref<2560x2x128xi32, #tpu.memory_space<hbm>> -> memref<1x2x128xi32, #tpu.memory_space<hbm>>
          tpu.enqueue_dma source(%dma_start3A_77 : memref<1x2x128xi32, #tpu.memory_space<hbm>>) target(%arg6 : memref<1x2x128xi32, #tpu.memory_space<vmem>>) target_semaphore(%run_scoped3A_71 : memref<!tpu.dma_semaphore, #tpu.memory_space<semaphore_mem>>)
          %dma_wait3A_78 = arith.constant 0 : i32
          %dma_wait3A_79 = arith.constant 0 : i32
          %dma_wait3A_80 = tpu.memref_slice %arg3[%add3A_62, %dma_wait3A_78, %dma_wait3A_79] : memref<2560x2x128xi32, #tpu.memory_space<hbm>> -> memref<1x2x128xi32, #tpu.memory_space<hbm>>
          %dma_wait3A_81 = arith.constant 0 : i32
          %dma_wait3A_82 = arith.constant 0 : i32
          %dma_wait3A_83 = tpu.memref_slice %arg3[%add3A_62, %dma_wait3A_81, %dma_wait3A_82] : memref<2560x2x128xi32, #tpu.memory_space<hbm>> -> memref<1x2x128xi32, #tpu.memory_space<hbm>>
          tpu.wait_dma2 semaphore(%run_scoped3A_71 : memref<!tpu.dma_semaphore, #tpu.memory_space<semaphore_mem>>) src(%dma_wait3A_83 : memref<1x2x128xi32, #tpu.memory_space<hbm>>) dst(%arg6 : memref<1x2x128xi32, #tpu.memory_space<vmem>>)
          tpu.yield
        }) : () -> ()
        %dma_start3A_63 = arith.constant 0 : i32
        %dma_start3A_64 = arith.constant 0 : i32
        %dma_start3A_65 = arith.constant 0 : i32
        %dma_start3A_66 = tpu.memref_slice %arg6[%dma_start3A_63, %dma_start3A_64, %dma_start3A_65] : memref<1x2x128xi32, #tpu.memory_space<vmem>> -> memref<1x1x128xi32, #tpu.memory_space<vmem>>
        %dma_start3A_67 = tpu.memref_squeeze %dma_start3A_66 : memref<1x1x128xi32, #tpu.memory_space<vmem>> -> memref<128xi32, #tpu.memory_space<vmem>>
        %dma_start3A_68 = arith.constant 0 : i32
        %dma_start3A_69 = arith.constant 0 : i32
        %dma_start3A_70 = tpu.memref_slice %arg2[%dma_start3A_68, %dma_start3A_69] : memref<10000x128xf32, #tpu.memory_space<hbm>> -> memref<10000x128xf32, #tpu.memory_space<hbm>>
        tpu.enqueue_indirect_dma source(%dma_start3A_70 : memref<10000x128xf32, #tpu.memory_space<hbm>>) target(%arg8 : memref<128x128xf32, #tpu.memory_space<vmem>>) offsets(%dma_start3A_67 : memref<128xi32, #tpu.memory_space<vmem>>) semaphore(%arg11 : memref<!tpu.dma_semaphore, #tpu.memory_space<semaphore_mem>>)
      } else {
      }
      %dma_wait3A_48 = arith.constant 0 : i32
      %dma_wait3A_49 = arith.constant 0 : i32
      %dma_wait3A_50 = arith.constant 0 : i32
      %dma_wait3A_51 = tpu.memref_slice %arg7[%dma_wait3A_48, %dma_wait3A_49, %dma_wait3A_50] : memref<1x2x128xi32, #tpu.memory_space<vmem>> -> memref<1x1x128xi32, #tpu.memory_space<vmem>>
      %dma_wait3A_52 = tpu.memref_squeeze %dma_wait3A_51 : memref<1x1x128xi32, #tpu.memory_space<vmem>> -> memref<128xi32, #tpu.memory_space<vmem>>
      %dma_wait3A_53 = arith.constant 0 : i32
      %dma_wait3A_54 = arith.constant 0 : i32
      %dma_wait3A_55 = tpu.memref_slice %arg2[%dma_wait3A_53, %dma_wait3A_54] : memref<10000x128xf32, #tpu.memory_space<hbm>> -> memref<10000x128xf32, #tpu.memory_space<hbm>>
      tpu.wait_indirect_dma semaphore(%arg12 : memref<!tpu.dma_semaphore, #tpu.memory_space<semaphore_mem>>) src(%dma_wait3A_55 : memref<10000x128xf32, #tpu.memory_space<hbm>>) dst(%arg9 : memref<128x128xf32, #tpu.memory_space<vmem>>)
      %run_scoped3A_56 = arith.constant 0 : i32
      %run_scoped3A_57 = arith.constant 1 : i32
      "tpu.region"() ({
        %run_scoped3A_58 = tpu.sem_alloc : memref<!tpu.dma_semaphore, #tpu.memory_space<semaphore_mem>>
        %dma_start3A_59 = arith.constant 0 : i32
        %dma_start3A_60 = tpu.memref_slice %arg7[%run_scoped3A_56, %run_scoped3A_57, %dma_start3A_59] : memref<1x2x128xi32, #tpu.memory_space<vmem>> -> memref<1x1x128xi32, #tpu.memory_space<vmem>>
        %dma_start3A_61 = tpu.memref_squeeze %dma_start3A_60 : memref<1x1x128xi32, #tpu.memory_space<vmem>> -> memref<128xi32, #tpu.memory_space<vmem>>
        %dma_start3A_62 = arith.constant 0 : i32
        %dma_start3A_63 = arith.constant 0 : i32
        %dma_start3A_64 = tpu.memref_slice %arg10[%dma_start3A_62, %dma_start3A_63] : memref<10112x128xf32, #tpu.memory_space<vmem_shared>> -> memref<10112x128xf32, #tpu.memory_space<vmem_shared>>
        tpu.enqueue_indirect_dma source(%arg9 : memref<128x128xf32, #tpu.memory_space<vmem>>) target(%dma_start3A_64 : memref<10112x128xf32, #tpu.memory_space<vmem_shared>>) offsets(%dma_start3A_61 : memref<128xi32, #tpu.memory_space<vmem>>) semaphore(%run_scoped3A_58 : memref<!tpu.dma_semaphore, #tpu.memory_space<semaphore_mem>>) {add = true}
        %dma_wait3A_65 = arith.constant 0 : i32
        %dma_wait3A_66 = tpu.memref_slice %arg7[%run_scoped3A_56, %run_scoped3A_57, %dma_wait3A_65] : memref<1x2x128xi32, #tpu.memory_space<vmem>> -> memref<1x1x128xi32, #tpu.memory_space<vmem>>
        %dma_wait3A_67 = tpu.memref_squeeze %dma_wait3A_66 : memref<1x1x128xi32, #tpu.memory_space<vmem>> -> memref<128xi32, #tpu.memory_space<vmem>>
        %dma_wait3A_68 = arith.constant 0 : i32
        %dma_wait3A_69 = arith.constant 0 : i32
        %dma_wait3A_70 = tpu.memref_slice %arg10[%dma_wait3A_68, %dma_wait3A_69] : memref<10112x128xf32, #tpu.memory_space<vmem_shared>> -> memref<10112x128xf32, #tpu.memory_space<vmem_shared>>
        tpu.wait_indirect_dma semaphore(%run_scoped3A_58 : memref<!tpu.dma_semaphore, #tpu.memory_space<semaphore_mem>>) src(%arg9 : memref<128x128xf32, #tpu.memory_space<vmem>>) dst(%dma_wait3A_70 : memref<10112x128xf32, #tpu.memory_space<vmem_shared>>)
        tpu.yield
      }) : () -> ()
    }
    %scan3A_16 = arith.constant 40 : i32
    %barrier3A_17 = arith.constant 0 : index
    tpu.barrier barrier_id(%barrier3A_17)
    %mul3A_18 = arith.constant 632 : i32
    %mul3A_19 = arith.muli %arg1, %mul3A_18 : i32
    %mul3A_20 = arith.constant 632 : i32
    %mul3A_21 = arith.muli %arg1, %mul3A_20 : i32
    "tpu.region"() ({
      %run_scoped3A = tpu.sem_alloc : memref<!tpu.dma_semaphore, #tpu.memory_space<semaphore_mem>>
      %dma_start3A_22 = arith.constant 0 : i32
      %dma_start3A_23 = arith.constant 0 : i32
      %dma_start3A_24 = tpu.memref_slice %arg5[%arg0, %dma_start3A_22, %dma_start3A_23] : memref<2x10112x128xf32, #tpu.memory_space<hbm>> -> memref<1x10112x128xf32, #tpu.memory_space<hbm>>
      %dma_start3A_25 = tpu.memref_squeeze %dma_start3A_24 : memref<1x10112x128xf32, #tpu.memory_space<hbm>> -> memref<10112x128xf32, #tpu.memory_space<hbm>>
      %dma_start3A_26 = arith.constant 0 : i32
      %dma_start3A_27 = tpu.memref_slice %dma_start3A_25[%mul3A_21, %dma_start3A_26] : memref<10112x128xf32, #tpu.memory_space<hbm>> -> memref<632x128xf32, #tpu.memory_space<hbm>>
      %dma_start3A_28 = arith.constant 0 : i32
      %dma_start3A_29 = tpu.memref_slice %arg10[%mul3A_19, %dma_start3A_28] : memref<10112x128xf32, #tpu.memory_space<vmem_shared>> -> memref<632x128xf32, #tpu.memory_space<vmem_shared>>
      tpu.enqueue_dma source(%dma_start3A_29 : memref<632x128xf32, #tpu.memory_space<vmem_shared>>) target(%dma_start3A_27 : memref<632x128xf32, #tpu.memory_space<hbm>>) target_semaphore(%run_scoped3A : memref<!tpu.dma_semaphore, #tpu.memory_space<semaphore_mem>>)
      %dma_wait3A = arith.constant 0 : i32
      %dma_wait3A_30 = arith.constant 0 : i32
      %dma_wait3A_31 = tpu.memref_slice %arg5[%arg0, %dma_wait3A, %dma_wait3A_30] : memref<2x10112x128xf32, #tpu.memory_space<hbm>> -> memref<1x10112x128xf32, #tpu.memory_space<hbm>>
      %dma_wait3A_32 = tpu.memref_squeeze %dma_wait3A_31 : memref<1x10112x128xf32, #tpu.memory_space<hbm>> -> memref<10112x128xf32, #tpu.memory_space<hbm>>
      %dma_wait3A_33 = arith.constant 0 : i32
      %dma_wait3A_34 = tpu.memref_slice %dma_wait3A_32[%mul3A_21, %dma_wait3A_33] : memref<10112x128xf32, #tpu.memory_space<hbm>> -> memref<632x128xf32, #tpu.memory_space<hbm>>
      %dma_wait3A_35 = arith.constant 0 : i32
      %dma_wait3A_36 = tpu.memref_slice %arg10[%mul3A_19, %dma_wait3A_35] : memref<10112x128xf32, #tpu.memory_space<vmem_shared>> -> memref<632x128xf32, #tpu.memory_space<vmem_shared>>
      tpu.wait_dma2 semaphore(%run_scoped3A : memref<!tpu.dma_semaphore, #tpu.memory_space<semaphore_mem>>) src(%dma_wait3A_36 : memref<632x128xf32, #tpu.memory_space<vmem_shared>>) dst(%dma_wait3A_34 : memref<632x128xf32, #tpu.memory_space<hbm>>)
      tpu.yield
    }) : () -> ()
    return
  }
}

#map = affine_map<(d0, d1) -> (0, 0)>
#map1 = affine_map<(d0, d1) -> (0, 0, 0)>
module attributes {stable_mosaic.version = 14 : i64} {
  func.func @_segsum_body(%arg0: i32, %arg1: i32, %arg2: memref<10000x128xf32, #tpu.memory_space<hbm>>, %arg3: memref<2560x2x128xi32, #tpu.memory_space<hbm>>, %arg4: memref<632x128xf32, #tpu.memory_space<hbm>>, %arg5: memref<2x10112x128xf32, #tpu.memory_space<hbm>>, %arg6: memref<1x2x128xi32, #tpu.memory_space<vmem>>, %arg7: memref<1x2x128xi32, #tpu.memory_space<vmem>>, %arg8: memref<128x128xf32, #tpu.memory_space<vmem>>, %arg9: memref<128x128xf32, #tpu.memory_space<vmem>>, %arg10: memref<10112x128xf32, #tpu.memory_space<vmem_shared>>, %arg11: memref<!tpu.dma_semaphore, #tpu.memory_space<semaphore_mem>>, %arg12: memref<!tpu.dma_semaphore, #tpu.memory_space<semaphore_mem>>) attributes {dimension_semantics = [#tpu.dimension_semantics<core_parallel>, #tpu.dimension_semantics<subcore_parallel>], iteration_bounds = array<i64: 2, 16>, scalar_prefetch = 0 : i64, scratch_operands = 7 : i64, tpu.core_type = #tpu.core_type<sc_vector_subcore>, window_params = [{transform_indices = #map}, {transform_indices = #map1}, {transform_indices = #map}, {transform_indices = #map1}]} {
    %mul3A = arith.constant 632 : i32
    %mul3A_0 = arith.muli %arg1, %mul3A : i32
    "tpu.region"() ({
      %run_scoped3A = tpu.sem_alloc : memref<!tpu.dma_semaphore, #tpu.memory_space<semaphore_mem>>
      %dma_start3A_22 = arith.constant 0 : i32
      %dma_start3A_23 = tpu.memref_slice %arg10[%mul3A_0, %dma_start3A_22] : memref<10112x128xf32, #tpu.memory_space<vmem_shared>> -> memref<632x128xf32, #tpu.memory_space<vmem_shared>>
      tpu.enqueue_dma source(%arg4 : memref<632x128xf32, #tpu.memory_space<hbm>>) target(%dma_start3A_23 : memref<632x128xf32, #tpu.memory_space<vmem_shared>>) target_semaphore(%run_scoped3A : memref<!tpu.dma_semaphore, #tpu.memory_space<semaphore_mem>>)
      %dma_wait3A = arith.constant 0 : i32
      %dma_wait3A_24 = tpu.memref_slice %arg10[%mul3A_0, %dma_wait3A] : memref<10112x128xf32, #tpu.memory_space<vmem_shared>> -> memref<632x128xf32, #tpu.memory_space<vmem_shared>>
      tpu.wait_dma2 semaphore(%run_scoped3A : memref<!tpu.dma_semaphore, #tpu.memory_space<semaphore_mem>>) src(%arg4 : memref<632x128xf32, #tpu.memory_space<hbm>>) dst(%dma_wait3A_24 : memref<632x128xf32, #tpu.memory_space<vmem_shared>>)
      tpu.yield
    }) : () -> ()
    %barrier3A = arith.constant 0 : index
    tpu.barrier barrier_id(%barrier3A)
    %mul3A_1 = arith.constant 2 : i32
    %mul3A_2 = arith.muli %arg1, %mul3A_1 : i32
    %add3A = arith.addi %mul3A_2, %arg0 : i32
    %mul3A_3 = arith.constant 80 : i32
    %mul3A_4 = arith.muli %add3A, %mul3A_3 : i32
    "tpu.region"() ({
      %run_scoped3A = tpu.sem_alloc : memref<!tpu.dma_semaphore, #tpu.memory_space<semaphore_mem>>
      %dma_start3A_22 = arith.constant 0 : i32
      %dma_start3A_23 = arith.constant 0 : i32
      %dma_start3A_24 = tpu.memref_slice %arg3[%mul3A_4, %dma_start3A_22, %dma_start3A_23] : memref<2560x2x128xi32, #tpu.memory_space<hbm>> -> memref<1x2x128xi32, #tpu.memory_space<hbm>>
      %dma_start3A_25 = arith.constant 0 : i32
      %dma_start3A_26 = arith.constant 0 : i32
      %dma_start3A_27 = tpu.memref_slice %arg3[%mul3A_4, %dma_start3A_25, %dma_start3A_26] : memref<2560x2x128xi32, #tpu.memory_space<hbm>> -> memref<1x2x128xi32, #tpu.memory_space<hbm>>
      tpu.enqueue_dma source(%dma_start3A_27 : memref<1x2x128xi32, #tpu.memory_space<hbm>>) target(%arg6 : memref<1x2x128xi32, #tpu.memory_space<vmem>>) target_semaphore(%run_scoped3A : memref<!tpu.dma_semaphore, #tpu.memory_space<semaphore_mem>>)
      %dma_wait3A = arith.constant 0 : i32
      %dma_wait3A_28 = arith.constant 0 : i32
      %dma_wait3A_29 = tpu.memref_slice %arg3[%mul3A_4, %dma_wait3A, %dma_wait3A_28] : memref<2560x2x128xi32, #tpu.memory_space<hbm>> -> memref<1x2x128xi32, #tpu.memory_space<hbm>>
      %dma_wait3A_30 = arith.constant 0 : i32
      %dma_wait3A_31 = arith.constant 0 : i32
      %dma_wait3A_32 = tpu.memref_slice %arg3[%mul3A_4, %dma_wait3A_30, %dma_wait3A_31] : memref<2560x2x128xi32, #tpu.memory_space<hbm>> -> memref<1x2x128xi32, #tpu.memory_space<hbm>>
      tpu.wait_dma2 semaphore(%run_scoped3A : memref<!tpu.dma_semaphore, #tpu.memory_space<semaphore_mem>>) src(%dma_wait3A_32 : memref<1x2x128xi32, #tpu.memory_space<hbm>>) dst(%arg6 : memref<1x2x128xi32, #tpu.memory_space<vmem>>)
      tpu.yield
    }) : () -> ()
    %dma_start3A = arith.constant 0 : i32
    %dma_start3A_5 = arith.constant 0 : i32
    %dma_start3A_6 = arith.constant 0 : i32
    %dma_start3A_7 = tpu.memref_slice %arg6[%dma_start3A, %dma_start3A_5, %dma_start3A_6] : memref<1x2x128xi32, #tpu.memory_space<vmem>> -> memref<1x1x128xi32, #tpu.memory_space<vmem>>
    %dma_start3A_8 = tpu.memref_squeeze %dma_start3A_7 : memref<1x1x128xi32, #tpu.memory_space<vmem>> -> memref<128xi32, #tpu.memory_space<vmem>>
    %dma_start3A_9 = arith.constant 0 : i32
    %dma_start3A_10 = arith.constant 0 : i32
    %dma_start3A_11 = tpu.memref_slice %arg2[%dma_start3A_9, %dma_start3A_10] : memref<10000x128xf32, #tpu.memory_space<hbm>> -> memref<10000x128xf32, #tpu.memory_space<hbm>>
    tpu.enqueue_indirect_dma source(%dma_start3A_11 : memref<10000x128xf32, #tpu.memory_space<hbm>>) target(%arg8 : memref<128x128xf32, #tpu.memory_space<vmem>>) offsets(%dma_start3A_8 : memref<128xi32, #tpu.memory_space<vmem>>) semaphore(%arg11 : memref<!tpu.dma_semaphore, #tpu.memory_space<semaphore_mem>>)
    %scan3A = arith.constant 0 : i32
    %scan3A_12 = arith.constant 0 : i32
    %scan3A_13 = arith.constant 40 : i32
    %scan3A_14 = arith.addi %scan3A_12, %scan3A_13 : i32
    %scan3A_15 = arith.constant 1 : i32
    scf.for %scan3A_22 = %scan3A_12 to %scan3A_14 step %scan3A_15  : i32 {
      %mul3A_23 = arith.constant 2 : i32
      %mul3A_24 = arith.muli %mul3A_23, %scan3A_22 : i32
      %add3A_25 = arith.addi %mul3A_4, %mul3A_24 : i32
      %add3A_26 = arith.constant 1 : i32
      %add3A_27 = arith.addi %add3A_25, %add3A_26 : i32
      "tpu.region"() ({
        %run_scoped3A_58 = tpu.sem_alloc : memref<!tpu.dma_semaphore, #tpu.memory_space<semaphore_mem>>
        %dma_start3A_59 = arith.constant 0 : i32
        %dma_start3A_60 = arith.constant 0 : i32
        %dma_start3A_61 = tpu.memref_slice %arg3[%add3A_27, %dma_start3A_59, %dma_start3A_60] : memref<2560x2x128xi32, #tpu.memory_space<hbm>> -> memref<1x2x128xi32, #tpu.memory_space<hbm>>
        %dma_start3A_62 = arith.constant 0 : i32
        %dma_start3A_63 = arith.constant 0 : i32
        %dma_start3A_64 = tpu.memref_slice %arg3[%add3A_27, %dma_start3A_62, %dma_start3A_63] : memref<2560x2x128xi32, #tpu.memory_space<hbm>> -> memref<1x2x128xi32, #tpu.memory_space<hbm>>
        tpu.enqueue_dma source(%dma_start3A_64 : memref<1x2x128xi32, #tpu.memory_space<hbm>>) target(%arg7 : memref<1x2x128xi32, #tpu.memory_space<vmem>>) target_semaphore(%run_scoped3A_58 : memref<!tpu.dma_semaphore, #tpu.memory_space<semaphore_mem>>)
        %dma_wait3A_65 = arith.constant 0 : i32
        %dma_wait3A_66 = arith.constant 0 : i32
        %dma_wait3A_67 = tpu.memref_slice %arg3[%add3A_27, %dma_wait3A_65, %dma_wait3A_66] : memref<2560x2x128xi32, #tpu.memory_space<hbm>> -> memref<1x2x128xi32, #tpu.memory_space<hbm>>
        %dma_wait3A_68 = arith.constant 0 : i32
        %dma_wait3A_69 = arith.constant 0 : i32
        %dma_wait3A_70 = tpu.memref_slice %arg3[%add3A_27, %dma_wait3A_68, %dma_wait3A_69] : memref<2560x2x128xi32, #tpu.memory_space<hbm>> -> memref<1x2x128xi32, #tpu.memory_space<hbm>>
        tpu.wait_dma2 semaphore(%run_scoped3A_58 : memref<!tpu.dma_semaphore, #tpu.memory_space<semaphore_mem>>) src(%dma_wait3A_70 : memref<1x2x128xi32, #tpu.memory_space<hbm>>) dst(%arg7 : memref<1x2x128xi32, #tpu.memory_space<vmem>>)
        tpu.yield
      }) : () -> ()
      %dma_start3A_28 = arith.constant 0 : i32
      %dma_start3A_29 = arith.constant 0 : i32
      %dma_start3A_30 = arith.constant 0 : i32
      %dma_start3A_31 = tpu.memref_slice %arg7[%dma_start3A_28, %dma_start3A_29, %dma_start3A_30] : memref<1x2x128xi32, #tpu.memory_space<vmem>> -> memref<1x1x128xi32, #tpu.memory_space<vmem>>
      %dma_start3A_32 = tpu.memref_squeeze %dma_start3A_31 : memref<1x1x128xi32, #tpu.memory_space<vmem>> -> memref<128xi32, #tpu.memory_space<vmem>>
      %dma_start3A_33 = arith.constant 0 : i32
      %dma_start3A_34 = arith.constant 0 : i32
      %dma_start3A_35 = tpu.memref_slice %arg2[%dma_start3A_33, %dma_start3A_34] : memref<10000x128xf32, #tpu.memory_space<hbm>> -> memref<10000x128xf32, #tpu.memory_space<hbm>>
      tpu.enqueue_indirect_dma source(%dma_start3A_35 : memref<10000x128xf32, #tpu.memory_space<hbm>>) target(%arg9 : memref<128x128xf32, #tpu.memory_space<vmem>>) offsets(%dma_start3A_32 : memref<128xi32, #tpu.memory_space<vmem>>) semaphore(%arg12 : memref<!tpu.dma_semaphore, #tpu.memory_space<semaphore_mem>>)
      %dma_wait3A = arith.constant 0 : i32
      %dma_wait3A_36 = arith.constant 0 : i32
      %dma_wait3A_37 = arith.constant 0 : i32
      %dma_wait3A_38 = tpu.memref_slice %arg6[%dma_wait3A, %dma_wait3A_36, %dma_wait3A_37] : memref<1x2x128xi32, #tpu.memory_space<vmem>> -> memref<1x1x128xi32, #tpu.memory_space<vmem>>
      %dma_wait3A_39 = tpu.memref_squeeze %dma_wait3A_38 : memref<1x1x128xi32, #tpu.memory_space<vmem>> -> memref<128xi32, #tpu.memory_space<vmem>>
      %dma_wait3A_40 = arith.constant 0 : i32
      %dma_wait3A_41 = arith.constant 0 : i32
      %dma_wait3A_42 = tpu.memref_slice %arg2[%dma_wait3A_40, %dma_wait3A_41] : memref<10000x128xf32, #tpu.memory_space<hbm>> -> memref<10000x128xf32, #tpu.memory_space<hbm>>
      tpu.wait_indirect_dma semaphore(%arg11 : memref<!tpu.dma_semaphore, #tpu.memory_space<semaphore_mem>>) src(%dma_wait3A_42 : memref<10000x128xf32, #tpu.memory_space<hbm>>) dst(%arg8 : memref<128x128xf32, #tpu.memory_space<vmem>>)
      %run_scoped3A = arith.constant 0 : i32
      %run_scoped3A_43 = arith.constant 1 : i32
      "tpu.region"() ({
        %run_scoped3A_58 = tpu.sem_alloc : memref<!tpu.dma_semaphore, #tpu.memory_space<semaphore_mem>>
        %dma_start3A_59 = arith.constant 0 : i32
        %dma_start3A_60 = tpu.memref_slice %arg6[%run_scoped3A, %run_scoped3A_43, %dma_start3A_59] : memref<1x2x128xi32, #tpu.memory_space<vmem>> -> memref<1x1x128xi32, #tpu.memory_space<vmem>>
        %dma_start3A_61 = tpu.memref_squeeze %dma_start3A_60 : memref<1x1x128xi32, #tpu.memory_space<vmem>> -> memref<128xi32, #tpu.memory_space<vmem>>
        %dma_start3A_62 = arith.constant 0 : i32
        %dma_start3A_63 = arith.constant 0 : i32
        %dma_start3A_64 = tpu.memref_slice %arg10[%dma_start3A_62, %dma_start3A_63] : memref<10112x128xf32, #tpu.memory_space<vmem_shared>> -> memref<10112x128xf32, #tpu.memory_space<vmem_shared>>
        tpu.enqueue_indirect_dma source(%arg8 : memref<128x128xf32, #tpu.memory_space<vmem>>) target(%dma_start3A_64 : memref<10112x128xf32, #tpu.memory_space<vmem_shared>>) offsets(%dma_start3A_61 : memref<128xi32, #tpu.memory_space<vmem>>) semaphore(%run_scoped3A_58 : memref<!tpu.dma_semaphore, #tpu.memory_space<semaphore_mem>>) {add = true}
        %dma_wait3A_65 = arith.constant 0 : i32
        %dma_wait3A_66 = tpu.memref_slice %arg6[%run_scoped3A, %run_scoped3A_43, %dma_wait3A_65] : memref<1x2x128xi32, #tpu.memory_space<vmem>> -> memref<1x1x128xi32, #tpu.memory_space<vmem>>
        %dma_wait3A_67 = tpu.memref_squeeze %dma_wait3A_66 : memref<1x1x128xi32, #tpu.memory_space<vmem>> -> memref<128xi32, #tpu.memory_space<vmem>>
        %dma_wait3A_68 = arith.constant 0 : i32
        %dma_wait3A_69 = arith.constant 0 : i32
        %dma_wait3A_70 = tpu.memref_slice %arg10[%dma_wait3A_68, %dma_wait3A_69] : memref<10112x128xf32, #tpu.memory_space<vmem_shared>> -> memref<10112x128xf32, #tpu.memory_space<vmem_shared>>
        tpu.wait_indirect_dma semaphore(%run_scoped3A_58 : memref<!tpu.dma_semaphore, #tpu.memory_space<semaphore_mem>>) src(%arg8 : memref<128x128xf32, #tpu.memory_space<vmem>>) dst(%dma_wait3A_70 : memref<10112x128xf32, #tpu.memory_space<vmem_shared>>)
        tpu.yield
      }) : () -> ()
      %add3A_44 = arith.constant 1 : i32
      %add3A_45 = arith.addi %scan3A_22, %add3A_44 : i32
      %lt3A = arith.constant 40 : i32
      %lt3A_46 = arith.cmpi slt, %add3A_45, %lt3A : i32
      %convert_element_type3A = arith.extui %lt3A_46 : i1 to i32
      %cond3A = arith.constant 0 : i32
      %cond3A_47 = arith.cmpi ne, %convert_element_type3A, %cond3A : i32
      scf.if %cond3A_47 {
        %mul3A_58 = arith.constant 2 : i32
        %mul3A_59 = arith.muli %mul3A_58, %scan3A_22 : i32
        %add3A_60 = arith.addi %mul3A_4, %mul3A_59 : i32
        %add3A_61 = arith.constant 2 : i32
        %add3A_62 = arith.addi %add3A_60, %add3A_61 : i32
        "tpu.region"() ({
          %run_scoped3A_71 = tpu.sem_alloc : memref<!tpu.dma_semaphore, #tpu.memory_space<semaphore_mem>>
          %dma_start3A_72 = arith.constant 0 : i32
          %dma_start3A_73 = arith.constant 0 : i32
          %dma_start3A_74 = tpu.memref_slice %arg3[%add3A_62, %dma_start3A_72, %dma_start3A_73] : memref<2560x2x128xi32, #tpu.memory_space<hbm>> -> memref<1x2x128xi32, #tpu.memory_space<hbm>>
          %dma_start3A_75 = arith.constant 0 : i32
          %dma_start3A_76 = arith.constant 0 : i32
          %dma_start3A_77 = tpu.memref_slice %arg3[%add3A_62, %dma_start3A_75, %dma_start3A_76] : memref<2560x2x128xi32, #tpu.memory_space<hbm>> -> memref<1x2x128xi32, #tpu.memory_space<hbm>>
          tpu.enqueue_dma source(%dma_start3A_77 : memref<1x2x128xi32, #tpu.memory_space<hbm>>) target(%arg6 : memref<1x2x128xi32, #tpu.memory_space<vmem>>) target_semaphore(%run_scoped3A_71 : memref<!tpu.dma_semaphore, #tpu.memory_space<semaphore_mem>>)
          %dma_wait3A_78 = arith.constant 0 : i32
          %dma_wait3A_79 = arith.constant 0 : i32
          %dma_wait3A_80 = tpu.memref_slice %arg3[%add3A_62, %dma_wait3A_78, %dma_wait3A_79] : memref<2560x2x128xi32, #tpu.memory_space<hbm>> -> memref<1x2x128xi32, #tpu.memory_space<hbm>>
          %dma_wait3A_81 = arith.constant 0 : i32
          %dma_wait3A_82 = arith.constant 0 : i32
          %dma_wait3A_83 = tpu.memref_slice %arg3[%add3A_62, %dma_wait3A_81, %dma_wait3A_82] : memref<2560x2x128xi32, #tpu.memory_space<hbm>> -> memref<1x2x128xi32, #tpu.memory_space<hbm>>
          tpu.wait_dma2 semaphore(%run_scoped3A_71 : memref<!tpu.dma_semaphore, #tpu.memory_space<semaphore_mem>>) src(%dma_wait3A_83 : memref<1x2x128xi32, #tpu.memory_space<hbm>>) dst(%arg6 : memref<1x2x128xi32, #tpu.memory_space<vmem>>)
          tpu.yield
        }) : () -> ()
        %dma_start3A_63 = arith.constant 0 : i32
        %dma_start3A_64 = arith.constant 0 : i32
        %dma_start3A_65 = arith.constant 0 : i32
        %dma_start3A_66 = tpu.memref_slice %arg6[%dma_start3A_63, %dma_start3A_64, %dma_start3A_65] : memref<1x2x128xi32, #tpu.memory_space<vmem>> -> memref<1x1x128xi32, #tpu.memory_space<vmem>>
        %dma_start3A_67 = tpu.memref_squeeze %dma_start3A_66 : memref<1x1x128xi32, #tpu.memory_space<vmem>> -> memref<128xi32, #tpu.memory_space<vmem>>
        %dma_start3A_68 = arith.constant 0 : i32
        %dma_start3A_69 = arith.constant 0 : i32
        %dma_start3A_70 = tpu.memref_slice %arg2[%dma_start3A_68, %dma_start3A_69] : memref<10000x128xf32, #tpu.memory_space<hbm>> -> memref<10000x128xf32, #tpu.memory_space<hbm>>
        tpu.enqueue_indirect_dma source(%dma_start3A_70 : memref<10000x128xf32, #tpu.memory_space<hbm>>) target(%arg8 : memref<128x128xf32, #tpu.memory_space<vmem>>) offsets(%dma_start3A_67 : memref<128xi32, #tpu.memory_space<vmem>>) semaphore(%arg11 : memref<!tpu.dma_semaphore, #tpu.memory_space<semaphore_mem>>)
      } else {
      }
      %dma_wait3A_48 = arith.constant 0 : i32
      %dma_wait3A_49 = arith.constant 0 : i32
      %dma_wait3A_50 = arith.constant 0 : i32
      %dma_wait3A_51 = tpu.memref_slice %arg7[%dma_wait3A_48, %dma_wait3A_49, %dma_wait3A_50] : memref<1x2x128xi32, #tpu.memory_space<vmem>> -> memref<1x1x128xi32, #tpu.memory_space<vmem>>
      %dma_wait3A_52 = tpu.memref_squeeze %dma_wait3A_51 : memref<1x1x128xi32, #tpu.memory_space<vmem>> -> memref<128xi32, #tpu.memory_space<vmem>>
      %dma_wait3A_53 = arith.constant 0 : i32
      %dma_wait3A_54 = arith.constant 0 : i32
      %dma_wait3A_55 = tpu.memref_slice %arg2[%dma_wait3A_53, %dma_wait3A_54] : memref<10000x128xf32, #tpu.memory_space<hbm>> -> memref<10000x128xf32, #tpu.memory_space<hbm>>
      tpu.wait_indirect_dma semaphore(%arg12 : memref<!tpu.dma_semaphore, #tpu.memory_space<semaphore_mem>>) src(%dma_wait3A_55 : memref<10000x128xf32, #tpu.memory_space<hbm>>) dst(%arg9 : memref<128x128xf32, #tpu.memory_space<vmem>>)
      %run_scoped3A_56 = arith.constant 0 : i32
      %run_scoped3A_57 = arith.constant 1 : i32
      "tpu.region"() ({
        %run_scoped3A_58 = tpu.sem_alloc : memref<!tpu.dma_semaphore, #tpu.memory_space<semaphore_mem>>
        %dma_start3A_59 = arith.constant 0 : i32
        %dma_start3A_60 = tpu.memref_slice %arg7[%run_scoped3A_56, %run_scoped3A_57, %dma_start3A_59] : memref<1x2x128xi32, #tpu.memory_space<vmem>> -> memref<1x1x128xi32, #tpu.memory_space<vmem>>
        %dma_start3A_61 = tpu.memref_squeeze %dma_start3A_60 : memref<1x1x128xi32, #tpu.memory_space<vmem>> -> memref<128xi32, #tpu.memory_space<vmem>>
        %dma_start3A_62 = arith.constant 0 : i32
        %dma_start3A_63 = arith.constant 0 : i32
        %dma_start3A_64 = tpu.memref_slice %arg10[%dma_start3A_62, %dma_start3A_63] : memref<10112x128xf32, #tpu.memory_space<vmem_shared>> -> memref<10112x128xf32, #tpu.memory_space<vmem_shared>>
        tpu.enqueue_indirect_dma source(%arg9 : memref<128x128xf32, #tpu.memory_space<vmem>>) target(%dma_start3A_64 : memref<10112x128xf32, #tpu.memory_space<vmem_shared>>) offsets(%dma_start3A_61 : memref<128xi32, #tpu.memory_space<vmem>>) semaphore(%run_scoped3A_58 : memref<!tpu.dma_semaphore, #tpu.memory_space<semaphore_mem>>) {add = true}
        %dma_wait3A_65 = arith.constant 0 : i32
        %dma_wait3A_66 = tpu.memref_slice %arg7[%run_scoped3A_56, %run_scoped3A_57, %dma_wait3A_65] : memref<1x2x128xi32, #tpu.memory_space<vmem>> -> memref<1x1x128xi32, #tpu.memory_space<vmem>>
        %dma_wait3A_67 = tpu.memref_squeeze %dma_wait3A_66 : memref<1x1x128xi32, #tpu.memory_space<vmem>> -> memref<128xi32, #tpu.memory_space<vmem>>
        %dma_wait3A_68 = arith.constant 0 : i32
        %dma_wait3A_69 = arith.constant 0 : i32
        %dma_wait3A_70 = tpu.memref_slice %arg10[%dma_wait3A_68, %dma_wait3A_69] : memref<10112x128xf32, #tpu.memory_space<vmem_shared>> -> memref<10112x128xf32, #tpu.memory_space<vmem_shared>>
        tpu.wait_indirect_dma semaphore(%run_scoped3A_58 : memref<!tpu.dma_semaphore, #tpu.memory_space<semaphore_mem>>) src(%arg9 : memref<128x128xf32, #tpu.memory_space<vmem>>) dst(%dma_wait3A_70 : memref<10112x128xf32, #tpu.memory_space<vmem_shared>>)
        tpu.yield
      }) : () -> ()
    }
    %scan3A_16 = arith.constant 40 : i32
    %barrier3A_17 = arith.constant 0 : index
    tpu.barrier barrier_id(%barrier3A_17)
    %mul3A_18 = arith.constant 632 : i32
    %mul3A_19 = arith.muli %arg1, %mul3A_18 : i32
    %mul3A_20 = arith.constant 632 : i32
    %mul3A_21 = arith.muli %arg1, %mul3A_20 : i32
    "tpu.region"() ({
      %run_scoped3A = tpu.sem_alloc : memref<!tpu.dma_semaphore, #tpu.memory_space<semaphore_mem>>
      %dma_start3A_22 = arith.constant 0 : i32
      %dma_start3A_23 = arith.constant 0 : i32
      %dma_start3A_24 = tpu.memref_slice %arg5[%arg0, %dma_start3A_22, %dma_start3A_23] : memref<2x10112x128xf32, #tpu.memory_space<hbm>> -> memref<1x10112x128xf32, #tpu.memory_space<hbm>>
      %dma_start3A_25 = tpu.memref_squeeze %dma_start3A_24 : memref<1x10112x128xf32, #tpu.memory_space<hbm>> -> memref<10112x128xf32, #tpu.memory_space<hbm>>
      %dma_start3A_26 = arith.constant 0 : i32
      %dma_start3A_27 = tpu.memref_slice %dma_start3A_25[%mul3A_21, %dma_start3A_26] : memref<10112x128xf32, #tpu.memory_space<hbm>> -> memref<632x128xf32, #tpu.memory_space<hbm>>
      %dma_start3A_28 = arith.constant 0 : i32
      %dma_start3A_29 = tpu.memref_slice %arg10[%mul3A_19, %dma_start3A_28] : memref<10112x128xf32, #tpu.memory_space<vmem_shared>> -> memref<632x128xf32, #tpu.memory_space<vmem_shared>>
      tpu.enqueue_dma source(%dma_start3A_29 : memref<632x128xf32, #tpu.memory_space<vmem_shared>>) target(%dma_start3A_27 : memref<632x128xf32, #tpu.memory_space<hbm>>) target_semaphore(%run_scoped3A : memref<!tpu.dma_semaphore, #tpu.memory_space<semaphore_mem>>)
      %dma_wait3A = arith.constant 0 : i32
      %dma_wait3A_30 = arith.constant 0 : i32
      %dma_wait3A_31 = tpu.memref_slice %arg5[%arg0, %dma_wait3A, %dma_wait3A_30] : memref<2x10112x128xf32, #tpu.memory_space<hbm>> -> memref<1x10112x128xf32, #tpu.memory_space<hbm>>
      %dma_wait3A_32 = tpu.memref_squeeze %dma_wait3A_31 : memref<1x10112x128xf32, #tpu.memory_space<hbm>> -> memref<10112x128xf32, #tpu.memory_space<hbm>>
      %dma_wait3A_33 = arith.constant 0 : i32
      %dma_wait3A_34 = tpu.memref_slice %dma_wait3A_32[%mul3A_21, %dma_wait3A_33] : memref<10112x128xf32, #tpu.memory_space<hbm>> -> memref<632x128xf32, #tpu.memory_space<hbm>>
      %dma_wait3A_35 = arith.constant 0 : i32
      %dma_wait3A_36 = tpu.memref_slice %arg10[%mul3A_19, %dma_wait3A_35] : memref<10112x128xf32, #tpu.memory_space<vmem_shared>> -> memref<632x128xf32, #tpu.memory_space<vmem_shared>>
      tpu.wait_dma2 semaphore(%run_scoped3A : memref<!tpu.dma_semaphore, #tpu.memory_space<semaphore_mem>>) src(%dma_wait3A_36 : memref<632x128xf32, #tpu.memory_space<vmem_shared>>) dst(%dma_wait3A_34 : memref<632x128xf32, #tpu.memory_space<hbm>>)
      tpu.yield
    }) : () -> ()
    return
  }
}

#map = affine_map<(d0, d1) -> (0, 0)>
#map1 = affine_map<(d0, d1) -> (0, 0, 0)>
module attributes {stable_mosaic.version = 14 : i64} {
  func.func @_segsum_body(%arg0: i32, %arg1: i32, %arg2: memref<10000x128xf32, #tpu.memory_space<hbm>>, %arg3: memref<2560x2x128xi32, #tpu.memory_space<hbm>>, %arg4: memref<632x128xf32, #tpu.memory_space<hbm>>, %arg5: memref<2x10112x128xf32, #tpu.memory_space<hbm>>, %arg6: memref<1x2x128xi32, #tpu.memory_space<vmem>>, %arg7: memref<1x2x128xi32, #tpu.memory_space<vmem>>, %arg8: memref<128x128xf32, #tpu.memory_space<vmem>>, %arg9: memref<128x128xf32, #tpu.memory_space<vmem>>, %arg10: memref<10112x128xf32, #tpu.memory_space<vmem_shared>>, %arg11: memref<!tpu.dma_semaphore, #tpu.memory_space<semaphore_mem>>, %arg12: memref<!tpu.dma_semaphore, #tpu.memory_space<semaphore_mem>>) attributes {dimension_semantics = [#tpu.dimension_semantics<core_parallel>, #tpu.dimension_semantics<subcore_parallel>], iteration_bounds = array<i64: 2, 16>, scalar_prefetch = 0 : i64, scratch_operands = 7 : i64, tpu.core_type = #tpu.core_type<sc_vector_subcore>, window_params = [{transform_indices = #map}, {transform_indices = #map1}, {transform_indices = #map}, {transform_indices = #map1}]} {
    %mul3A = arith.constant 632 : i32
    %mul3A_0 = arith.muli %arg1, %mul3A : i32
    "tpu.region"() ({
      %run_scoped3A = tpu.sem_alloc : memref<!tpu.dma_semaphore, #tpu.memory_space<semaphore_mem>>
      %dma_start3A_22 = arith.constant 0 : i32
      %dma_start3A_23 = tpu.memref_slice %arg10[%mul3A_0, %dma_start3A_22] : memref<10112x128xf32, #tpu.memory_space<vmem_shared>> -> memref<632x128xf32, #tpu.memory_space<vmem_shared>>
      tpu.enqueue_dma source(%arg4 : memref<632x128xf32, #tpu.memory_space<hbm>>) target(%dma_start3A_23 : memref<632x128xf32, #tpu.memory_space<vmem_shared>>) target_semaphore(%run_scoped3A : memref<!tpu.dma_semaphore, #tpu.memory_space<semaphore_mem>>)
      %dma_wait3A = arith.constant 0 : i32
      %dma_wait3A_24 = tpu.memref_slice %arg10[%mul3A_0, %dma_wait3A] : memref<10112x128xf32, #tpu.memory_space<vmem_shared>> -> memref<632x128xf32, #tpu.memory_space<vmem_shared>>
      tpu.wait_dma2 semaphore(%run_scoped3A : memref<!tpu.dma_semaphore, #tpu.memory_space<semaphore_mem>>) src(%arg4 : memref<632x128xf32, #tpu.memory_space<hbm>>) dst(%dma_wait3A_24 : memref<632x128xf32, #tpu.memory_space<vmem_shared>>)
      tpu.yield
    }) : () -> ()
    %barrier3A = arith.constant 0 : index
    tpu.barrier barrier_id(%barrier3A)
    %mul3A_1 = arith.constant 2 : i32
    %mul3A_2 = arith.muli %arg1, %mul3A_1 : i32
    %add3A = arith.addi %mul3A_2, %arg0 : i32
    %mul3A_3 = arith.constant 80 : i32
    %mul3A_4 = arith.muli %add3A, %mul3A_3 : i32
    "tpu.region"() ({
      %run_scoped3A = tpu.sem_alloc : memref<!tpu.dma_semaphore, #tpu.memory_space<semaphore_mem>>
      %dma_start3A_22 = arith.constant 0 : i32
      %dma_start3A_23 = arith.constant 0 : i32
      %dma_start3A_24 = tpu.memref_slice %arg3[%mul3A_4, %dma_start3A_22, %dma_start3A_23] : memref<2560x2x128xi32, #tpu.memory_space<hbm>> -> memref<1x2x128xi32, #tpu.memory_space<hbm>>
      %dma_start3A_25 = arith.constant 0 : i32
      %dma_start3A_26 = arith.constant 0 : i32
      %dma_start3A_27 = tpu.memref_slice %arg3[%mul3A_4, %dma_start3A_25, %dma_start3A_26] : memref<2560x2x128xi32, #tpu.memory_space<hbm>> -> memref<1x2x128xi32, #tpu.memory_space<hbm>>
      tpu.enqueue_dma source(%dma_start3A_27 : memref<1x2x128xi32, #tpu.memory_space<hbm>>) target(%arg6 : memref<1x2x128xi32, #tpu.memory_space<vmem>>) target_semaphore(%run_scoped3A : memref<!tpu.dma_semaphore, #tpu.memory_space<semaphore_mem>>)
      %dma_wait3A = arith.constant 0 : i32
      %dma_wait3A_28 = arith.constant 0 : i32
      %dma_wait3A_29 = tpu.memref_slice %arg3[%mul3A_4, %dma_wait3A, %dma_wait3A_28] : memref<2560x2x128xi32, #tpu.memory_space<hbm>> -> memref<1x2x128xi32, #tpu.memory_space<hbm>>
      %dma_wait3A_30 = arith.constant 0 : i32
      %dma_wait3A_31 = arith.constant 0 : i32
      %dma_wait3A_32 = tpu.memref_slice %arg3[%mul3A_4, %dma_wait3A_30, %dma_wait3A_31] : memref<2560x2x128xi32, #tpu.memory_space<hbm>> -> memref<1x2x128xi32, #tpu.memory_space<hbm>>
      tpu.wait_dma2 semaphore(%run_scoped3A : memref<!tpu.dma_semaphore, #tpu.memory_space<semaphore_mem>>) src(%dma_wait3A_32 : memref<1x2x128xi32, #tpu.memory_space<hbm>>) dst(%arg6 : memref<1x2x128xi32, #tpu.memory_space<vmem>>)
      tpu.yield
    }) : () -> ()
    %dma_start3A = arith.constant 0 : i32
    %dma_start3A_5 = arith.constant 0 : i32
    %dma_start3A_6 = arith.constant 0 : i32
    %dma_start3A_7 = tpu.memref_slice %arg6[%dma_start3A, %dma_start3A_5, %dma_start3A_6] : memref<1x2x128xi32, #tpu.memory_space<vmem>> -> memref<1x1x128xi32, #tpu.memory_space<vmem>>
    %dma_start3A_8 = tpu.memref_squeeze %dma_start3A_7 : memref<1x1x128xi32, #tpu.memory_space<vmem>> -> memref<128xi32, #tpu.memory_space<vmem>>
    %dma_start3A_9 = arith.constant 0 : i32
    %dma_start3A_10 = arith.constant 0 : i32
    %dma_start3A_11 = tpu.memref_slice %arg2[%dma_start3A_9, %dma_start3A_10] : memref<10000x128xf32, #tpu.memory_space<hbm>> -> memref<10000x128xf32, #tpu.memory_space<hbm>>
    tpu.enqueue_indirect_dma source(%dma_start3A_11 : memref<10000x128xf32, #tpu.memory_space<hbm>>) target(%arg8 : memref<128x128xf32, #tpu.memory_space<vmem>>) offsets(%dma_start3A_8 : memref<128xi32, #tpu.memory_space<vmem>>) semaphore(%arg11 : memref<!tpu.dma_semaphore, #tpu.memory_space<semaphore_mem>>)
    %scan3A = arith.constant 0 : i32
    %scan3A_12 = arith.constant 0 : i32
    %scan3A_13 = arith.constant 40 : i32
    %scan3A_14 = arith.addi %scan3A_12, %scan3A_13 : i32
    %scan3A_15 = arith.constant 1 : i32
    scf.for %scan3A_22 = %scan3A_12 to %scan3A_14 step %scan3A_15  : i32 {
      %mul3A_23 = arith.constant 2 : i32
      %mul3A_24 = arith.muli %mul3A_23, %scan3A_22 : i32
      %add3A_25 = arith.addi %mul3A_4, %mul3A_24 : i32
      %add3A_26 = arith.constant 1 : i32
      %add3A_27 = arith.addi %add3A_25, %add3A_26 : i32
      "tpu.region"() ({
        %run_scoped3A_58 = tpu.sem_alloc : memref<!tpu.dma_semaphore, #tpu.memory_space<semaphore_mem>>
        %dma_start3A_59 = arith.constant 0 : i32
        %dma_start3A_60 = arith.constant 0 : i32
        %dma_start3A_61 = tpu.memref_slice %arg3[%add3A_27, %dma_start3A_59, %dma_start3A_60] : memref<2560x2x128xi32, #tpu.memory_space<hbm>> -> memref<1x2x128xi32, #tpu.memory_space<hbm>>
        %dma_start3A_62 = arith.constant 0 : i32
        %dma_start3A_63 = arith.constant 0 : i32
        %dma_start3A_64 = tpu.memref_slice %arg3[%add3A_27, %dma_start3A_62, %dma_start3A_63] : memref<2560x2x128xi32, #tpu.memory_space<hbm>> -> memref<1x2x128xi32, #tpu.memory_space<hbm>>
        tpu.enqueue_dma source(%dma_start3A_64 : memref<1x2x128xi32, #tpu.memory_space<hbm>>) target(%arg7 : memref<1x2x128xi32, #tpu.memory_space<vmem>>) target_semaphore(%run_scoped3A_58 : memref<!tpu.dma_semaphore, #tpu.memory_space<semaphore_mem>>)
        %dma_wait3A_65 = arith.constant 0 : i32
        %dma_wait3A_66 = arith.constant 0 : i32
        %dma_wait3A_67 = tpu.memref_slice %arg3[%add3A_27, %dma_wait3A_65, %dma_wait3A_66] : memref<2560x2x128xi32, #tpu.memory_space<hbm>> -> memref<1x2x128xi32, #tpu.memory_space<hbm>>
        %dma_wait3A_68 = arith.constant 0 : i32
        %dma_wait3A_69 = arith.constant 0 : i32
        %dma_wait3A_70 = tpu.memref_slice %arg3[%add3A_27, %dma_wait3A_68, %dma_wait3A_69] : memref<2560x2x128xi32, #tpu.memory_space<hbm>> -> memref<1x2x128xi32, #tpu.memory_space<hbm>>
        tpu.wait_dma2 semaphore(%run_scoped3A_58 : memref<!tpu.dma_semaphore, #tpu.memory_space<semaphore_mem>>) src(%dma_wait3A_70 : memref<1x2x128xi32, #tpu.memory_space<hbm>>) dst(%arg7 : memref<1x2x128xi32, #tpu.memory_space<vmem>>)
        tpu.yield
      }) : () -> ()
      %dma_start3A_28 = arith.constant 0 : i32
      %dma_start3A_29 = arith.constant 0 : i32
      %dma_start3A_30 = arith.constant 0 : i32
      %dma_start3A_31 = tpu.memref_slice %arg7[%dma_start3A_28, %dma_start3A_29, %dma_start3A_30] : memref<1x2x128xi32, #tpu.memory_space<vmem>> -> memref<1x1x128xi32, #tpu.memory_space<vmem>>
      %dma_start3A_32 = tpu.memref_squeeze %dma_start3A_31 : memref<1x1x128xi32, #tpu.memory_space<vmem>> -> memref<128xi32, #tpu.memory_space<vmem>>
      %dma_start3A_33 = arith.constant 0 : i32
      %dma_start3A_34 = arith.constant 0 : i32
      %dma_start3A_35 = tpu.memref_slice %arg2[%dma_start3A_33, %dma_start3A_34] : memref<10000x128xf32, #tpu.memory_space<hbm>> -> memref<10000x128xf32, #tpu.memory_space<hbm>>
      tpu.enqueue_indirect_dma source(%dma_start3A_35 : memref<10000x128xf32, #tpu.memory_space<hbm>>) target(%arg9 : memref<128x128xf32, #tpu.memory_space<vmem>>) offsets(%dma_start3A_32 : memref<128xi32, #tpu.memory_space<vmem>>) semaphore(%arg12 : memref<!tpu.dma_semaphore, #tpu.memory_space<semaphore_mem>>)
      %dma_wait3A = arith.constant 0 : i32
      %dma_wait3A_36 = arith.constant 0 : i32
      %dma_wait3A_37 = arith.constant 0 : i32
      %dma_wait3A_38 = tpu.memref_slice %arg6[%dma_wait3A, %dma_wait3A_36, %dma_wait3A_37] : memref<1x2x128xi32, #tpu.memory_space<vmem>> -> memref<1x1x128xi32, #tpu.memory_space<vmem>>
      %dma_wait3A_39 = tpu.memref_squeeze %dma_wait3A_38 : memref<1x1x128xi32, #tpu.memory_space<vmem>> -> memref<128xi32, #tpu.memory_space<vmem>>
      %dma_wait3A_40 = arith.constant 0 : i32
      %dma_wait3A_41 = arith.constant 0 : i32
      %dma_wait3A_42 = tpu.memref_slice %arg2[%dma_wait3A_40, %dma_wait3A_41] : memref<10000x128xf32, #tpu.memory_space<hbm>> -> memref<10000x128xf32, #tpu.memory_space<hbm>>
      tpu.wait_indirect_dma semaphore(%arg11 : memref<!tpu.dma_semaphore, #tpu.memory_space<semaphore_mem>>) src(%dma_wait3A_42 : memref<10000x128xf32, #tpu.memory_space<hbm>>) dst(%arg8 : memref<128x128xf32, #tpu.memory_space<vmem>>)
      %run_scoped3A = arith.constant 0 : i32
      %run_scoped3A_43 = arith.constant 1 : i32
      "tpu.region"() ({
        %run_scoped3A_58 = tpu.sem_alloc : memref<!tpu.dma_semaphore, #tpu.memory_space<semaphore_mem>>
        %dma_start3A_59 = arith.constant 0 : i32
        %dma_start3A_60 = tpu.memref_slice %arg6[%run_scoped3A, %run_scoped3A_43, %dma_start3A_59] : memref<1x2x128xi32, #tpu.memory_space<vmem>> -> memref<1x1x128xi32, #tpu.memory_space<vmem>>
        %dma_start3A_61 = tpu.memref_squeeze %dma_start3A_60 : memref<1x1x128xi32, #tpu.memory_space<vmem>> -> memref<128xi32, #tpu.memory_space<vmem>>
        %dma_start3A_62 = arith.constant 0 : i32
        %dma_start3A_63 = arith.constant 0 : i32
        %dma_start3A_64 = tpu.memref_slice %arg10[%dma_start3A_62, %dma_start3A_63] : memref<10112x128xf32, #tpu.memory_space<vmem_shared>> -> memref<10112x128xf32, #tpu.memory_space<vmem_shared>>
        tpu.enqueue_indirect_dma source(%arg8 : memref<128x128xf32, #tpu.memory_space<vmem>>) target(%dma_start3A_64 : memref<10112x128xf32, #tpu.memory_space<vmem_shared>>) offsets(%dma_start3A_61 : memref<128xi32, #tpu.memory_space<vmem>>) semaphore(%run_scoped3A_58 : memref<!tpu.dma_semaphore, #tpu.memory_space<semaphore_mem>>) {add = true}
        %dma_wait3A_65 = arith.constant 0 : i32
        %dma_wait3A_66 = tpu.memref_slice %arg6[%run_scoped3A, %run_scoped3A_43, %dma_wait3A_65] : memref<1x2x128xi32, #tpu.memory_space<vmem>> -> memref<1x1x128xi32, #tpu.memory_space<vmem>>
        %dma_wait3A_67 = tpu.memref_squeeze %dma_wait3A_66 : memref<1x1x128xi32, #tpu.memory_space<vmem>> -> memref<128xi32, #tpu.memory_space<vmem>>
        %dma_wait3A_68 = arith.constant 0 : i32
        %dma_wait3A_69 = arith.constant 0 : i32
        %dma_wait3A_70 = tpu.memref_slice %arg10[%dma_wait3A_68, %dma_wait3A_69] : memref<10112x128xf32, #tpu.memory_space<vmem_shared>> -> memref<10112x128xf32, #tpu.memory_space<vmem_shared>>
        tpu.wait_indirect_dma semaphore(%run_scoped3A_58 : memref<!tpu.dma_semaphore, #tpu.memory_space<semaphore_mem>>) src(%arg8 : memref<128x128xf32, #tpu.memory_space<vmem>>) dst(%dma_wait3A_70 : memref<10112x128xf32, #tpu.memory_space<vmem_shared>>)
        tpu.yield
      }) : () -> ()
      %add3A_44 = arith.constant 1 : i32
      %add3A_45 = arith.addi %scan3A_22, %add3A_44 : i32
      %lt3A = arith.constant 40 : i32
      %lt3A_46 = arith.cmpi slt, %add3A_45, %lt3A : i32
      %convert_element_type3A = arith.extui %lt3A_46 : i1 to i32
      %cond3A = arith.constant 0 : i32
      %cond3A_47 = arith.cmpi ne, %convert_element_type3A, %cond3A : i32
      scf.if %cond3A_47 {
        %mul3A_58 = arith.constant 2 : i32
        %mul3A_59 = arith.muli %mul3A_58, %scan3A_22 : i32
        %add3A_60 = arith.addi %mul3A_4, %mul3A_59 : i32
        %add3A_61 = arith.constant 2 : i32
        %add3A_62 = arith.addi %add3A_60, %add3A_61 : i32
        "tpu.region"() ({
          %run_scoped3A_71 = tpu.sem_alloc : memref<!tpu.dma_semaphore, #tpu.memory_space<semaphore_mem>>
          %dma_start3A_72 = arith.constant 0 : i32
          %dma_start3A_73 = arith.constant 0 : i32
          %dma_start3A_74 = tpu.memref_slice %arg3[%add3A_62, %dma_start3A_72, %dma_start3A_73] : memref<2560x2x128xi32, #tpu.memory_space<hbm>> -> memref<1x2x128xi32, #tpu.memory_space<hbm>>
          %dma_start3A_75 = arith.constant 0 : i32
          %dma_start3A_76 = arith.constant 0 : i32
          %dma_start3A_77 = tpu.memref_slice %arg3[%add3A_62, %dma_start3A_75, %dma_start3A_76] : memref<2560x2x128xi32, #tpu.memory_space<hbm>> -> memref<1x2x128xi32, #tpu.memory_space<hbm>>
          tpu.enqueue_dma source(%dma_start3A_77 : memref<1x2x128xi32, #tpu.memory_space<hbm>>) target(%arg6 : memref<1x2x128xi32, #tpu.memory_space<vmem>>) target_semaphore(%run_scoped3A_71 : memref<!tpu.dma_semaphore, #tpu.memory_space<semaphore_mem>>)
          %dma_wait3A_78 = arith.constant 0 : i32
          %dma_wait3A_79 = arith.constant 0 : i32
          %dma_wait3A_80 = tpu.memref_slice %arg3[%add3A_62, %dma_wait3A_78, %dma_wait3A_79] : memref<2560x2x128xi32, #tpu.memory_space<hbm>> -> memref<1x2x128xi32, #tpu.memory_space<hbm>>
          %dma_wait3A_81 = arith.constant 0 : i32
          %dma_wait3A_82 = arith.constant 0 : i32
          %dma_wait3A_83 = tpu.memref_slice %arg3[%add3A_62, %dma_wait3A_81, %dma_wait3A_82] : memref<2560x2x128xi32, #tpu.memory_space<hbm>> -> memref<1x2x128xi32, #tpu.memory_space<hbm>>
          tpu.wait_dma2 semaphore(%run_scoped3A_71 : memref<!tpu.dma_semaphore, #tpu.memory_space<semaphore_mem>>) src(%dma_wait3A_83 : memref<1x2x128xi32, #tpu.memory_space<hbm>>) dst(%arg6 : memref<1x2x128xi32, #tpu.memory_space<vmem>>)
          tpu.yield
        }) : () -> ()
        %dma_start3A_63 = arith.constant 0 : i32
        %dma_start3A_64 = arith.constant 0 : i32
        %dma_start3A_65 = arith.constant 0 : i32
        %dma_start3A_66 = tpu.memref_slice %arg6[%dma_start3A_63, %dma_start3A_64, %dma_start3A_65] : memref<1x2x128xi32, #tpu.memory_space<vmem>> -> memref<1x1x128xi32, #tpu.memory_space<vmem>>
        %dma_start3A_67 = tpu.memref_squeeze %dma_start3A_66 : memref<1x1x128xi32, #tpu.memory_space<vmem>> -> memref<128xi32, #tpu.memory_space<vmem>>
        %dma_start3A_68 = arith.constant 0 : i32
        %dma_start3A_69 = arith.constant 0 : i32
        %dma_start3A_70 = tpu.memref_slice %arg2[%dma_start3A_68, %dma_start3A_69] : memref<10000x128xf32, #tpu.memory_space<hbm>> -> memref<10000x128xf32, #tpu.memory_space<hbm>>
        tpu.enqueue_indirect_dma source(%dma_start3A_70 : memref<10000x128xf32, #tpu.memory_space<hbm>>) target(%arg8 : memref<128x128xf32, #tpu.memory_space<vmem>>) offsets(%dma_start3A_67 : memref<128xi32, #tpu.memory_space<vmem>>) semaphore(%arg11 : memref<!tpu.dma_semaphore, #tpu.memory_space<semaphore_mem>>)
      } else {
      }
      %dma_wait3A_48 = arith.constant 0 : i32
      %dma_wait3A_49 = arith.constant 0 : i32
      %dma_wait3A_50 = arith.constant 0 : i32
      %dma_wait3A_51 = tpu.memref_slice %arg7[%dma_wait3A_48, %dma_wait3A_49, %dma_wait3A_50] : memref<1x2x128xi32, #tpu.memory_space<vmem>> -> memref<1x1x128xi32, #tpu.memory_space<vmem>>
      %dma_wait3A_52 = tpu.memref_squeeze %dma_wait3A_51 : memref<1x1x128xi32, #tpu.memory_space<vmem>> -> memref<128xi32, #tpu.memory_space<vmem>>
      %dma_wait3A_53 = arith.constant 0 : i32
      %dma_wait3A_54 = arith.constant 0 : i32
      %dma_wait3A_55 = tpu.memref_slice %arg2[%dma_wait3A_53, %dma_wait3A_54] : memref<10000x128xf32, #tpu.memory_space<hbm>> -> memref<10000x128xf32, #tpu.memory_space<hbm>>
      tpu.wait_indirect_dma semaphore(%arg12 : memref<!tpu.dma_semaphore, #tpu.memory_space<semaphore_mem>>) src(%dma_wait3A_55 : memref<10000x128xf32, #tpu.memory_space<hbm>>) dst(%arg9 : memref<128x128xf32, #tpu.memory_space<vmem>>)
      %run_scoped3A_56 = arith.constant 0 : i32
      %run_scoped3A_57 = arith.constant 1 : i32
      "tpu.region"() ({
        %run_scoped3A_58 = tpu.sem_alloc : memref<!tpu.dma_semaphore, #tpu.memory_space<semaphore_mem>>
        %dma_start3A_59 = arith.constant 0 : i32
        %dma_start3A_60 = tpu.memref_slice %arg7[%run_scoped3A_56, %run_scoped3A_57, %dma_start3A_59] : memref<1x2x128xi32, #tpu.memory_space<vmem>> -> memref<1x1x128xi32, #tpu.memory_space<vmem>>
        %dma_start3A_61 = tpu.memref_squeeze %dma_start3A_60 : memref<1x1x128xi32, #tpu.memory_space<vmem>> -> memref<128xi32, #tpu.memory_space<vmem>>
        %dma_start3A_62 = arith.constant 0 : i32
        %dma_start3A_63 = arith.constant 0 : i32
        %dma_start3A_64 = tpu.memref_slice %arg10[%dma_start3A_62, %dma_start3A_63] : memref<10112x128xf32, #tpu.memory_space<vmem_shared>> -> memref<10112x128xf32, #tpu.memory_space<vmem_shared>>
        tpu.enqueue_indirect_dma source(%arg9 : memref<128x128xf32, #tpu.memory_space<vmem>>) target(%dma_start3A_64 : memref<10112x128xf32, #tpu.memory_space<vmem_shared>>) offsets(%dma_start3A_61 : memref<128xi32, #tpu.memory_space<vmem>>) semaphore(%run_scoped3A_58 : memref<!tpu.dma_semaphore, #tpu.memory_space<semaphore_mem>>) {add = true}
        %dma_wait3A_65 = arith.constant 0 : i32
        %dma_wait3A_66 = tpu.memref_slice %arg7[%run_scoped3A_56, %run_scoped3A_57, %dma_wait3A_65] : memref<1x2x128xi32, #tpu.memory_space<vmem>> -> memref<1x1x128xi32, #tpu.memory_space<vmem>>
        %dma_wait3A_67 = tpu.memref_squeeze %dma_wait3A_66 : memref<1x1x128xi32, #tpu.memory_space<vmem>> -> memref<128xi32, #tpu.memory_space<vmem>>
        %dma_wait3A_68 = arith.constant 0 : i32
        %dma_wait3A_69 = arith.constant 0 : i32
        %dma_wait3A_70 = tpu.memref_slice %arg10[%dma_wait3A_68, %dma_wait3A_69] : memref<10112x128xf32, #tpu.memory_space<vmem_shared>> -> memref<10112x128xf32, #tpu.memory_space<vmem_shared>>
        tpu.wait_indirect_dma semaphore(%run_scoped3A_58 : memref<!tpu.dma_semaphore, #tpu.memory_space<semaphore_mem>>) src(%arg9 : memref<128x128xf32, #tpu.memory_space<vmem>>) dst(%dma_wait3A_70 : memref<10112x128xf32, #tpu.memory_space<vmem_shared>>)
        tpu.yield
      }) : () -> ()
    }
    %scan3A_16 = arith.constant 40 : i32
    %barrier3A_17 = arith.constant 0 : index
    tpu.barrier barrier_id(%barrier3A_17)
    %mul3A_18 = arith.constant 632 : i32
    %mul3A_19 = arith.muli %arg1, %mul3A_18 : i32
    %mul3A_20 = arith.constant 632 : i32
    %mul3A_21 = arith.muli %arg1, %mul3A_20 : i32
    "tpu.region"() ({
      %run_scoped3A = tpu.sem_alloc : memref<!tpu.dma_semaphore, #tpu.memory_space<semaphore_mem>>
      %dma_start3A_22 = arith.constant 0 : i32
      %dma_start3A_23 = arith.constant 0 : i32
      %dma_start3A_24 = tpu.memref_slice %arg5[%arg0, %dma_start3A_22, %dma_start3A_23] : memref<2x10112x128xf32, #tpu.memory_space<hbm>> -> memref<1x10112x128xf32, #tpu.memory_space<hbm>>
      %dma_start3A_25 = tpu.memref_squeeze %dma_start3A_24 : memref<1x10112x128xf32, #tpu.memory_space<hbm>> -> memref<10112x128xf32, #tpu.memory_space<hbm>>
      %dma_start3A_26 = arith.constant 0 : i32
      %dma_start3A_27 = tpu.memref_slice %dma_start3A_25[%mul3A_21, %dma_start3A_26] : memref<10112x128xf32, #tpu.memory_space<hbm>> -> memref<632x128xf32, #tpu.memory_space<hbm>>
      %dma_start3A_28 = arith.constant 0 : i32
      %dma_start3A_29 = tpu.memref_slice %arg10[%mul3A_19, %dma_start3A_28] : memref<10112x128xf32, #tpu.memory_space<vmem_shared>> -> memref<632x128xf32, #tpu.memory_space<vmem_shared>>
      tpu.enqueue_dma source(%dma_start3A_29 : memref<632x128xf32, #tpu.memory_space<vmem_shared>>) target(%dma_start3A_27 : memref<632x128xf32, #tpu.memory_space<hbm>>) target_semaphore(%run_scoped3A : memref<!tpu.dma_semaphore, #tpu.memory_space<semaphore_mem>>)
      %dma_wait3A = arith.constant 0 : i32
      %dma_wait3A_30 = arith.constant 0 : i32
      %dma_wait3A_31 = tpu.memref_slice %arg5[%arg0, %dma_wait3A, %dma_wait3A_30] : memref<2x10112x128xf32, #tpu.memory_space<hbm>> -> memref<1x10112x128xf32, #tpu.memory_space<hbm>>
      %dma_wait3A_32 = tpu.memref_squeeze %dma_wait3A_31 : memref<1x10112x128xf32, #tpu.memory_space<hbm>> -> memref<10112x128xf32, #tpu.memory_space<hbm>>
      %dma_wait3A_33 = arith.constant 0 : i32
      %dma_wait3A_34 = tpu.memref_slice %dma_wait3A_32[%mul3A_21, %dma_wait3A_33] : memref<10112x128xf32, #tpu.memory_space<hbm>> -> memref<632x128xf32, #tpu.memory_space<hbm>>
      %dma_wait3A_35 = arith.constant 0 : i32
      %dma_wait3A_36 = tpu.memref_slice %arg10[%mul3A_19, %dma_wait3A_35] : memref<10112x128xf32, #tpu.memory_space<vmem_shared>> -> memref<632x128xf32, #tpu.memory_space<vmem_shared>>
      tpu.wait_dma2 semaphore(%run_scoped3A : memref<!tpu.dma_semaphore, #tpu.memory_space<semaphore_mem>>) src(%dma_wait3A_36 : memref<632x128xf32, #tpu.memory_space<vmem_shared>>) dst(%dma_wait3A_34 : memref<632x128xf32, #tpu.memory_space<hbm>>)
      tpu.yield
    }) : () -> ()
    return
  }
}

module attributes {stable_mosaic.version = 14 : i64} {
  func.func @_tc1_body(%arg0: i32, %arg1: memref<2x1000x128xf32, #tpu.memory_space<vmem>>, %arg2: memref<1000x128xf32, #tpu.memory_space<vmem>>, %arg3: memref<2x1000x16xf32, #tpu.memory_space<vmem>>, %arg4: memref<128x256xf32, #tpu.memory_space<vmem>>, %arg5: memref<1x256xf32, #tpu.memory_space<vmem>>, %arg6: memref<128x256xf32, #tpu.memory_space<vmem>>, %arg7: memref<1000x128xf32, #tpu.memory_space<vmem>>, %arg8: memref<1000x128xf32, #tpu.memory_space<vmem>>) attributes {dimension_semantics = [#tpu.dimension_semantics<arbitrary>], iteration_bounds = array<i64: 10>, scalar_prefetch = 0 : i64, scratch_operands = 0 : i64, tpu.core_type = #tpu.core_type<tc>, window_params = [{transform_indices = @transform_0, window_bounds = array<i64: 2, 1000, 128>}, {transform_indices = @transform_1, window_bounds = array<i64: 1000, 128>}, {transform_indices = @transform_2, window_bounds = array<i64: 2, 1000, 16>}, {pipeline_mode = #tpu.pipeline_mode<synchronous>, transform_indices = @transform_3, window_bounds = array<i64: 128, 256>}, {pipeline_mode = #tpu.pipeline_mode<synchronous>, transform_indices = @transform_4, window_bounds = array<i64: 1, 256>}, {pipeline_mode = #tpu.pipeline_mode<synchronous>, transform_indices = @transform_5, window_bounds = array<i64: 128, 256>}, {transform_indices = @transform_6, window_bounds = array<i64: 1000, 128>}, {transform_indices = @transform_7, window_bounds = array<i64: 1000, 128>}]} {
    %get3A = arith.constant 0 : index
    %get3A_0 = arith.constant 0 : index
    %get3A_1 = arith.constant 0 : index
    %get3A_2 = vector.load %arg1[%get3A, %get3A_0, %get3A_1] : memref<2x1000x128xf32, #tpu.memory_space<vmem>>, vector<1x1000x128xf32>
    %get3A_3 = vector.shape_cast %get3A_2 : vector<1x1000x128xf32> to vector<1000x128xf32>
    %get3A_4 = arith.constant 1 : index
    %get3A_5 = arith.constant 0 : index
    %get3A_6 = arith.constant 0 : index
    %get3A_7 = vector.load %arg1[%get3A_4, %get3A_5, %get3A_6] : memref<2x1000x128xf32, #tpu.memory_space<vmem>>, vector<1x1000x128xf32>
    %get3A_8 = vector.shape_cast %get3A_7 : vector<1x1000x128xf32> to vector<1000x128xf32>
    %add3A = arith.addf %get3A_3, %get3A_8 : vector<1000x128xf32>
    %get3A_9 = arith.constant 0 : index
    %get3A_10 = arith.constant 0 : index
    %get3A_11 = arith.constant 0 : index
    %get3A_12 = vector.load %arg3[%get3A_9, %get3A_10, %get3A_11] : memref<2x1000x16xf32, #tpu.memory_space<vmem>>, vector<1x1000x1xf32>
    %get3A_13 = vector.shape_cast %get3A_12 : vector<1x1000x1xf32> to vector<1000x1xf32>
    %get3A_14 = arith.constant 1 : index
    %get3A_15 = arith.constant 0 : index
    %get3A_16 = arith.constant 0 : index
    %get3A_17 = vector.load %arg3[%get3A_14, %get3A_15, %get3A_16] : memref<2x1000x16xf32, #tpu.memory_space<vmem>>, vector<1x1000x1xf32>
    %get3A_18 = vector.shape_cast %get3A_17 : vector<1x1000x1xf32> to vector<1000x1xf32>
    %add3A_19 = arith.addf %get3A_13, %get3A_18 : vector<1000x1xf32>
    %max3A = arith.constant 1.000000e+00 : f32
    %max3A_20 = vector.broadcast %max3A : f32 to vector<1000x1xf32>
    %max3A_21 = arith.maximumf %add3A_19, %max3A_20 : vector<1000x1xf32>
    %div3A = arith.constant 1.000000e+00 : f32
    %div3A_22 = vector.broadcast %div3A : f32 to vector<1000x1xf32>
    %div3A_23 = arith.divf %div3A_22, %max3A_21 : vector<1000x1xf32>
    %mul3A = vector.broadcast %div3A_23 : vector<1000x1xf32> to vector<1000x128xf32>
    %mul3A_24 = arith.mulf %add3A, %mul3A : vector<1000x128xf32>
    %get3A_25 = arith.constant 0 : index
    %get3A_26 = arith.constant 0 : index
    %get3A_27 = vector.load %arg4[%get3A_25, %get3A_26] : memref<128x256xf32, #tpu.memory_space<vmem>>, vector<128x256xf32>
    %dot_general3A = arith.constant dense<0.000000e+00> : vector<1000x256xf32>
    %dot_general3A_28 = tpu.matmul %mul3A_24, %get3A_27, %dot_general3A {dimension_numbers = #tpu.dot_dimension_numbers<[1], [0], [0], [1], [0, 0, 1, 1], [], []>, transpose_lhs_hint = false} : vector<1000x128xf32>, vector<128x256xf32>, vector<1000x256xf32> -> vector<1000x256xf32>
    %get3A_29 = arith.constant 0 : index
    %get3A_30 = arith.constant 0 : index
    %get3A_31 = vector.load %arg2[%get3A_29, %get3A_30] : memref<1000x128xf32, #tpu.memory_space<vmem>>, vector<1000x128xf32>
    %get3A_32 = arith.constant 0 : index
    %get3A_33 = arith.constant 0 : index
    %get3A_34 = vector.load %arg6[%get3A_32, %get3A_33] : memref<128x256xf32, #tpu.memory_space<vmem>>, vector<128x256xf32>
    %dot_general3A_35 = arith.constant dense<0.000000e+00> : vector<1000x256xf32>
    %dot_general3A_36 = tpu.matmul %get3A_31, %get3A_34, %dot_general3A_35 {dimension_numbers = #tpu.dot_dimension_numbers<[1], [0], [0], [1], [0, 0, 1, 1], [], []>, transpose_lhs_hint = false} : vector<1000x128xf32>, vector<128x256xf32>, vector<1000x256xf32> -> vector<1000x256xf32>
    %add3A_37 = arith.addf %dot_general3A_28, %dot_general3A_36 : vector<1000x256xf32>
    %get3A_38 = arith.constant 0 : index
    %get3A_39 = arith.constant 0 : index
    %get3A_40 = vector.load %arg5[%get3A_38, %get3A_39] : memref<1x256xf32, #tpu.memory_space<vmem>>, vector<1x256xf32>
    %add3A_41 = vector.broadcast %get3A_40 : vector<1x256xf32> to vector<1000x256xf32>
    %add3A_42 = arith.addf %add3A_37, %add3A_41 : vector<1000x256xf32>
    %max3A_43 = arith.constant 0.000000e+00 : f32
    %max3A_44 = vector.broadcast %max3A_43 : f32 to vector<1000x256xf32>
    %max3A_45 = arith.maximumf %add3A_42, %max3A_44 : vector<1000x256xf32>
    %slice3A = vector.extract_strided_slice %max3A_45 {offsets = [0, 0], sizes = [1000, 128], strides = [1, 1]} : vector<1000x256xf32> to vector<1000x128xf32>
    %swap3A = arith.constant 0 : index
    %swap3A_46 = arith.constant 0 : index
    %swap3A_47 = vector.load %arg7[%swap3A, %swap3A_46] : memref<1000x128xf32, #tpu.memory_space<vmem>>, vector<1000x128xf32>
    tpu.vector_store %arg7[%swap3A, %swap3A_46], %slice3A {strides = array<i32>} : memref<1000x128xf32, #tpu.memory_space<vmem>>, vector<1000x128xf32>,
    %slice3A_48 = vector.extract_strided_slice %max3A_45 {offsets = [0, 128], sizes = [1000, 128], strides = [1, 1]} : vector<1000x256xf32> to vector<1000x128xf32>
    %swap3A_49 = arith.constant 0 : index
    %swap3A_50 = arith.constant 0 : index
    %swap3A_51 = vector.load %arg8[%swap3A_49, %swap3A_50] : memref<1000x128xf32, #tpu.memory_space<vmem>>, vector<1000x128xf32>
    tpu.vector_store %arg8[%swap3A_49, %swap3A_50], %slice3A_48 {strides = array<i32>} : memref<1000x128xf32, #tpu.memory_space<vmem>>, vector<1000x128xf32>,
    return
  }
  func.func @transform_0(%arg0: i32) -> (i32, i32, i32) {
    %c0_i32 = arith.constant 0 : i32
    %c0_i32_0 = arith.constant 0 : i32
    %c0_i32_1 = arith.constant 0 : i32
    return %c0_i32, %arg0, %c0_i32_0 : i32, i32, i32
  }
  func.func @transform_1(%arg0: i32) -> (i32, i32) {
    %c0_i32 = arith.constant 0 : i32
    %c0_i32_0 = arith.constant 0 : i32
    return %arg0, %c0_i32 : i32, i32
  }
  func.func @transform_2(%arg0: i32) -> (i32, i32, i32) {
    %c0_i32 = arith.constant 0 : i32
    %c0_i32_0 = arith.constant 0 : i32
    %c0_i32_1 = arith.constant 0 : i32
    return %c0_i32, %arg0, %c0_i32_0 : i32, i32, i32
  }
  func.func @transform_3(%arg0: i32) -> (i32, i32) {
    %c0_i32 = arith.constant 0 : i32
    %c0_i32_0 = arith.constant 0 : i32
    %c0_i32_1 = arith.constant 0 : i32
    return %c0_i32, %c0_i32_0 : i32, i32
  }
  func.func @transform_4(%arg0: i32) -> (i32, i32) {
    %c0_i32 = arith.constant 0 : i32
    %c0_i32_0 = arith.constant 0 : i32
    %c0_i32_1 = arith.constant 0 : i32
    return %c0_i32, %c0_i32_0 : i32, i32
  }
  func.func @transform_5(%arg0: i32) -> (i32, i32) {
    %c0_i32 = arith.constant 0 : i32
    %c0_i32_0 = arith.constant 0 : i32
    %c0_i32_1 = arith.constant 0 : i32
    return %c0_i32, %c0_i32_0 : i32, i32
  }
  func.func @transform_6(%arg0: i32) -> (i32, i32) {
    %c0_i32 = arith.constant 0 : i32
    %c0_i32_0 = arith.constant 0 : i32
    return %arg0, %c0_i32 : i32, i32
  }
  func.func @transform_7(%arg0: i32) -> (i32, i32) {
    %c0_i32 = arith.constant 0 : i32
    %c0_i32_0 = arith.constant 0 : i32
    return %arg0, %c0_i32 : i32, i32
  }
}

module attributes {stable_mosaic.version = 14 : i64} {
  func.func @_tc2_body(%arg0: i32, %arg1: memref<2x1000x128xf32, #tpu.memory_space<vmem>>, %arg2: memref<2x1000x128xf32, #tpu.memory_space<vmem>>, %arg3: memref<1000x128xf32, #tpu.memory_space<vmem>>, %arg4: memref<1000x128xf32, #tpu.memory_space<vmem>>, %arg5: memref<2x1000x16xf32, #tpu.memory_space<vmem>>, %arg6: memref<256x256xf32, #tpu.memory_space<vmem>>, %arg7: memref<1x256xf32, #tpu.memory_space<vmem>>, %arg8: memref<256x256xf32, #tpu.memory_space<vmem>>, %arg9: memref<256x128xf32, #tpu.memory_space<vmem>>, %arg10: memref<256x128xf32, #tpu.memory_space<vmem>>, %arg11: memref<1000x128xf32, #tpu.memory_space<vmem>>, %arg12: memref<1000x128xf32, #tpu.memory_space<vmem>>) attributes {dimension_semantics = [#tpu.dimension_semantics<arbitrary>], iteration_bounds = array<i64: 10>, scalar_prefetch = 0 : i64, scratch_operands = 0 : i64, tpu.core_type = #tpu.core_type<tc>, window_params = [{transform_indices = @transform_0, window_bounds = array<i64: 2, 1000, 128>}, {transform_indices = @transform_1, window_bounds = array<i64: 2, 1000, 128>}, {transform_indices = @transform_2, window_bounds = array<i64: 1000, 128>}, {transform_indices = @transform_3, window_bounds = array<i64: 1000, 128>}, {transform_indices = @transform_4, window_bounds = array<i64: 2, 1000, 16>}, {pipeline_mode = #tpu.pipeline_mode<synchronous>, transform_indices = @transform_5, window_bounds = array<i64: 256, 256>}, {pipeline_mode = #tpu.pipeline_mode<synchronous>, transform_indices = @transform_6, window_bounds = array<i64: 1, 256>}, {pipeline_mode = #tpu.pipeline_mode<synchronous>, transform_indices = @transform_7, window_bounds = array<i64: 256, 256>}, {pipeline_mode = #tpu.pipeline_mode<synchronous>, transform_indices = @transform_8, window_bounds = array<i64: 256, 128>}, {pipeline_mode = #tpu.pipeline_mode<synchronous>, transform_indices = @transform_9, window_bounds = array<i64: 256, 128>}, {transform_indices = @transform_10, window_bounds = array<i64: 1000, 128>}, {transform_indices = @transform_11, window_bounds = array<i64: 1000, 128>}]} {
    %get3A = arith.constant 0 : index
    %get3A_0 = arith.constant 0 : index
    %get3A_1 = arith.constant 0 : index
    %get3A_2 = vector.load %arg1[%get3A, %get3A_0, %get3A_1] : memref<2x1000x128xf32, #tpu.memory_space<vmem>>, vector<1x1000x128xf32>
    %get3A_3 = vector.shape_cast %get3A_2 : vector<1x1000x128xf32> to vector<1000x128xf32>
    %get3A_4 = arith.constant 1 : index
    %get3A_5 = arith.constant 0 : index
    %get3A_6 = arith.constant 0 : index
    %get3A_7 = vector.load %arg1[%get3A_4, %get3A_5, %get3A_6] : memref<2x1000x128xf32, #tpu.memory_space<vmem>>, vector<1x1000x128xf32>
    %get3A_8 = vector.shape_cast %get3A_7 : vector<1x1000x128xf32> to vector<1000x128xf32>
    %add3A = arith.addf %get3A_3, %get3A_8 : vector<1000x128xf32>
    %get3A_9 = arith.constant 0 : index
    %get3A_10 = arith.constant 0 : index
    %get3A_11 = arith.constant 0 : index
    %get3A_12 = vector.load %arg5[%get3A_9, %get3A_10, %get3A_11] : memref<2x1000x16xf32, #tpu.memory_space<vmem>>, vector<1x1000x1xf32>
    %get3A_13 = vector.shape_cast %get3A_12 : vector<1x1000x1xf32> to vector<1000x1xf32>
    %get3A_14 = arith.constant 1 : index
    %get3A_15 = arith.constant 0 : index
    %get3A_16 = arith.constant 0 : index
    %get3A_17 = vector.load %arg5[%get3A_14, %get3A_15, %get3A_16] : memref<2x1000x16xf32, #tpu.memory_space<vmem>>, vector<1x1000x1xf32>
    %get3A_18 = vector.shape_cast %get3A_17 : vector<1x1000x1xf32> to vector<1000x1xf32>
    %add3A_19 = arith.addf %get3A_13, %get3A_18 : vector<1000x1xf32>
    %max3A = arith.constant 1.000000e+00 : f32
    %max3A_20 = vector.broadcast %max3A : f32 to vector<1000x1xf32>
    %max3A_21 = arith.maximumf %add3A_19, %max3A_20 : vector<1000x1xf32>
    %div3A = arith.constant 1.000000e+00 : f32
    %div3A_22 = vector.broadcast %div3A : f32 to vector<1000x1xf32>
    %div3A_23 = arith.divf %div3A_22, %max3A_21 : vector<1000x1xf32>
    %mul3A = vector.broadcast %div3A_23 : vector<1000x1xf32> to vector<1000x128xf32>
    %mul3A_24 = arith.mulf %add3A, %mul3A : vector<1000x128xf32>
    %get3A_25 = arith.constant 0 : index
    %get3A_26 = arith.constant 0 : index
    %get3A_27 = vector.load %arg6[%get3A_25, %get3A_26] : memref<256x256xf32, #tpu.memory_space<vmem>>, vector<128x256xf32>
    %dot_general3A = arith.constant dense<0.000000e+00> : vector<1000x256xf32>
    %dot_general3A_28 = tpu.matmul %mul3A_24, %get3A_27, %dot_general3A {dimension_numbers = #tpu.dot_dimension_numbers<[1], [0], [0], [1], [0, 0, 1, 1], [], []>, transpose_lhs_hint = false} : vector<1000x128xf32>, vector<128x256xf32>, vector<1000x256xf32> -> vector<1000x256xf32>
    %get3A_29 = arith.constant 0 : index
    %get3A_30 = arith.constant 0 : index
    %get3A_31 = arith.constant 0 : index
    %get3A_32 = vector.load %arg2[%get3A_29, %get3A_30, %get3A_31] : memref<2x1000x128xf32, #tpu.memory_space<vmem>>, vector<1x1000x128xf32>
    %get3A_33 = vector.shape_cast %get3A_32 : vector<1x1000x128xf32> to vector<1000x128xf32>
    %get3A_34 = arith.constant 1 : index
    %get3A_35 = arith.constant 0 : index
    %get3A_36 = arith.constant 0 : index
    %get3A_37 = vector.load %arg2[%get3A_34, %get3A_35, %get3A_36] : memref<2x1000x128xf32, #tpu.memory_space<vmem>>, vector<1x1000x128xf32>
    %get3A_38 = vector.shape_cast %get3A_37 : vector<1x1000x128xf32> to vector<1000x128xf32>
    %add3A_39 = arith.addf %get3A_33, %get3A_38 : vector<1000x128xf32>
    %get3A_40 = arith.constant 0 : index
    %get3A_41 = arith.constant 0 : index
    %get3A_42 = arith.constant 0 : index
    %get3A_43 = vector.load %arg5[%get3A_40, %get3A_41, %get3A_42] : memref<2x1000x16xf32, #tpu.memory_space<vmem>>, vector<1x1000x1xf32>
    %get3A_44 = vector.shape_cast %get3A_43 : vector<1x1000x1xf32> to vector<1000x1xf32>
    %get3A_45 = arith.constant 1 : index
    %get3A_46 = arith.constant 0 : index
    %get3A_47 = arith.constant 0 : index
    %get3A_48 = vector.load %arg5[%get3A_45, %get3A_46, %get3A_47] : memref<2x1000x16xf32, #tpu.memory_space<vmem>>, vector<1x1000x1xf32>
    %get3A_49 = vector.shape_cast %get3A_48 : vector<1x1000x1xf32> to vector<1000x1xf32>
    %add3A_50 = arith.addf %get3A_44, %get3A_49 : vector<1000x1xf32>
    %max3A_51 = arith.constant 1.000000e+00 : f32
    %max3A_52 = vector.broadcast %max3A_51 : f32 to vector<1000x1xf32>
    %max3A_53 = arith.maximumf %add3A_50, %max3A_52 : vector<1000x1xf32>
    %div3A_54 = arith.constant 1.000000e+00 : f32
    %div3A_55 = vector.broadcast %div3A_54 : f32 to vector<1000x1xf32>
    %div3A_56 = arith.divf %div3A_55, %max3A_53 : vector<1000x1xf32>
    %mul3A_57 = vector.broadcast %div3A_56 : vector<1000x1xf32> to vector<1000x128xf32>
    %mul3A_58 = arith.mulf %add3A_39, %mul3A_57 : vector<1000x128xf32>
    %get3A_59 = arith.constant 128 : index
    %get3A_60 = arith.constant 0 : index
    %get3A_61 = vector.load %arg6[%get3A_59, %get3A_60] : memref<256x256xf32, #tpu.memory_space<vmem>>, vector<128x256xf32>
    %dot_general3A_62 = arith.constant dense<0.000000e+00> : vector<1000x256xf32>
    %dot_general3A_63 = tpu.matmul %mul3A_58, %get3A_61, %dot_general3A_62 {dimension_numbers = #tpu.dot_dimension_numbers<[1], [0], [0], [1], [0, 0, 1, 1], [], []>, transpose_lhs_hint = false} : vector<1000x128xf32>, vector<128x256xf32>, vector<1000x256xf32> -> vector<1000x256xf32>
    %add3A_64 = arith.addf %dot_general3A_28, %dot_general3A_63 : vector<1000x256xf32>
    %get3A_65 = arith.constant 0 : index
    %get3A_66 = arith.constant 0 : index
    %get3A_67 = vector.load %arg3[%get3A_65, %get3A_66] : memref<1000x128xf32, #tpu.memory_space<vmem>>, vector<1000x128xf32>
    %get3A_68 = arith.constant 0 : index
    %get3A_69 = arith.constant 0 : index
    %get3A_70 = vector.load %arg8[%get3A_68, %get3A_69] : memref<256x256xf32, #tpu.memory_space<vmem>>, vector<128x256xf32>
    %dot_general3A_71 = arith.constant dense<0.000000e+00> : vector<1000x256xf32>
    %dot_general3A_72 = tpu.matmul %get3A_67, %get3A_70, %dot_general3A_71 {dimension_numbers = #tpu.dot_dimension_numbers<[1], [0], [0], [1], [0, 0, 1, 1], [], []>, transpose_lhs_hint = false} : vector<1000x128xf32>, vector<128x256xf32>, vector<1000x256xf32> -> vector<1000x256xf32>
    %add3A_73 = arith.addf %add3A_64, %dot_general3A_72 : vector<1000x256xf32>
    %get3A_74 = arith.constant 0 : index
    %get3A_75 = arith.constant 0 : index
    %get3A_76 = vector.load %arg4[%get3A_74, %get3A_75] : memref<1000x128xf32, #tpu.memory_space<vmem>>, vector<1000x128xf32>
    %get3A_77 = arith.constant 128 : index
    %get3A_78 = arith.constant 0 : index
    %get3A_79 = vector.load %arg8[%get3A_77, %get3A_78] : memref<256x256xf32, #tpu.memory_space<vmem>>, vector<128x256xf32>
    %dot_general3A_80 = arith.constant dense<0.000000e+00> : vector<1000x256xf32>
    %dot_general3A_81 = tpu.matmul %get3A_76, %get3A_79, %dot_general3A_80 {dimension_numbers = #tpu.dot_dimension_numbers<[1], [0], [0], [1], [0, 0, 1, 1], [], []>, transpose_lhs_hint = false} : vector<1000x128xf32>, vector<128x256xf32>, vector<1000x256xf32> -> vector<1000x256xf32>
    %add3A_82 = arith.addf %add3A_73, %dot_general3A_81 : vector<1000x256xf32>
    %get3A_83 = arith.constant 0 : index
    %get3A_84 = arith.constant 0 : index
    %get3A_85 = vector.load %arg7[%get3A_83, %get3A_84] : memref<1x256xf32, #tpu.memory_space<vmem>>, vector<1x256xf32>
    %add3A_86 = vector.broadcast %get3A_85 : vector<1x256xf32> to vector<1000x256xf32>
    %add3A_87 = arith.addf %add3A_82, %add3A_86 : vector<1000x256xf32>
    %max3A_88 = arith.constant 0.000000e+00 : f32
    %max3A_89 = vector.broadcast %max3A_88 : f32 to vector<1000x256xf32>
    %max3A_90 = arith.maximumf %add3A_87, %max3A_89 : vector<1000x256xf32>
    %get3A_91 = arith.constant 0 : index
    %get3A_92 = arith.constant 0 : index
    %get3A_93 = vector.load %arg9[%get3A_91, %get3A_92] : memref<256x128xf32, #tpu.memory_space<vmem>>, vector<256x128xf32>
    %dot_general3A_94 = arith.constant dense<0.000000e+00> : vector<1000x128xf32>
    %dot_general3A_95 = tpu.matmul %max3A_90, %get3A_93, %dot_general3A_94 {dimension_numbers = #tpu.dot_dimension_numbers<[1], [0], [0], [1], [0, 0, 1, 1], [], []>, transpose_lhs_hint = false} : vector<1000x256xf32>, vector<256x128xf32>, vector<1000x128xf32> -> vector<1000x128xf32>
    %swap3A = arith.constant 0 : index
    %swap3A_96 = arith.constant 0 : index
    %swap3A_97 = vector.load %arg11[%swap3A, %swap3A_96] : memref<1000x128xf32, #tpu.memory_space<vmem>>, vector<1000x128xf32>
    tpu.vector_store %arg11[%swap3A, %swap3A_96], %dot_general3A_95 {strides = array<i32>} : memref<1000x128xf32, #tpu.memory_space<vmem>>, vector<1000x128xf32>,
    %get3A_98 = arith.constant 0 : index
    %get3A_99 = arith.constant 0 : index
    %get3A_100 = vector.load %arg10[%get3A_98, %get3A_99] : memref<256x128xf32, #tpu.memory_space<vmem>>, vector<256x128xf32>
    %dot_general3A_101 = arith.constant dense<0.000000e+00> : vector<1000x128xf32>
    %dot_general3A_102 = tpu.matmul %max3A_90, %get3A_100, %dot_general3A_101 {dimension_numbers = #tpu.dot_dimension_numbers<[1], [0], [0], [1], [0, 0, 1, 1], [], []>, transpose_lhs_hint = false} : vector<1000x256xf32>, vector<256x128xf32>, vector<1000x128xf32> -> vector<1000x128xf32>
    %swap3A_103 = arith.constant 0 : index
    %swap3A_104 = arith.constant 0 : index
    %swap3A_105 = vector.load %arg12[%swap3A_103, %swap3A_104] : memref<1000x128xf32, #tpu.memory_space<vmem>>, vector<1000x128xf32>
    tpu.vector_store %arg12[%swap3A_103, %swap3A_104], %dot_general3A_102 {strides = array<i32>} : memref<1000x128xf32, #tpu.memory_space<vmem>>, vector<1000x128xf32>,
    return
  }
  func.func @transform_0(%arg0: i32) -> (i32, i32, i32) {
    %c0_i32 = arith.constant 0 : i32
    %c0_i32_0 = arith.constant 0 : i32
    %c0_i32_1 = arith.constant 0 : i32
    return %c0_i32, %arg0, %c0_i32_0 : i32, i32, i32
  }
  func.func @transform_1(%arg0: i32) -> (i32, i32, i32) {
    %c0_i32 = arith.constant 0 : i32
    %c0_i32_0 = arith.constant 0 : i32
    %c0_i32_1 = arith.constant 0 : i32
    return %c0_i32, %arg0, %c0_i32_0 : i32, i32, i32
  }
  func.func @transform_2(%arg0: i32) -> (i32, i32) {
    %c0_i32 = arith.constant 0 : i32
    %c0_i32_0 = arith.constant 0 : i32
    return %arg0, %c0_i32 : i32, i32
  }
  func.func @transform_3(%arg0: i32) -> (i32, i32) {
    %c0_i32 = arith.constant 0 : i32
    %c0_i32_0 = arith.constant 0 : i32
    return %arg0, %c0_i32 : i32, i32
  }
  func.func @transform_4(%arg0: i32) -> (i32, i32, i32) {
    %c0_i32 = arith.constant 0 : i32
    %c0_i32_0 = arith.constant 0 : i32
    %c0_i32_1 = arith.constant 0 : i32
    return %c0_i32, %arg0, %c0_i32_0 : i32, i32, i32
  }
  func.func @transform_5(%arg0: i32) -> (i32, i32) {
    %c0_i32 = arith.constant 0 : i32
    %c0_i32_0 = arith.constant 0 : i32
    %c0_i32_1 = arith.constant 0 : i32
    return %c0_i32, %c0_i32_0 : i32, i32
  }
  func.func @transform_6(%arg0: i32) -> (i32, i32) {
    %c0_i32 = arith.constant 0 : i32
    %c0_i32_0 = arith.constant 0 : i32
    %c0_i32_1 = arith.constant 0 : i32
    return %c0_i32, %c0_i32_0 : i32, i32
  }
  func.func @transform_7(%arg0: i32) -> (i32, i32) {
    %c0_i32 = arith.constant 0 : i32
    %c0_i32_0 = arith.constant 0 : i32
    %c0_i32_1 = arith.constant 0 : i32
    return %c0_i32, %c0_i32_0 : i32, i32
  }
  func.func @transform_8(%arg0: i32) -> (i32, i32) {
    %c0_i32 = arith.constant 0 : i32
    %c0_i32_0 = arith.constant 0 : i32
    %c0_i32_1 = arith.constant 0 : i32
    return %c0_i32, %c0_i32_0 : i32, i32
  }
  func.func @transform_9(%arg0: i32) -> (i32, i32) {
    %c0_i32 = arith.constant 0 : i32
    %c0_i32_0 = arith.constant 0 : i32
    %c0_i32_1 = arith.constant 0 : i32
    return %c0_i32, %c0_i32_0 : i32, i32
  }
  func.func @transform_10(%arg0: i32) -> (i32, i32) {
    %c0_i32 = arith.constant 0 : i32
    %c0_i32_0 = arith.constant 0 : i32
    return %arg0, %c0_i32 : i32, i32
  }
  func.func @transform_11(%arg0: i32) -> (i32, i32) {
    %c0_i32 = arith.constant 0 : i32
    %c0_i32_0 = arith.constant 0 : i32
    return %arg0, %c0_i32 : i32, i32
  }
}

module attributes {stable_mosaic.version = 14 : i64} {
  func.func @_tc3_body(%arg0: i32, %arg1: memref<2x1000x128xf32, #tpu.memory_space<vmem>>, %arg2: memref<1000x128xf32, #tpu.memory_space<vmem>>, %arg3: memref<2x1000x16xf32, #tpu.memory_space<vmem>>, %arg4: memref<1x128xf32, #tpu.memory_space<vmem>>, %arg5: memref<1000x128xf32, #tpu.memory_space<vmem>>) attributes {dimension_semantics = [#tpu.dimension_semantics<arbitrary>], iteration_bounds = array<i64: 10>, scalar_prefetch = 0 : i64, scratch_operands = 0 : i64, tpu.core_type = #tpu.core_type<tc>, window_params = [{transform_indices = @transform_0, window_bounds = array<i64: 2, 1000, 128>}, {transform_indices = @transform_1, window_bounds = array<i64: 1000, 128>}, {transform_indices = @transform_2, window_bounds = array<i64: 2, 1000, 16>}, {pipeline_mode = #tpu.pipeline_mode<synchronous>, transform_indices = @transform_3, window_bounds = array<i64: 1, 128>}, {transform_indices = @transform_4, window_bounds = array<i64: 1000, 128>}]} {
    %get3A = arith.constant 0 : index
    %get3A_0 = arith.constant 0 : index
    %get3A_1 = arith.constant 0 : index
    %get3A_2 = vector.load %arg1[%get3A, %get3A_0, %get3A_1] : memref<2x1000x128xf32, #tpu.memory_space<vmem>>, vector<1x1000x128xf32>
    %get3A_3 = vector.shape_cast %get3A_2 : vector<1x1000x128xf32> to vector<1000x128xf32>
    %get3A_4 = arith.constant 1 : index
    %get3A_5 = arith.constant 0 : index
    %get3A_6 = arith.constant 0 : index
    %get3A_7 = vector.load %arg1[%get3A_4, %get3A_5, %get3A_6] : memref<2x1000x128xf32, #tpu.memory_space<vmem>>, vector<1x1000x128xf32>
    %get3A_8 = vector.shape_cast %get3A_7 : vector<1x1000x128xf32> to vector<1000x128xf32>
    %add3A = arith.addf %get3A_3, %get3A_8 : vector<1000x128xf32>
    %get3A_9 = arith.constant 0 : index
    %get3A_10 = arith.constant 0 : index
    %get3A_11 = arith.constant 0 : index
    %get3A_12 = vector.load %arg3[%get3A_9, %get3A_10, %get3A_11] : memref<2x1000x16xf32, #tpu.memory_space<vmem>>, vector<1x1000x1xf32>
    %get3A_13 = vector.shape_cast %get3A_12 : vector<1x1000x1xf32> to vector<1000x1xf32>
    %get3A_14 = arith.constant 1 : index
    %get3A_15 = arith.constant 0 : index
    %get3A_16 = arith.constant 0 : index
    %get3A_17 = vector.load %arg3[%get3A_14, %get3A_15, %get3A_16] : memref<2x1000x16xf32, #tpu.memory_space<vmem>>, vector<1x1000x1xf32>
    %get3A_18 = vector.shape_cast %get3A_17 : vector<1x1000x1xf32> to vector<1000x1xf32>
    %add3A_19 = arith.addf %get3A_13, %get3A_18 : vector<1000x1xf32>
    %max3A = arith.constant 1.000000e+00 : f32
    %max3A_20 = vector.broadcast %max3A : f32 to vector<1000x1xf32>
    %max3A_21 = arith.maximumf %add3A_19, %max3A_20 : vector<1000x1xf32>
    %div3A = arith.constant 1.000000e+00 : f32
    %div3A_22 = vector.broadcast %div3A : f32 to vector<1000x1xf32>
    %div3A_23 = arith.divf %div3A_22, %max3A_21 : vector<1000x1xf32>
    %mul3A = vector.broadcast %div3A_23 : vector<1000x1xf32> to vector<1000x128xf32>
    %mul3A_24 = arith.mulf %add3A, %mul3A : vector<1000x128xf32>
    %get3A_25 = arith.constant 0 : index
    %get3A_26 = arith.constant 0 : index
    %get3A_27 = vector.load %arg2[%get3A_25, %get3A_26] : memref<1000x128xf32, #tpu.memory_space<vmem>>, vector<1000x128xf32>
    %add3A_28 = arith.addf %mul3A_24, %get3A_27 : vector<1000x128xf32>
    %get3A_29 = arith.constant 0 : index
    %get3A_30 = arith.constant 0 : index
    %get3A_31 = vector.load %arg4[%get3A_29, %get3A_30] : memref<1x128xf32, #tpu.memory_space<vmem>>, vector<1x128xf32>
    %add3A_32 = vector.broadcast %get3A_31 : vector<1x128xf32> to vector<1000x128xf32>
    %add3A_33 = arith.addf %add3A_28, %add3A_32 : vector<1000x128xf32>
    %max3A_34 = arith.constant 0.000000e+00 : f32
    %max3A_35 = vector.broadcast %max3A_34 : f32 to vector<1000x128xf32>
    %max3A_36 = arith.maximumf %add3A_33, %max3A_35 : vector<1000x128xf32>
    %swap3A = arith.constant 0 : index
    %swap3A_37 = arith.constant 0 : index
    %swap3A_38 = vector.load %arg5[%swap3A, %swap3A_37] : memref<1000x128xf32, #tpu.memory_space<vmem>>, vector<1000x128xf32>
    tpu.vector_store %arg5[%swap3A, %swap3A_37], %max3A_36 {strides = array<i32>} : memref<1000x128xf32, #tpu.memory_space<vmem>>, vector<1000x128xf32>,
    return
  }
  func.func @transform_0(%arg0: i32) -> (i32, i32, i32) {
    %c0_i32 = arith.constant 0 : i32
    %c0_i32_0 = arith.constant 0 : i32
    %c0_i32_1 = arith.constant 0 : i32
    return %c0_i32, %arg0, %c0_i32_0 : i32, i32, i32
  }
  func.func @transform_1(%arg0: i32) -> (i32, i32) {
    %c0_i32 = arith.constant 0 : i32
    %c0_i32_0 = arith.constant 0 : i32
    return %arg0, %c0_i32 : i32, i32
  }
  func.func @transform_2(%arg0: i32) -> (i32, i32, i32) {
    %c0_i32 = arith.constant 0 : i32
    %c0_i32_0 = arith.constant 0 : i32
    %c0_i32_1 = arith.constant 0 : i32
    return %c0_i32, %arg0, %c0_i32_0 : i32, i32, i32
  }
  func.func @transform_3(%arg0: i32) -> (i32, i32) {
    %c0_i32 = arith.constant 0 : i32
    %c0_i32_0 = arith.constant 0 : i32
    %c0_i32_1 = arith.constant 0 : i32
    return %c0_i32, %c0_i32_0 : i32, i32
  }
  func.func @transform_4(%arg0: i32) -> (i32, i32) {
    %c0_i32 = arith.constant 0 : i32
    %c0_i32_0 = arith.constant 0 : i32
    return %arg0, %c0_i32 : i32, i32
  }
}

module attributes {stable_mosaic.version = 14 : i64} {
  func.func @_tc4_body(%arg0: i32, %arg1: memref<2x1000x128xf32, #tpu.memory_space<vmem>>, %arg2: memref<1000x128xf32, #tpu.memory_space<vmem>>, %arg3: memref<2x1000x16xf32, #tpu.memory_space<vmem>>, %arg4: memref<128x128xf32, #tpu.memory_space<vmem>>, %arg5: memref<1x128xf32, #tpu.memory_space<vmem>>, %arg6: memref<128x128xf32, #tpu.memory_space<vmem>>, %arg7: memref<1000x128xf32, #tpu.memory_space<vmem>>) attributes {dimension_semantics = [#tpu.dimension_semantics<arbitrary>], iteration_bounds = array<i64: 10>, scalar_prefetch = 0 : i64, scratch_operands = 0 : i64, tpu.core_type = #tpu.core_type<tc>, window_params = [{transform_indices = @transform_0, window_bounds = array<i64: 2, 1000, 128>}, {transform_indices = @transform_1, window_bounds = array<i64: 1000, 128>}, {transform_indices = @transform_2, window_bounds = array<i64: 2, 1000, 16>}, {pipeline_mode = #tpu.pipeline_mode<synchronous>, transform_indices = @transform_3, window_bounds = array<i64: 128, 128>}, {pipeline_mode = #tpu.pipeline_mode<synchronous>, transform_indices = @transform_4, window_bounds = array<i64: 1, 128>}, {pipeline_mode = #tpu.pipeline_mode<synchronous>, transform_indices = @transform_5, window_bounds = array<i64: 128, 128>}, {transform_indices = @transform_6, window_bounds = array<i64: 1000, 128>}]} {
    %get3A = arith.constant 0 : index
    %get3A_0 = arith.constant 0 : index
    %get3A_1 = arith.constant 0 : index
    %get3A_2 = vector.load %arg1[%get3A, %get3A_0, %get3A_1] : memref<2x1000x128xf32, #tpu.memory_space<vmem>>, vector<1x1000x128xf32>
    %get3A_3 = vector.shape_cast %get3A_2 : vector<1x1000x128xf32> to vector<1000x128xf32>
    %get3A_4 = arith.constant 1 : index
    %get3A_5 = arith.constant 0 : index
    %get3A_6 = arith.constant 0 : index
    %get3A_7 = vector.load %arg1[%get3A_4, %get3A_5, %get3A_6] : memref<2x1000x128xf32, #tpu.memory_space<vmem>>, vector<1x1000x128xf32>
    %get3A_8 = vector.shape_cast %get3A_7 : vector<1x1000x128xf32> to vector<1000x128xf32>
    %add3A = arith.addf %get3A_3, %get3A_8 : vector<1000x128xf32>
    %get3A_9 = arith.constant 0 : index
    %get3A_10 = arith.constant 0 : index
    %get3A_11 = arith.constant 0 : index
    %get3A_12 = vector.load %arg3[%get3A_9, %get3A_10, %get3A_11] : memref<2x1000x16xf32, #tpu.memory_space<vmem>>, vector<1x1000x1xf32>
    %get3A_13 = vector.shape_cast %get3A_12 : vector<1x1000x1xf32> to vector<1000x1xf32>
    %get3A_14 = arith.constant 1 : index
    %get3A_15 = arith.constant 0 : index
    %get3A_16 = arith.constant 0 : index
    %get3A_17 = vector.load %arg3[%get3A_14, %get3A_15, %get3A_16] : memref<2x1000x16xf32, #tpu.memory_space<vmem>>, vector<1x1000x1xf32>
    %get3A_18 = vector.shape_cast %get3A_17 : vector<1x1000x1xf32> to vector<1000x1xf32>
    %add3A_19 = arith.addf %get3A_13, %get3A_18 : vector<1000x1xf32>
    %max3A = arith.constant 1.000000e+00 : f32
    %max3A_20 = vector.broadcast %max3A : f32 to vector<1000x1xf32>
    %max3A_21 = arith.maximumf %add3A_19, %max3A_20 : vector<1000x1xf32>
    %div3A = arith.constant 1.000000e+00 : f32
    %div3A_22 = vector.broadcast %div3A : f32 to vector<1000x1xf32>
    %div3A_23 = arith.divf %div3A_22, %max3A_21 : vector<1000x1xf32>
    %mul3A = vector.broadcast %div3A_23 : vector<1000x1xf32> to vector<1000x128xf32>
    %mul3A_24 = arith.mulf %add3A, %mul3A : vector<1000x128xf32>
    %get3A_25 = arith.constant 0 : index
    %get3A_26 = arith.constant 0 : index
    %get3A_27 = vector.load %arg4[%get3A_25, %get3A_26] : memref<128x128xf32, #tpu.memory_space<vmem>>, vector<128x128xf32>
    %dot_general3A = arith.constant dense<0.000000e+00> : vector<1000x128xf32>
    %dot_general3A_28 = tpu.matmul %mul3A_24, %get3A_27, %dot_general3A {dimension_numbers = #tpu.dot_dimension_numbers<[1], [0], [0], [1], [0, 0, 1, 1], [], []>, transpose_lhs_hint = false} : vector<1000x128xf32>, vector<128x128xf32>, vector<1000x128xf32> -> vector<1000x128xf32>
    %get3A_29 = arith.constant 0 : index
    %get3A_30 = arith.constant 0 : index
    %get3A_31 = vector.load %arg2[%get3A_29, %get3A_30] : memref<1000x128xf32, #tpu.memory_space<vmem>>, vector<1000x128xf32>
    %get3A_32 = arith.constant 0 : index
    %get3A_33 = arith.constant 0 : index
    %get3A_34 = vector.load %arg6[%get3A_32, %get3A_33] : memref<128x128xf32, #tpu.memory_space<vmem>>, vector<128x128xf32>
    %dot_general3A_35 = arith.constant dense<0.000000e+00> : vector<1000x128xf32>
    %dot_general3A_36 = tpu.matmul %get3A_31, %get3A_34, %dot_general3A_35 {dimension_numbers = #tpu.dot_dimension_numbers<[1], [0], [0], [1], [0, 0, 1, 1], [], []>, transpose_lhs_hint = false} : vector<1000x128xf32>, vector<128x128xf32>, vector<1000x128xf32> -> vector<1000x128xf32>
    %add3A_37 = arith.addf %dot_general3A_28, %dot_general3A_36 : vector<1000x128xf32>
    %get3A_38 = arith.constant 0 : index
    %get3A_39 = arith.constant 0 : index
    %get3A_40 = vector.load %arg5[%get3A_38, %get3A_39] : memref<1x128xf32, #tpu.memory_space<vmem>>, vector<1x128xf32>
    %add3A_41 = vector.broadcast %get3A_40 : vector<1x128xf32> to vector<1000x128xf32>
    %add3A_42 = arith.addf %add3A_37, %add3A_41 : vector<1000x128xf32>
    %swap3A = arith.constant 0 : index
    %swap3A_43 = arith.constant 0 : index
    %swap3A_44 = vector.load %arg7[%swap3A, %swap3A_43] : memref<1000x128xf32, #tpu.memory_space<vmem>>, vector<1000x128xf32>
    tpu.vector_store %arg7[%swap3A, %swap3A_43], %add3A_42 {strides = array<i32>} : memref<1000x128xf32, #tpu.memory_space<vmem>>, vector<1000x128xf32>,
    return
  }
  func.func @transform_0(%arg0: i32) -> (i32, i32, i32) {
    %c0_i32 = arith.constant 0 : i32
    %c0_i32_0 = arith.constant 0 : i32
    %c0_i32_1 = arith.constant 0 : i32
    return %c0_i32, %arg0, %c0_i32_0 : i32, i32, i32
  }
  func.func @transform_1(%arg0: i32) -> (i32, i32) {
    %c0_i32 = arith.constant 0 : i32
    %c0_i32_0 = arith.constant 0 : i32
    return %arg0, %c0_i32 : i32, i32
  }
  func.func @transform_2(%arg0: i32) -> (i32, i32, i32) {
    %c0_i32 = arith.constant 0 : i32
    %c0_i32_0 = arith.constant 0 : i32
    %c0_i32_1 = arith.constant 0 : i32
    return %c0_i32, %arg0, %c0_i32_0 : i32, i32, i32
  }
  func.func @transform_3(%arg0: i32) -> (i32, i32) {
    %c0_i32 = arith.constant 0 : i32
    %c0_i32_0 = arith.constant 0 : i32
    %c0_i32_1 = arith.constant 0 : i32
    return %c0_i32, %c0_i32_0 : i32, i32
  }
  func.func @transform_4(%arg0: i32) -> (i32, i32) {
    %c0_i32 = arith.constant 0 : i32
    %c0_i32_0 = arith.constant 0 : i32
    %c0_i32_1 = arith.constant 0 : i32
    return %c0_i32, %c0_i32_0 : i32, i32
  }
  func.func @transform_5(%arg0: i32) -> (i32, i32) {
    %c0_i32 = arith.constant 0 : i32
    %c0_i32_0 = arith.constant 0 : i32
    %c0_i32_1 = arith.constant 0 : i32
    return %c0_i32, %c0_i32_0 : i32, i32
  }
  func.func @transform_6(%arg0: i32) -> (i32, i32) {
    %c0_i32 = arith.constant 0 : i32
    %c0_i32_0 = arith.constant 0 : i32
    return %arg0, %c0_i32 : i32, i32
  }
}

</mosaic_0001>

<sc_bundles>
// kernel: kernel.12.cloned.1.call-start
scs
__scs_entry_jumppad:
0x0: {  	(pc) =	sbr.rel $0x88, $3  }
0x1: {  	(tag) =	ssettag $0x0;
	lr =	simm.s32 $0x1  }
0x2: {  	[smem:$0x3F93] =	sst lr;
	_ =	strace $0xD0000000  }
0x3: {  	_ = 	snop  }
0x4: {  	_ = 	snop  }
0x5: {  	_ = 	snop  }
0x6: {  	_ = 	snop  }
0x7: {  	_ = 	snop  }
__scs_overlays_trampoline_lowered:
0x8: {  	[smem:$0x3FA2] =	sst s0  }
0x9: {  	[smem:$0x3FA3] =	sst s1  }
0xa: {  	[smem:$0x3FA4] =	sst s2  }
0xb: {  	[smem:$0x3FA5] =	sst s3  }
0xc: {  	[smem:$0x3FA6] =	sst s4  }
0xd: {  	[smem:$0x3FA7] =	sst s5  }
0xe: {  	[smem:$0x3FA8] =	sst s6  }
0xf: {  	[smem:$0x3FA9] =	sst s7  }
0x10: {  	[smem:$0x3FAA] =	sst s8  }
0x11: {  	[smem:$0x3FAB] =	sst s9;
	s0 =	simm.s32 @!p0 $0x0  }
0x12: {  	s1 =	sld [smem:$0x3F91];
	s0 =	simm.s32 @p0 $0x1  }
0x13: {  	[smem:$0x3FAC] =	sst s0;
	s0 =	simm.s32 @!p1 $0x0  }
0x14: {  	s2 =	sld [smem:$0x3F90];
	s0 =	simm.s32 @p1 $0x1  }
0x15: {  	[smem:$0x3FAD] =	sst s0;
	s0 =	simm.s32 @!p2 $0x0  }
0x16: {  	s3 =	sld [smem:$0x3FDB];
	s0 =	simm.s32 @p2 $0x1  }
0x17: {  	s4 =	simm.s32 $0x1BF5;
	[smem:$0x3FAF] =	sst s0  }
0x18: {  	s0 =	sld [smem:$0x3F92];
	_ =	swait.ge [sflag:s4], $0x0  }
0x19: {  	s7 =	sld [smem:$0x3F93]  }
0x1a: {  	s8 =	sadd.s32 $0xFFFFE003, lr  }
0x1b: {  	s9 =	sadd.s32 $0xFFFFFEF7, lr;
	s5 =	simm.s32 $0xFFFFFFFF;
	p2 =	slt.u32 s8, $0xFFFFF086  }
0x1c: {  	p1 =	slt.u32 s9, $0xF7A;
	s5 =	simm.s32 @!p2 $0x0  }
0x1d: {  	s5 =	simm.s32 @p1 $0x1;
	p0 =	seq.s32 s7, s2  }
0x1e: {  	s7 =	smul.u32 @!p0 $0xF7A, s2;
	p2 =	seq.s32 @!p0 s5, $0x0  }
0x1f: {  	s9 =	smul.u32 $0xF7A, s1;
	s8 =	simm.s32 @!p0 $0x1BF5;
	p2 =	por !p2, p0  }
0x20: {  	[sflag:s8] =	ssyncset.s32 @!p0 $0xFFFFF086;
	s6 =	sadd.s32 @!p0 s3, s7;
	s7 =	simm.s32 @!p0 $0x108  }
0x21: {  	s3 =	sadd.s32 s3, s9;
	s6 =	sadd.s32 @!p0 $0x88, s6;
	s7 =	simm.s32 @p2 $0x1082  }
0x22: {  	[simem:s7], [sflag:s8] =	dma.local @!p0 [hbm:s6], $0xF7A  }
0x23: {  	s9 =	sor.u32 $0xD0000000, s2;
	s6 =	simm.s32 $0x108;
	_ =	swait.ge @!p0 [sflag:s8], $0x0  }
0x24: {  	s3 =	sadd.s32 $0x88, s3;
	s6 =	simm.s32 @!p1 $0x1082;
	[sflag:s4] =	ssyncset.s32 $0xFFFFF086  }
0x25: {  	[simem:s6], [sflag:s4] =	dma.local [hbm:s3], $0xF7A  }
0x26: {  	[smem:$0x3F93] =	sst s1;
	(tag) =	ssettag s2;
	_ =	strace s9  }
0x27: {  	s1 =	sld [smem:$0x3FA3]  }
0x28: {  	s2 =	sld [smem:$0x3FA4]  }
0x29: {  	s4 =	sld [smem:$0x3FA6]  }
0x2a: {  	p0 =	seq.s32 s5, $0x0;
	s5 =	sld [smem:$0x3FA7]  }
0x2b: {  	s6 =	sld [smem:$0x3FA8]  }
0x2c: {  	s7 =	sld [smem:$0x3FA9]  }
0x2d: {  	s3 =	simm.s32 $0x108;
	s8 =	sld [smem:$0x3FAA]  }
0x2e: {  	s3 =	simm.s32 @!p0 $0x1082;
	s9 =	sld [smem:$0x3FAB]  }
0x2f: {  	lr =	sadd.s32 s0, s3;
	s0 =	sld [smem:$0x3FA2]  }
0x30: {  	s3 =	sld [smem:$0x3FA5]  }
0x31: {  	[smem:$0x3FAE] =	sst s10  }
0x32: {  	s10 =	sld [smem:$0x3FAC];
	_ =	sdelay $0x3  }
0x33: {  	p0 =	seq.s32 s10, $0x1;
	s10 =	sld [smem:$0x3FAE];
	_ =	sdelay $0x3  }
0x34: {  	[smem:$0x3FAE] =	sst s10  }
0x35: {  	s10 =	sld [smem:$0x3FAD];
	_ =	sdelay $0x3  }
0x36: {  	p1 =	seq.s32 s10, $0x1;
	s10 =	sld [smem:$0x3FAE];
	_ =	sdelay $0x3  }
0x37: {  	[smem:$0x3FAE] =	sst s10  }
0x38: {  	s10 =	sld [smem:$0x3FAF]  }
0x39: {  	_ = 	snop;
	(pc) =	sbr.ind lr, $3  }
0x3a: {  	_ = 	snop  }
0x3b: {  	_ = 	snop  }
0x3c: {  	p2 =	seq.s32 s10, $0x1;
	s10 =	sld [smem:$0x3FAE]  }
0x3d: {  	_ =	shalt  }
0x3e: {  	_ =	shalt  }
0x3f: {  	_ =	shalt  }
0x40: {  	_ =	shalt  }
0x41: {  	_ =	shalt  }
0x42: {  	_ =	shalt  }
0x43: {  	_ =	shalt  }
0x44: {  	_ =	shalt  }
0x45: {  	_ =	shalt  }
0x46: {  	_ =	shalt  }
0x47: {  	_ =	shalt  }
0x48: {  	_ =	shalt  }
0x49: {  	_ =	shalt  }
0x4a: {  	_ =	shalt  }
0x4b: {  	_ =	shalt  }
0x4c: {  	_ =	shalt  }
0x4d: {  	_ =	shalt  }
0x4e: {  	_ =	shalt  }
0x4f: {  	_ =	shalt  }
0x50: {  	_ =	shalt  }
0x51: {  	_ =	shalt  }
0x52: {  	_ =	shalt  }
0x53: {  	_ =	shalt  }
0x54: {  	_ =	shalt  }
0x55: {  	_ =	shalt  }
0x56: {  	_ =	shalt  }
0x57: {  	_ =	shalt  }
0x58: {  	_ =	shalt  }
0x59: {  	_ =	shalt  }
0x5a: {  	_ =	shalt  }
0x5b: {  	_ =	shalt  }
0x5c: {  	_ =	shalt  }
0x5d: {  	_ =	shalt  }
0x5e: {  	_ =	shalt  }
0x5f: {  	_ =	shalt  }
0x60: {  	_ =	shalt  }
0x61: {  	_ =	shalt  }
0x62: {  	_ =	shalt  }
0x63: {  	_ =	shalt  }
0x64: {  	_ =	shalt  }
0x65: {  	_ =	shalt  }
0x66: {  	_ =	shalt  }
0x67: {  	_ =	shalt  }
0x68: {  	_ =	shalt  }
0x69: {  	_ =	shalt  }
0x6a: {  	_ =	shalt  }
0x6b: {  	_ =	shalt  }
0x6c: {  	_ =	shalt  }
0x6d: {  	_ =	shalt  }
0x6e: {  	_ =	shalt  }
0x6f: {  	_ =	shalt  }
0x70: {  	_ =	shalt  }
0x71: {  	_ =	shalt  }
0x72: {  	_ =	shalt  }
0x73: {  	_ =	shalt  }
0x74: {  	_ =	shalt  }
0x75: {  	_ =	shalt  }
0x76: {  	_ =	shalt  }
0x77: {  	_ =	shalt  }
0x78: {  	_ =	shalt  }
0x79: {  	_ =	shalt  }
0x7a: {  	_ =	shalt  }
0x7b: {  	_ =	shalt  }
0x7c: {  	_ =	shalt  }
0x7d: {  	_ =	shalt  }
0x7e: {  	_ =	shalt  }
0x7f: {  	_ =	shalt  }
0x80: {  	_ =	shalt  }
0x81: {  	_ =	shalt  }
0x82: {  	_ =	shalt  }
0x83: {  	_ =	shalt  }
0x84: {  	_ =	shalt  }
0x85: {  	_ =	shalt  }
0x86: {  	_ =	shalt  }
0x87: {  	_ =	shalt  }
.Lfunc_end0:
.L_simem_size_0:
called_computation_lowered:
.L_overlay_start_0:
0x88: {  	s2 =	sld [smem:$0x3FD9]  }
0x89: {  	s3 =	sld [smem:$0x3FFE];
	_ =	sdelay $0x1  }
0x8a: {  	s1 =	srdreg.scid  }
0x8b: {  	s0 =	sand.u32 $0x1, s1  }
0x8c: {  	s17 =	sshll.u32 s0, $0xA;
	s2 =	sadd.s32 s3, s2  }
0x8d: {  	s2 =	sadd.s32 s2, s17  }
0x8e: {  	[smem:$0x3FBA] =	sst s2  }
0x8f: {  	_ = 	snop  }
0x90: {  	s2 =	sld [smem:$0x3FD0];
	(tm) =	ssettm $0x1  }
0x91: {  	s18 =	sld [smem:$0x3FFB];
	_ =	sdelay $0x3  }
0x92: {  	_ =	strace s18  }
0x93: {  	s3 =	sld [smem:$0x3FFC];
	_ =	sdelay $0x3  }
0x94: {  	_ =	strace s3  }
0x95: {  	s3 =	sld [smem:$0x3FFD];
	_ =	sdelay $0x3  }
0x96: {  	_ =	strace s3  }
0x97: {  	_ =	strace $0x8FFFFFFF  }
0x98: {  	s19 =	sld [smem:$0x3FDB];
	_ =	sdelay $0x1  }
0x99: {  	s4 =	simm.s32 $_scs_section_size  }
0x9a: {  	s5 =	simm.s32 $_size__tile_overlayer_lowered;
	s6 =	simm.s32 $_tile_overlayer_lowered  }
0x9b: {  	s22 =	simm.s32 $0x1BFF;
	s21 =	sshll.u32 s6, $0x1;
	s3 =	sadd.s32 s4, s19  }
0x9c: {  	s7 =	simm.s32 $0x0;
	s20 =	sshll.u32 s5, $0x1;
	s5 =	sadd.s32 s21, s3  }
0x9d: {  	[timem:s7], [sflag:s22] =	dma.local [hbm:s5], s20  }
0x9e: {  	_ =	swait.ge [sflag:s22], s20  }
0x9f: {  	s4 =	ssub.s32 $0x0, s20;
	[sflag:s22] =	ssyncset.done $0x0  }
0xa0: {  	[sflag:s22] =	ssyncadd.s32 s4;
	_ =	sdelay $0x1  }
0xa1: {  	s23 =	simm.s32 $0x1B8B  }
0xa2: {  	_ =	swait.ge [sflag:s23], $0x1  }
0xa3: {  	[sflag:s23] =	ssyncset.done $0x0  }
0xa4: {  	s25 =	simm.s32 $0x1B8E;
	s24 =	sld [smem:$0x3FFE];
	[sflag:s23] =	ssyncadd.s32 $0xFFFFFFFF  }
0xa5: {  	s26 =	simm.s32 $execute0_lowered;
	[smem:$0x3FD2] =	sst s25  }
0xa6: {  	s5 =	sshll.u32 s26, $0x1;
	_ =	strace $0x80000046;
	[dreg:$0x1] =	wrdreg $0xFFFFFFFF  }
0xa7: {  	s28 =	simm.s32 $_size_execute0_lowered;
	s3 =	sadd.s32 s3, s5;
	[dreg:$0x0] =	wrdreg $0x0  }
0xa8: {  	s5 =	sshll.u32 s28, $0x1;
	[dreg:$0x2] =	wrdreg s3  }
0xa9: {  	[dreg:$0x3] =	wrdreg s5  }
0xaa: {  	[dreg:$0x4] =	wrdreg $0xC0  }
0xab: {  	_ =	task [dreg:s7], $0x5FFFF  }
0xac: {  	[dreg:$0x1] =	wrdreg $0xFFFFFFFF  }
0xad: {  	[dreg:$0x0] =	wrdreg $0x60  }
0xae: {  	[dreg:$0x2] =	wrdreg s2  }
0xaf: {  	[dreg:$0x3] =	wrdreg s24  }
0xb0: {  	[dreg:$0x4] =	wrdreg $0x4000  }
0xb1: {  	[dreg:$0x5] =	wrdreg $0x9  }
0xb2: {  	_ =	task.clear_ibuf [dreg:s7], $0x6FFFF;
	_ =	strace $0x90000046  }
0xb3: {  	s29 =	simm.s32 $0x9;
	_ =	strace $0x80000048  }
0xb4: {  	_ =	swait.ge [sflag:s29], $0x1  }
0xb5: {  	[sflag:s29] =	ssyncadd.s32 $0xFFFFFFFF  }
0xb6: {  	_ =	strace $0x90000048  }
0xb7: {  	_ =	sfence  }
0xb8: {  	s30 =	sld [smem:$0x0];
	_ =	sdelay $0x2  }
0xb9: {  	s31 =	sshll.u32 s1, $0xD;
	s1 =	sshrl.u32 s1, $0x2  }
0xba: {  	s3 =	sand.u32 $0x4000, s31;
	s1 =	sadd.s32 s1, s30  }
0xbb: {  	s0 =	sor.u32 s3, s0;
	s1 =	sshll.u32 s1, $0x11  }
0xbc: {  	s0 =	sor.u32 s1, s0  }
0xbd: {  	s0 =	sadd.s32 $0x8F2B, s0  }
0xbe: {  	[sflag:s0] =	ssyncadd.remote.s32 $0x1  }
0xbf: {  	_ =	sfence.sel $0xFFFF  }
0xc0: {  	[dreg:$0x0] =	wrdreg $0xFFFFFFFF;
	(pc) =	sbr.abs _section_cstart, $3  }
0xc1: {  	[dreg:$0x1] =	wrdreg $0xFFFFFFFF  }
0xc2: {  	_ =	task.clear_ibuf [dreg:s7], $0x2FFFF;
	_ =	strace $0x9FFFFFFF  }
0xc3: {  	(tm) =	ssettm $0x7FFFFFFF  }
tec
execute0_lowered:
.L_overlay_start_1:
0x0: {  	(tag) =	ssettag $0x1  }
0x1: {  	s8 =	rddreg [dreg:$0x0]  }
0x2: {  	s6 =	rddreg [dreg:$0x1]  }
0x3: {  	s1 =	rddreg [dreg:$0x2]  }
0x4: {  	s2 =	srdreg.scid;
	s0 =	rddreg [dreg:$0x3]  }
0x5: {  	s3 =	simm.s32 $0x0;
	s14 =	simm.s32 $0x180;
	s15 =	simm.s32 $0x200  }
0x6: {  	s16 =	simm.s32 $0x280;
	s17 =	simm.s32 $0x300;
	s5 =	sand.u32 $0x1, s2  }
0x7: {  	s18 =	simm.s32 $0x380;
	s2 =	stileid.u32;
	s7 =	smul.u32 $0x4F00, s5  }
0x8: {  	[smem:$0x7FF] =	sst s3;
	s4 =	sadd.s32 $0x5C00, s6;
	s9 =	smul.u32 $0x2780, s2  }
0x9: {  	_ =	strace $0x80000047;
	s10 =	ssub.s32 $0x2, s5;
	s11 =	smul.u32 $0x5000, s2  }
0xa: {  	s13 =	smul.u32 $0x2800, s5;
	s5 =	sadd.s32 $0x5A00, s6;
	s12 =	sshrl.u32 s10, $0x1  }
0xb: {  	s31 =	sshll.u32 s2, $0x6;
	s7 =	sadd.s32 s7, s6;
	s10 =	ssub.s32 s10, s12  }
0xc: {  	s30 =	sadd.s32 s9, s1;
	s11 =	sadd.s32 s13, s11;
	s6 =	sor.u32 $0x1C01, s31  }
0xd: {  	s20 =	sshrl.u32 s9, $0x3;
	s12 =	simm.s32 $0x80;
	s13 =	simm.s32 $0x100  }
0xe: {  	s19 =	sadd.s32 $0x6200, s7;
	s11 =	sshrl.u32 s11, $0x3;
	s7 =	smax.u32 s10, $0x1  }
0xf: {  	s9 =	sshrl.u32 s30, $0x3;
	s10 =	simm.s32 $0x1;
	s8 =	sadd.s32 s11, s8  }
0x10: {  	s11 =	simm.s32 $0x2B80;
	s19 =	sadd.s32 s20, s19;
	s20 =	simm.s32 $0x0  }
.LBB2_1:
0x11: {  	[spmem:s9], [sflag:s6] =	dma.local [hbm:s4], $0x4F0  }
0x12: {  	_ =	swait.ge [sflag:s10], $0x4F0  }
0x13: {  	[sflag:s10] =	ssyncset.done $0x0  }
0x14: {  	[sflag:s10] =	ssyncadd.s32 $0xFFFFFB10  }
0x15: {  	[tilespmem:s11], [sflag:$0x1] =	stream.linear.gather [hbm4b:s5+s3], $0x800, $0x38;
	[tilespmem:$0x3380] =	vst v63  }
0x16: {  	_ =	swait.ge [sflag:s10], $0x800  }
0x17: {  	[sflag:s10] =	ssyncset.done $0x0  }
0x18: {  	[sflag:s10] =	ssyncadd.s32 $0xFFFFF800  }
0x19: {  	s21 =	sadd.s32 $0x0, s8;
	[bflag:$0x0] =	sbarrier.arrive $0xFFFF  }
0x1a: {  	[tilespmem:s3], [sflag:$0x1] =	stream.linear.gather [hbm4b:s21+s3], $0x400, $0x38;
	[tilespmem:$0x3380] =	vst v63  }
0x1b: {  	_ =	swait.ge [sflag:s10], $0x400  }
0x1c: {  	[sflag:s10] =	ssyncset.done $0x0  }
0x1d: {  	[sflag:s10] =	ssyncadd.s32 $0xFFFFFC00  }
0x1e: {  	[spmem:s1] =	stream.indirect.scatter.add.f32 [tilespmem:s11], [sflag:$0x1], $0x10, s3, s12, $0xb8;
	[tilespmem:$0x3380] =	vst v63  }
0x1f: {  	_ =	swait.ge [sflag:s10], $0x800  }
0x20: {  	[sflag:s10] =	ssyncset.done $0x0  }
0x21: {  	[sflag:s10] =	ssyncadd.s32 $0xFFFFF800  }
0x22: {  	[spmem:s1] =	stream.indirect.scatter.add.f32 [tilespmem:s11], [sflag:$0x1], $0x10, s12, s12, $0xb8;
	[tilespmem:$0x3380] =	vst v63  }
0x23: {  	_ =	swait.ge [sflag:s10], $0x800  }
0x24: {  	[sflag:s10] =	ssyncset.done $0x0  }
0x25: {  	[sflag:s10] =	ssyncadd.s32 $0xFFFFF800  }
0x26: {  	[spmem:s1] =	stream.indirect.scatter.add.f32 [tilespmem:s11], [sflag:$0x1], $0x10, s13, s12, $0xb8;
	[tilespmem:$0x3380] =	vst v63  }
0x27: {  	_ =	swait.ge [sflag:s10], $0x800  }
0x28: {  	[sflag:s10] =	ssyncset.done $0x0  }
0x29: {  	[sflag:s10] =	ssyncadd.s32 $0xFFFFF800  }
0x2a: {  	[spmem:s1] =	stream.indirect.scatter.add.f32 [tilespmem:s11], [sflag:$0x1], $0x10, s14, s12, $0xb8;
	[tilespmem:$0x3380] =	vst v63  }
0x2b: {  	_ =	swait.ge [sflag:s10], $0x800  }
0x2c: {  	[sflag:s10] =	ssyncset.done $0x0  }
0x2d: {  	[sflag:s10] =	ssyncadd.s32 $0xFFFFF800  }
0x2e: {  	[spmem:s1] =	stream.indirect.scatter.add.f32 [tilespmem:s11], [sflag:$0x1], $0x10, s15, s12, $0xb8;
	[tilespmem:$0x3380] =	vst v63  }
0x2f: {  	_ =	swait.ge [sflag:s10], $0x800  }
0x30: {  	[sflag:s10] =	ssyncset.done $0x0  }
0x31: {  	[sflag:s10] =	ssyncadd.s32 $0xFFFFF800  }
0x32: {  	[spmem:s1] =	stream.indirect.scatter.add.f32 [tilespmem:s11], [sflag:$0x1], $0x10, s16, s12, $0xb8;
	[tilespmem:$0x3380] =	vst v63  }
0x33: {  	_ =	swait.ge [sflag:s10], $0x800  }
0x34: {  	[sflag:s10] =	ssyncset.done $0x0  }
0x35: {  	[sflag:s10] =	ssyncadd.s32 $0xFFFFF800  }
0x36: {  	[spmem:s1] =	stream.indirect.scatter.add.f32 [tilespmem:s11], [sflag:$0x1], $0x10, s17, s12, $0xb8;
	[tilespmem:$0x3380] =	vst v63  }
0x37: {  	_ =	swait.ge [sflag:s10], $0x800  }
0x38: {  	[sflag:s10] =	ssyncset.done $0x0  }
0x39: {  	[sflag:s10] =	ssyncadd.s32 $0xFFFFF800  }
0x3a: {  	[spmem:s1] =	stream.indirect.scatter.add.f32 [tilespmem:s11], [sflag:$0x1], $0x10, s18, s12, $0xb8;
	[tilespmem:$0x3380] =	vst v63  }
0x3b: {  	_ =	swait.ge [sflag:s10], $0x800  }
0x3c: {  	s23 =	simm.s32 $0x100;
	s21 =	simm.s32 $0x80;
	[sflag:s10] =	ssyncset.done $0x0  }
.LBB2_2:
0x3d: {  	s24 =	sadd.s32 s21, s8  }
0x3e: {  	[sflag:s10] =	ssyncadd.s32 $0xFFFFF800;
	s21 =	smov.u32 s23;
	s22 =	sadd.s32 $0x80, s23  }
0x3f: {  	[tilespmem:s3], [sflag:$0x1] =	stream.linear.gather [hbm4b:s24+s3], $0x400, $0x38;
	[tilespmem:$0x3380] =	vst v63  }
0x40: {  	p0 =	sne.s32 s23, $0x480;
	_ =	swait.ge [sflag:s10], $0x400  }
0x41: {  	[sflag:s10] =	ssyncset.done $0x0  }
0x42: {  	[sflag:s10] =	ssyncadd.s32 $0xFFFFFC00  }
0x43: {  	[spmem:s1] =	stream.indirect.scatter.add.f32 [tilespmem:s11], [sflag:$0x1], $0x10, s3, s12, $0xb8;
	[tilespmem:$0x3380] =	vst v63  }
0x44: {  	_ =	swait.ge [sflag:s10], $0x800  }
0x45: {  	[sflag:s10] =	ssyncset.done $0x0  }
0x46: {  	[sflag:s10] =	ssyncadd.s32 $0xFFFFF800  }
0x47: {  	[spmem:s1] =	stream.indirect.scatter.add.f32 [tilespmem:s11], [sflag:$0x1], $0x10, s12, s12, $0xb8;
	[tilespmem:$0x3380] =	vst v63  }
0x48: {  	_ =	swait.ge [sflag:s10], $0x800  }
0x49: {  	[sflag:s10] =	ssyncset.done $0x0  }
0x4a: {  	[sflag:s10] =	ssyncadd.s32 $0xFFFFF800  }
0x4b: {  	[spmem:s1] =	stream.indirect.scatter.add.f32 [tilespmem:s11], [sflag:$0x1], $0x10, s13, s12, $0xb8;
	[tilespmem:$0x3380] =	vst v63  }
0x4c: {  	_ =	swait.ge [sflag:s10], $0x800  }
0x4d: {  	[sflag:s10] =	ssyncset.done $0x0  }
0x4e: {  	[sflag:s10] =	ssyncadd.s32 $0xFFFFF800  }
0x4f: {  	[spmem:s1] =	stream.indirect.scatter.add.f32 [tilespmem:s11], [sflag:$0x1], $0x10, s14, s12, $0xb8;
	[tilespmem:$0x3380] =	vst v63  }
0x50: {  	_ =	swait.ge [sflag:s10], $0x800  }
0x51: {  	[sflag:s10] =	ssyncset.done $0x0  }
0x52: {  	[sflag:s10] =	ssyncadd.s32 $0xFFFFF800  }
0x53: {  	[spmem:s1] =	stream.indirect.scatter.add.f32 [tilespmem:s11], [sflag:$0x1], $0x10, s15, s12, $0xb8;
	[tilespmem:$0x3380] =	vst v63  }
0x54: {  	_ =	swait.ge [sflag:s10], $0x800  }
0x55: {  	[sflag:s10] =	ssyncset.done $0x0  }
0x56: {  	[sflag:s10] =	ssyncadd.s32 $0xFFFFF800  }
0x57: {  	[spmem:s1] =	stream.indirect.scatter.add.f32 [tilespmem:s11], [sflag:$0x1], $0x10, s16, s12, $0xb8;
	[tilespmem:$0x3380] =	vst v63  }
0x58: {  	_ =	swait.ge [sflag:s10], $0x800  }
0x59: {  	[sflag:s10] =	ssyncset.done $0x0  }
0x5a: {  	[sflag:s10] =	ssyncadd.s32 $0xFFFFF800  }
0x5b: {  	[spmem:s1] =	stream.indirect.scatter.add.f32 [tilespmem:s11], [sflag:$0x1], $0x10, s17, s12, $0xb8;
	[tilespmem:$0x3380] =	vst v63  }
0x5c: {  	_ =	swait.ge [sflag:s10], $0x800  }
.Ltmp0:
0x5d: {  	[sflag:s10] =	ssyncset.done $0x0;
	(pc) =	sbr.rel @p0 .LBB2_2-.Ltmp0, $4  }
0x5e: {  	[sflag:s10] =	ssyncadd.s32 $0xFFFFF800  }
0x5f: {  	[spmem:s1] =	stream.indirect.scatter.add.f32 [tilespmem:s11], [sflag:$0x1], $0x10, s18, s12, $0xb8;
	[tilespmem:$0x3380] =	vst v63  }
0x60: {  	_ =	swait.ge [sflag:s10], $0x800  }
0x61: {  	s23 =	smov.u32 s22;
	[sflag:s10] =	ssyncset.done $0x0  }
0x62: {  	s21 =	sadd.s32 s21, s8;
	[sflag:s10] =	ssyncadd.s32 $0xFFFFF800  }
0x63: {  	[tilespmem:s3], [sflag:$0x1] =	stream.linear.gather [hbm4b:s21+s3], $0x400, $0x38;
	[tilespmem:$0x3380] =	vst v63  }
0x64: {  	_ =	swait.ge [sflag:s10], $0x400  }
0x65: {  	[sflag:s10] =	ssyncset.done $0x0  }
0x66: {  	[sflag:s10] =	ssyncadd.s32 $0xFFFFFC00  }
0x67: {  	[spmem:s1] =	stream.indirect.scatter.add.f32 [tilespmem:s11], [sflag:$0x1], $0x10, s3, s12, $0xb8;
	[tilespmem:$0x3380] =	vst v63  }
0x68: {  	_ =	swait.ge [sflag:s10], $0x800  }
0x69: {  	[sflag:s10] =	ssyncset.done $0x0  }
0x6a: {  	[sflag:s10] =	ssyncadd.s32 $0xFFFFF800  }
0x6b: {  	[spmem:s1] =	stream.indirect.scatter.add.f32 [tilespmem:s11], [sflag:$0x1], $0x10, s12, s12, $0xb8;
	[tilespmem:$0x3380] =	vst v63  }
0x6c: {  	_ =	swait.ge [sflag:s10], $0x800  }
0x6d: {  	[sflag:s10] =	ssyncset.done $0x0  }
0x6e: {  	[sflag:s10] =	ssyncadd.s32 $0xFFFFF800  }
0x6f: {  	[spmem:s1] =	stream.indirect.scatter.add.f32 [tilespmem:s11], [sflag:$0x1], $0x10, s13, s12, $0xb8;
	[tilespmem:$0x3380] =	vst v63  }
0x70: {  	_ =	swait.ge [sflag:s10], $0x800  }
0x71: {  	[sflag:s10] =	ssyncset.done $0x0  }
0x72: {  	[sflag:s10] =	ssyncadd.s32 $0xFFFFF800  }
0x73: {  	[spmem:s1] =	stream.indirect.scatter.add.f32 [tilespmem:s11], [sflag:$0x1], $0x10, s14, s12, $0xb8;
	[tilespmem:$0x3380] =	vst v63  }
0x74: {  	_ =	swait.ge [sflag:s10], $0x800  }
0x75: {  	[sflag:s10] =	ssyncset.done $0x0  }
0x76: {  	[sflag:s10] =	ssyncadd.s32 $0xFFFFF800  }
0x77: {  	[spmem:s1] =	stream.indirect.scatter.add.f32 [tilespmem:s11], [sflag:$0x1], $0x10, s15, s12, $0xb8;
	[tilespmem:$0x3380] =	vst v63  }
0x78: {  	_ =	swait.ge [sflag:s10], $0x800  }
0x79: {  	[sflag:s10] =	ssyncset.done $0x0  }
0x7a: {  	[sflag:s10] =	ssyncadd.s32 $0xFFFFF800  }
0x7b: {  	[spmem:s1] =	stream.indirect.scatter.add.f32 [tilespmem:s11], [sflag:$0x1], $0x10, s16, s12, $0xb8;
	[tilespmem:$0x3380] =	vst v63  }
0x7c: {  	_ =	swait.ge [sflag:s10], $0x800  }
0x7d: {  	[sflag:s10] =	ssyncset.done $0x0  }
0x7e: {  	[sflag:s10] =	ssyncadd.s32 $0xFFFFF800  }
0x7f: {  	[spmem:s1] =	stream.indirect.scatter.add.f32 [tilespmem:s11], [sflag:$0x1], $0x10, s17, s12, $0xb8;
	[tilespmem:$0x3380] =	vst v63  }
0x80: {  	_ =	swait.ge [sflag:s10], $0x800  }
0x81: {  	[sflag:s10] =	ssyncset.done $0x0  }
0x82: {  	[sflag:s10] =	ssyncadd.s32 $0xFFFFF800  }
0x83: {  	[spmem:s1] =	stream.indirect.scatter.add.f32 [tilespmem:s11], [sflag:$0x1], $0x10, s18, s12, $0xb8;
	[tilespmem:$0x3380] =	vst v63  }
0x84: {  	_ =	swait.ge [sflag:s10], $0x800  }
0x85: {  	s20 =	sadd.s32 $0x1, s20;
	[sflag:s10] =	ssyncset.done $0x0  }
0x86: {  	p0 =	sne.s32 s20, s7;
	[sflag:s10] =	ssyncadd.s32 $0xFFFFF800  }
.Ltmp1:
0x87: {  	[bflag:$0x0] =	sbarrier.arrive $0xFFFF;
	(pc) =	sbr.rel @p0 .LBB2_1-.Ltmp1, $4  }
0x88: {  	[hbm:s19], [sflag:s6] =	dma.local [spmem:s9], $0x4F0  }
0x89: {  	_ =	swait.ge [sflag:s10], $0x4F0  }
0x8a: {  	[sflag:s10] =	ssyncset.done $0x0  }
0x8b: {  	[sflag:s10] =	ssyncadd.s32 $0xFFFFFB10  }
0x8c: {  	_ =	sfence.sel $0x180000  }
0x8d: {  	[bflag:$0x0] =	sbarrier.arrive $0xFFFF  }
0x8e: {  	p0 =	sne.s32 s2, $0x0;
	_ =	strace $0x90000047  }
0x8f: {  	s0 =	sadd.s32 @!p0 $0x100000, s0;
	[bflag:$0x2] =	sbarrier.arrive $0xFFFF  }
0x90: {  	[sflag:s0] =	ssyncadd.tile.s32 @!p0 $0x1;
	_ =	shalt  }
.Lfunc_end2:
_tile_overlayer_lowered:
.L_overlay_start_2:
0x91: {  	(tag) =	ssettag $0x2  }
0x92: {  	s0 =	rddreg [dreg:$0x0];
	s2 =	stileid.u32  }
0x93: {  	s1 =	rddreg [dreg:$0x1];
	p0 =	sne.s32 s2, $0x0  }
0x94: {  	s3 =	rddreg [dreg:$0x2];
	[bflag:$0x3] =	sbarrier.arrive $0xFFFF;
	s2 =	simm.s32 @!p0 $0x1C01  }
0x95: {  	[timem:s3], [sflag:s2] =	dma.local @!p0 [hbm:s0], s1  }
0x96: {  	s0 =	simm.s32 @!p0 $0x1  }
0x97: {  	_ =	swait.ge @!p0 [sflag:s0], s1  }
0x98: {  	s1 =	ssub.s32 @!p0 $0x0, s1;
	[sflag:s0] =	ssyncset.done @!p0 $0x0  }
0x99: {  	[sflag:s0] =	ssyncadd.s32 @!p0 s1  }
0x9a: {  	[bflag:$0x3] =	sbarrier.arrive $0xFFFF  }
0x9b: {  	_ =	shalt  }

// kernel: kernel.15.cloned.1.call-start
scs
__scs_entry_jumppad:
0x0: {  	(pc) =	sbr.rel $0x88, $3  }
0x1: {  	(tag) =	ssettag $0x0;
	lr =	simm.s32 $0x1  }
0x2: {  	[smem:$0x3F93] =	sst lr;
	_ =	strace $0xD0000000  }
0x3: {  	_ = 	snop  }
0x4: {  	_ = 	snop  }
0x5: {  	_ = 	snop  }
0x6: {  	_ = 	snop  }
0x7: {  	_ = 	snop  }
__scs_overlays_trampoline_lowered:
0x8: {  	[smem:$0x3FA2] =	sst s0  }
0x9: {  	[smem:$0x3FA3] =	sst s1  }
0xa: {  	[smem:$0x3FA4] =	sst s2  }
0xb: {  	[smem:$0x3FA5] =	sst s3  }
0xc: {  	[smem:$0x3FA6] =	sst s4  }
0xd: {  	[smem:$0x3FA7] =	sst s5  }
0xe: {  	[smem:$0x3FA8] =	sst s6  }
0xf: {  	[smem:$0x3FA9] =	sst s7  }
0x10: {  	[smem:$0x3FAA] =	sst s8  }
0x11: {  	[smem:$0x3FAB] =	sst s9;
	s0 =	simm.s32 @!p0 $0x0  }
0x12: {  	s1 =	sld [smem:$0x3F91];
	s0 =	simm.s32 @p0 $0x1  }
0x13: {  	[smem:$0x3FAC] =	sst s0;
	s0 =	simm.s32 @!p1 $0x0  }
0x14: {  	s2 =	sld [smem:$0x3F90];
	s0 =	simm.s32 @p1 $0x1  }
0x15: {  	[smem:$0x3FAD] =	sst s0;
	s0 =	simm.s32 @!p2 $0x0  }
0x16: {  	s3 =	sld [smem:$0x3FDB];
	s0 =	simm.s32 @p2 $0x1  }
0x17: {  	s4 =	simm.s32 $0x1BF5;
	[smem:$0x3FAF] =	sst s0  }
0x18: {  	s0 =	sld [smem:$0x3F92];
	_ =	swait.ge [sflag:s4], $0x0  }
0x19: {  	s7 =	sld [smem:$0x3F93]  }
0x1a: {  	s8 =	sadd.s32 $0xFFFFE003, lr  }
0x1b: {  	s9 =	sadd.s32 $0xFFFFFEF7, lr;
	s5 =	simm.s32 $0xFFFFFFFF;
	p2 =	slt.u32 s8, $0xFFFFF086  }
0x1c: {  	p1 =	slt.u32 s9, $0xF7A;
	s5 =	simm.s32 @!p2 $0x0  }
0x1d: {  	s5 =	simm.s32 @p1 $0x1;
	p0 =	seq.s32 s7, s2  }
0x1e: {  	s7 =	smul.u32 @!p0 $0xF7A, s2;
	p2 =	seq.s32 @!p0 s5, $0x0  }
0x1f: {  	s9 =	smul.u32 $0xF7A, s1;
	s8 =	simm.s32 @!p0 $0x1BF5;
	p2 =	por !p2, p0  }
0x20: {  	[sflag:s8] =	ssyncset.s32 @!p0 $0xFFFFF086;
	s6 =	sadd.s32 @!p0 s3, s7;
	s7 =	simm.s32 @!p0 $0x108  }
0x21: {  	s3 =	sadd.s32 s3, s9;
	s6 =	sadd.s32 @!p0 $0x88, s6;
	s7 =	simm.s32 @p2 $0x1082  }
0x22: {  	[simem:s7], [sflag:s8] =	dma.local @!p0 [hbm:s6], $0xF7A  }
0x23: {  	s9 =	sor.u32 $0xD0000000, s2;
	s6 =	simm.s32 $0x108;
	_ =	swait.ge @!p0 [sflag:s8], $0x0  }
0x24: {  	s3 =	sadd.s32 $0x88, s3;
	s6 =	simm.s32 @!p1 $0x1082;
	[sflag:s4] =	ssyncset.s32 $0xFFFFF086  }
0x25: {  	[simem:s6], [sflag:s4] =	dma.local [hbm:s3], $0xF7A  }
0x26: {  	[smem:$0x3F93] =	sst s1;
	(tag) =	ssettag s2;
	_ =	strace s9  }
0x27: {  	s1 =	sld [smem:$0x3FA3]  }
0x28: {  	s2 =	sld [smem:$0x3FA4]  }
0x29: {  	s4 =	sld [smem:$0x3FA6]  }
0x2a: {  	p0 =	seq.s32 s5, $0x0;
	s5 =	sld [smem:$0x3FA7]  }
0x2b: {  	s6 =	sld [smem:$0x3FA8]  }
0x2c: {  	s7 =	sld [smem:$0x3FA9]  }
0x2d: {  	s3 =	simm.s32 $0x108;
	s8 =	sld [smem:$0x3FAA]  }
0x2e: {  	s3 =	simm.s32 @!p0 $0x1082;
	s9 =	sld [smem:$0x3FAB]  }
0x2f: {  	lr =	sadd.s32 s0, s3;
	s0 =	sld [smem:$0x3FA2]  }
0x30: {  	s3 =	sld [smem:$0x3FA5]  }
0x31: {  	[smem:$0x3FAE] =	sst s10  }
0x32: {  	s10 =	sld [smem:$0x3FAC];
	_ =	sdelay $0x3  }
0x33: {  	p0 =	seq.s32 s10, $0x1;
	s10 =	sld [smem:$0x3FAE];
	_ =	sdelay $0x3  }
0x34: {  	[smem:$0x3FAE] =	sst s10  }
0x35: {  	s10 =	sld [smem:$0x3FAD];
	_ =	sdelay $0x3  }
0x36: {  	p1 =	seq.s32 s10, $0x1;
	s10 =	sld [smem:$0x3FAE];
	_ =	sdelay $0x3  }
0x37: {  	[smem:$0x3FAE] =	sst s10  }
0x38: {  	s10 =	sld [smem:$0x3FAF]  }
0x39: {  	_ = 	snop;
	(pc) =	sbr.ind lr, $3  }
0x3a: {  	_ = 	snop  }
0x3b: {  	_ = 	snop  }
0x3c: {  	p2 =	seq.s32 s10, $0x1;
	s10 =	sld [smem:$0x3FAE]  }
0x3d: {  	_ =	shalt  }
0x3e: {  	_ =	shalt  }
0x3f: {  	_ =	shalt  }
0x40: {  	_ =	shalt  }
0x41: {  	_ =	shalt  }
0x42: {  	_ =	shalt  }
0x43: {  	_ =	shalt  }
0x44: {  	_ =	shalt  }
0x45: {  	_ =	shalt  }
0x46: {  	_ =	shalt  }
0x47: {  	_ =	shalt  }
0x48: {  	_ =	shalt  }
0x49: {  	_ =	shalt  }
0x4a: {  	_ =	shalt  }
0x4b: {  	_ =	shalt  }
0x4c: {  	_ =	shalt  }
0x4d: {  	_ =	shalt  }
0x4e: {  	_ =	shalt  }
0x4f: {  	_ =	shalt  }
0x50: {  	_ =	shalt  }
0x51: {  	_ =	shalt  }
0x52: {  	_ =	shalt  }
0x53: {  	_ =	shalt  }
0x54: {  	_ =	shalt  }
0x55: {  	_ =	shalt  }
0x56: {  	_ =	shalt  }
0x57: {  	_ =	shalt  }
0x58: {  	_ =	shalt  }
0x59: {  	_ =	shalt  }
0x5a: {  	_ =	shalt  }
0x5b: {  	_ =	shalt  }
0x5c: {  	_ =	shalt  }
0x5d: {  	_ =	shalt  }
0x5e: {  	_ =	shalt  }
0x5f: {  	_ =	shalt  }
0x60: {  	_ =	shalt  }
0x61: {  	_ =	shalt  }
0x62: {  	_ =	shalt  }
0x63: {  	_ =	shalt  }
0x64: {  	_ =	shalt  }
0x65: {  	_ =	shalt  }
0x66: {  	_ =	shalt  }
0x67: {  	_ =	shalt  }
0x68: {  	_ =	shalt  }
0x69: {  	_ =	shalt  }
0x6a: {  	_ =	shalt  }
0x6b: {  	_ =	shalt  }
0x6c: {  	_ =	shalt  }
0x6d: {  	_ =	shalt  }
0x6e: {  	_ =	shalt  }
0x6f: {  	_ =	shalt  }
0x70: {  	_ =	shalt  }
0x71: {  	_ =	shalt  }
0x72: {  	_ =	shalt  }
0x73: {  	_ =	shalt  }
0x74: {  	_ =	shalt  }
0x75: {  	_ =	shalt  }
0x76: {  	_ =	shalt  }
0x77: {  	_ =	shalt  }
0x78: {  	_ =	shalt  }
0x79: {  	_ =	shalt  }
0x7a: {  	_ =	shalt  }
0x7b: {  	_ =	shalt  }
0x7c: {  	_ =	shalt  }
0x7d: {  	_ =	shalt  }
0x7e: {  	_ =	shalt  }
0x7f: {  	_ =	shalt  }
0x80: {  	_ =	shalt  }
0x81: {  	_ =	shalt  }
0x82: {  	_ =	shalt  }
0x83: {  	_ =	shalt  }
0x84: {  	_ =	shalt  }
0x85: {  	_ =	shalt  }
0x86: {  	_ =	shalt  }
0x87: {  	_ =	shalt  }
.Lfunc_end0:
.L_simem_size_0:
called_computation.1_lowered:
.L_overlay_start_0:
0x88: {  	s2 =	sld [smem:$0x3FD9]  }
0x89: {  	s3 =	sld [smem:$0x3FFE];
	_ =	sdelay $0x1  }
0x8a: {  	s1 =	srdreg.scid  }
0x8b: {  	s0 =	sand.u32 $0x1, s1  }
0x8c: {  	s17 =	sshll.u32 s0, $0xA;
	s2 =	sadd.s32 s3, s2  }
0x8d: {  	s2 =	sadd.s32 s2, s17  }
0x8e: {  	[smem:$0x3FBA] =	sst s2  }
0x8f: {  	_ = 	snop  }
0x90: {  	s18 =	sld [smem:$0x3FC9];
	(tm) =	ssettm $0x1  }
0x91: {  	s19 =	sld [smem:$0x3FFB];
	_ =	sdelay $0x3  }
0x92: {  	_ =	strace s19  }
0x93: {  	s2 =	sld [smem:$0x3FFC];
	_ =	sdelay $0x3  }
0x94: {  	_ =	strace s2  }
0x95: {  	s2 =	sld [smem:$0x3FFD];
	_ =	sdelay $0x3  }
0x96: {  	_ =	strace s2  }
0x97: {  	_ =	strace $0x8FFFFFFF  }
0x98: {  	s20 =	sld [smem:$0x3FDB];
	_ =	sdelay $0x1  }
0x99: {  	s4 =	simm.s32 $_scs_section_size  }
0x9a: {  	s5 =	simm.s32 $_size__tile_overlayer_lowered;
	s6 =	simm.s32 $_tile_overlayer_lowered  }
0x9b: {  	s7 =	simm.s32 $0x1BFF;
	s21 =	sshll.u32 s6, $0x1;
	s4 =	sadd.s32 s4, s20  }
0x9c: {  	s22 =	simm.s32 $0x0;
	s5 =	sshll.u32 s5, $0x1;
	s6 =	sadd.s32 s21, s4  }
0x9d: {  	[timem:s22], [sflag:s7] =	dma.local [hbm:s6], s5  }
0x9e: {  	_ =	swait.ge [sflag:s7], s5  }
0x9f: {  	s5 =	ssub.s32 $0x0, s5;
	[sflag:s7] =	ssyncset.done $0x0  }
0xa0: {  	[sflag:s7] =	ssyncadd.s32 s5;
	_ =	sdelay $0x1  }
0xa1: {  	s23 =	simm.s32 $0x1B8B  }
0xa2: {  	_ =	swait.ge [sflag:s23], $0x1  }
0xa3: {  	[sflag:s23] =	ssyncset.done $0x0  }
0xa4: {  	[sflag:s23] =	ssyncadd.s32 $0xFFFFFFFF  }
0xa5: {  	s5 =	sld [smem:$0x0]  }
0xa6: {  	s6 =	sand.u32 $0xFFFFFFFE, s1  }
0xa7: {  	p0 =	sne.s32 s1, s6  }
0xa8: {  	s6 =	sshll.u32 @p0 s6, $0xE  }
0xa9: {  	s6 =	sadd.s32 @p0 $0x11B8D, s6;
	s7 =	sshll.u32 @p0 s5, $0x11  }
0xaa: {  	s6 =	sor.u32 @p0 s7, s6  }
0xab: {  	[sflag:s6] =	ssyncadd.remote.s32 @p0 $0x1;
	_ =	sdelay $0x1  }
0xac: {  	s6 =	simm.s32 @p0 $0x1B8D  }
0xad: {  	_ =	swait.eq @p0 [sflag:s6], $0x1  }
0xae: {  	[sflag:s6] =	ssyncadd.s32 @p0 $0xFFFFFFFF  }
0xaf: {  	s7 =	sshll.u32 @!p0 s1, $0xE  }
0xb0: {  	s7 =	sor.u32 @!p0 $0x4000, s7;
	s6 =	simm.s32 @!p0 $0x1B8D  }
0xb1: {  	s5 =	sshll.u32 @!p0 s5, $0x11;
	s7 =	sadd.s32 @!p0 $0x11B8D, s7;
	_ =	swait.eq @!p0 [sflag:s6], $0x1  }
0xb2: {  	s5 =	sor.u32 @!p0 s5, s7;
	[sflag:s6] =	ssyncadd.s32 @!p0 $0xFFFFFFFF  }
0xb3: {  	s25 =	simm.s32 $0x1B8E;
	s24 =	sld [smem:$0x3FFE];
	[sflag:s5] =	ssyncadd.remote.s32 @!p0 $0x1  }
0xb4: {  	s26 =	simm.s32 $execute0_lowered;
	[smem:$0x3FD2] =	sst s25  }
0xb5: {  	s6 =	sshll.u32 s26, $0x1;
	_ =	strace $0x80000049;
	[dreg:$0x1] =	wrdreg $0xFFFFFFFF  }
0xb6: {  	s28 =	simm.s32 $_size_execute0_lowered;
	s4 =	sadd.s32 s4, s6;
	[dreg:$0x0] =	wrdreg $0x0  }
0xb7: {  	s6 =	sshll.u32 s28, $0x1;
	[dreg:$0x2] =	wrdreg s4  }
0xb8: {  	[dreg:$0x3] =	wrdreg s6  }
0xb9: {  	[dreg:$0x4] =	wrdreg $0xC0  }
0xba: {  	_ =	task [dreg:s22], $0x5FFFF  }
0xbb: {  	[dreg:$0x1] =	wrdreg $0xFFFFFFFF  }
0xbc: {  	[dreg:$0x0] =	wrdreg $0x60  }
0xbd: {  	[dreg:$0x2] =	wrdreg s18  }
0xbe: {  	[dreg:$0x3] =	wrdreg s24  }
0xbf: {  	[dreg:$0x4] =	wrdreg $0x82000  }
0xc0: {  	[dreg:$0x5] =	wrdreg $0xA  }
0xc1: {  	_ =	task.clear_ibuf [dreg:s22], $0x6FFFF;
	_ =	strace $0x90000049  }
0xc2: {  	s29 =	simm.s32 $0xA;
	_ =	strace $0x8000004B  }
0xc3: {  	_ =	swait.ge [sflag:s29], $0x1  }
0xc4: {  	[sflag:s29] =	ssyncadd.s32 $0xFFFFFFFF  }
0xc5: {  	_ =	strace $0x9000004B  }
0xc6: {  	_ =	sfence  }
0xc7: {  	s30 =	sld [smem:$0x0];
	_ =	sdelay $0x2  }
0xc8: {  	s31 =	sshll.u32 s1, $0xD;
	s1 =	sshrl.u32 s1, $0x2  }
0xc9: {  	s4 =	sand.u32 $0x4000, s31;
	s1 =	sadd.s32 s1, s30  }
0xca: {  	s0 =	sor.u32 s4, s0;
	s1 =	sshll.u32 s1, $0x11  }
0xcb: {  	s0 =	sor.u32 s1, s0  }
0xcc: {  	s0 =	sadd.s32 $0x8F2B, s0  }
0xcd: {  	[sflag:s0] =	ssyncadd.remote.s32 $0x1  }
0xce: {  	_ =	sfence.sel $0xFFFF  }
0xcf: {  	[dreg:$0x0] =	wrdreg $0xFFFFFFFF;
	(pc) =	sbr.abs _section_cstart, $3  }
0xd0: {  	[dreg:$0x1] =	wrdreg $0xFFFFFFFF  }
0xd1: {  	_ =	task.clear_ibuf [dreg:s22], $0x2FFFF;
	_ =	strace $0x9FFFFFFF  }
0xd2: {  	(tm) =	ssettm $0x7FFFFFFF  }
0xd3: {  	_ =	shalt  }
tec
execute0_lowered:
.L_overlay_start_1:
0x0: {  	(tag) =	ssettag $0x1  }
0x1: {  	s1 =	rddreg [dreg:$0x0]  }
0x2: {  	s6 =	rddreg [dreg:$0x1]  }
0x3: {  	s2 =	rddreg [dreg:$0x2]  }
0x4: {  	s0 =	rddreg [dreg:$0x3];
	s3 =	simm.s32 $0x0  }
0x5: {  	s4 =	srdreg.scid;
	s15 =	simm.s32 $0x100;
	s16 =	simm.s32 $0x4200  }
0x6: {  	s17 =	simm.s32 $0x1;
	s18 =	simm.s32 $0x2;
	s19 =	simm.s32 $0x180  }
0x7: {  	[smem:$0x7FF] =	sst s3;
	s10 =	sadd.s32 $0x10000, s6;
	s8 =	sand.u32 $0x1, s4  }
0x8: {  	s4 =	stileid.u32;
	s5 =	sadd.s32 $0x24000, s6;
	s7 =	smul.u32 $0x27800, s8  }
0x9: {  	_ =	strace $0x8000004A;
	s9 =	sshll.u32 s4, $0x1;
	s12 =	smul.u32 $0x13C00, s4  }
0xa: {  	s11 =	ssub.s32 $0x2, s8;
	s30 =	sshll.u32 s4, $0x6;
	s14 =	smul.u32 $0x1400, s4  }
0xb: {  	s31 =	smul.u32 $0xA00, s8;
	s9 =	sor.u32 s8, s9;
	s25 =	sshrl.u32 s11, $0x1  }
0xc: {  	s13 =	sadd.s32 s7, s6;
	s26 =	smul.u32 $0xA00, s9;
	s28 =	ssub.s32 s11, s25  }
0xd: {  	s29 =	sadd.s32 s12, s2;
	s6 =	sor.u32 $0x1C03, s30;
	s21 =	sshrl.u32 s12, $0x3  }
0xe: {  	s12 =	simm.s32 $0x3;
	s20 =	sadd.s32 $0x26800, s13;
	s8 =	smax.u32 s28, $0x1  }
0xf: {  	s11 =	sshrl.u32 s29, $0x3;
	s13 =	simm.s32 $0x80;
	s7 =	sadd.s32 s10, s26  }
0x10: {  	s10 =	sadd.s32 s14, s10;
	s14 =	simm.s32 $0x200;
	s20 =	sadd.s32 s21, s20  }
0x11: {  	s21 =	simm.s32 $0x0;
	s9 =	sadd.s32 $0x9E0, s7;
	s10 =	sadd.s32 s31, s10  }
.LBB2_1:
0x12: {  	[spmem:s11], [sflag:s6] =	dma.local [hbm:s5], $0x2780  }
0x13: {  	_ =	swait.ge [sflag:s12], $0x2780  }
0x14: {  	[sflag:s12] =	ssyncset.done $0x0  }
0x15: {  	[sflag:s12] =	ssyncadd.s32 $0xFFFFD880  }
0x16: {  	[bflag:$0x0] =	sbarrier.arrive $0xFFFF  }
0x17: {  	[tilespmem:s3], [sflag:$0x3] =	stream.linear.gather [hbm4b:s7+s3], $0x100, $0x38;
	[tilespmem:$0x1BE00] =	vst v63  }
0x18: {  	_ =	swait.ge [sflag:s12], $0x100  }
0x19: {  	[sflag:s12] =	ssyncset.done $0x0  }
0x1a: {  	s22 =	sadd.s32 $0xFFFFF640, s10;
	[sflag:s12] =	ssyncadd.s32 $0xFFFFFF00  }
0x1b: {  	[tilespmem:s14], [sflag:$0x1] =	stream.indirect.gather [hbm4b:s1+s13], $0x80, s3, s13, $0xb8;
	[tilespmem:$0x1BE00] =	vst v63  }
0x1c: {  	s23 =	sadd.s32 $0x9E0, s22  }
0x1d: {  	[tilespmem:s15], [sflag:$0x3] =	stream.linear.gather [hbm4b:s23+s3], $0x100, $0x38;
	[tilespmem:$0x1BE00] =	vst v63  }
0x1e: {  	_ =	swait.ge [sflag:s12], $0x100  }
0x1f: {  	[sflag:s12] =	ssyncset.done $0x0  }
0x20: {  	[sflag:s12] =	ssyncadd.s32 $0xFFFFFF00  }
0x21: {  	[tilespmem:s16], [sflag:$0x2] =	stream.indirect.gather [hbm4b:s1+s13], $0x80, s15, s13, $0xb8;
	[tilespmem:$0x1BE00] =	vst v63  }
0x22: {  	_ =	swait.ge [sflag:s17], $0x4000  }
0x23: {  	[sflag:s17] =	ssyncset.done $0x0  }
0x24: {  	[sflag:s17] =	ssyncadd.s32 $0xFFFFC000  }
0x25: {  	[spmem:s2] =	stream.indirect.scatter.add.f32 [tilespmem:s14], [sflag:$0x3], $0x80, s13, s13, $0xb8;
	[tilespmem:$0x1BE00] =	vst v63  }
0x26: {  	_ =	swait.ge [sflag:s12], $0x4000  }
0x27: {  	[sflag:s12] =	ssyncset.done $0x0  }
0x28: {  	s22 =	sadd.s32 $0xA00, s22;
	[sflag:s12] =	ssyncadd.s32 $0xFFFFC000  }
0x29: {  	[tilespmem:s3], [sflag:$0x3] =	stream.linear.gather [hbm4b:s22+s3], $0x100, $0x38;
	[tilespmem:$0x1BE00] =	vst v63  }
0x2a: {  	_ =	swait.ge [sflag:s12], $0x100  }
0x2b: {  	[sflag:s12] =	ssyncset.done $0x0  }
0x2c: {  	[sflag:s12] =	ssyncadd.s32 $0xFFFFFF00  }
0x2d: {  	[tilespmem:s14], [sflag:$0x1] =	stream.indirect.gather [hbm4b:s1+s13], $0x80, s3, s13, $0xb8;
	[tilespmem:$0x1BE00] =	vst v63  }
0x2e: {  	_ =	swait.ge [sflag:s18], $0x4000  }
0x2f: {  	[sflag:s18] =	ssyncset.done $0x0  }
0x30: {  	[sflag:s18] =	ssyncadd.s32 $0xFFFFC000  }
0x31: {  	[spmem:s2] =	stream.indirect.scatter.add.f32 [tilespmem:s16], [sflag:$0x3], $0x80, s19, s13, $0xb8;
	[tilespmem:$0x1BE00] =	vst v63  }
0x32: {  	_ =	swait.ge [sflag:s12], $0x4000  }
0x33: {  	s23 =	simm.s32 $0xFFFFF6C0;
	s22 =	sadd.s32 $0xFFFFF680, s10;
	[sflag:s12] =	ssyncset.done $0x0  }
.LBB2_2:
0x34: {  	s24 =	sadd.s32 $0x9E0, s22  }
0x35: {  	[sflag:s12] =	ssyncadd.s32 $0xFFFFC000;
	s25 =	smov.u32 s23;
	s26 =	sadd.s32 $0x40, s23  }
0x36: {  	[tilespmem:s15], [sflag:$0x3] =	stream.linear.gather [hbm4b:s24+s3], $0x100, $0x38;
	[tilespmem:$0x1BE00] =	vst v63  }
0x37: {  	p0 =	sne.s32 s23, $0xFFFFFFC0;
	_ =	swait.ge [sflag:s12], $0x100  }
0x38: {  	[sflag:s12] =	ssyncset.done $0x0  }
0x39: {  	[sflag:s12] =	ssyncadd.s32 $0xFFFFFF00  }
0x3a: {  	[tilespmem:s16], [sflag:$0x2] =	stream.indirect.gather [hbm4b:s1+s13], $0x80, s15, s13, $0xb8;
	[tilespmem:$0x1BE00] =	vst v63  }
0x3b: {  	_ =	swait.ge [sflag:s17], $0x4000  }
0x3c: {  	[sflag:s17] =	ssyncset.done $0x0  }
0x3d: {  	[sflag:s17] =	ssyncadd.s32 $0xFFFFC000  }
0x3e: {  	[spmem:s2] =	stream.indirect.scatter.add.f32 [tilespmem:s14], [sflag:$0x3], $0x80, s13, s13, $0xb8;
	[tilespmem:$0x1BE00] =	vst v63  }
0x3f: {  	_ =	swait.ge [sflag:s12], $0x4000  }
0x40: {  	[sflag:s12] =	ssyncset.done $0x0  }
0x41: {  	s22 =	sadd.s32 $0xA00, s22;
	[sflag:s12] =	ssyncadd.s32 $0xFFFFC000  }
0x42: {  	[tilespmem:s3], [sflag:$0x3] =	stream.linear.gather [hbm4b:s22+s3], $0x100, $0x38;
	[tilespmem:$0x1BE00] =	vst v63  }
0x43: {  	_ =	swait.ge [sflag:s12], $0x100  }
0x44: {  	[sflag:s12] =	ssyncset.done $0x0  }
0x45: {  	[sflag:s12] =	ssyncadd.s32 $0xFFFFFF00  }
0x46: {  	[tilespmem:s14], [sflag:$0x1] =	stream.indirect.gather [hbm4b:s1+s13], $0x80, s3, s13, $0xb8;
	[tilespmem:$0x1BE00] =	vst v63  }
0x47: {  	_ =	swait.ge [sflag:s18], $0x4000  }
.Ltmp0:
0x48: {  	[sflag:s18] =	ssyncset.done $0x0;
	(pc) =	sbr.rel @p0 .LBB2_2-.Ltmp0, $4  }
0x49: {  	[sflag:s18] =	ssyncadd.s32 $0xFFFFC000  }
0x4a: {  	[spmem:s2] =	stream.indirect.scatter.add.f32 [tilespmem:s16], [sflag:$0x3], $0x80, s19, s13, $0xb8;
	[tilespmem:$0x1BE00] =	vst v63  }
0x4b: {  	_ =	swait.ge [sflag:s12], $0x4000  }
0x4c: {  	s23 =	smov.u32 s26;
	s22 =	sadd.s32 s25, s10;
	[sflag:s12] =	ssyncset.done $0x0  }
0x4d: {  	s23 =	sadd.s32 $0x9E0, s22;
	[sflag:s12] =	ssyncadd.s32 $0xFFFFC000  }
0x4e: {  	[tilespmem:s15], [sflag:$0x3] =	stream.linear.gather [hbm4b:s23+s3], $0x100, $0x38;
	[tilespmem:$0x1BE00] =	vst v63  }
0x4f: {  	_ =	swait.ge [sflag:s12], $0x100  }
0x50: {  	[sflag:s12] =	ssyncset.done $0x0  }
0x51: {  	[sflag:s12] =	ssyncadd.s32 $0xFFFFFF00  }
0x52: {  	[tilespmem:s16], [sflag:$0x2] =	stream.indirect.gather [hbm4b:s1+s13], $0x80, s15, s13, $0xb8;
	[tilespmem:$0x1BE00] =	vst v63  }
0x53: {  	_ =	swait.ge [sflag:s17], $0x4000  }
0x54: {  	[sflag:s17] =	ssyncset.done $0x0  }
0x55: {  	[sflag:s17] =	ssyncadd.s32 $0xFFFFC000  }
0x56: {  	[spmem:s2] =	stream.indirect.scatter.add.f32 [tilespmem:s14], [sflag:$0x3], $0x80, s13, s13, $0xb8;
	[tilespmem:$0x1BE00] =	vst v63  }
0x57: {  	_ =	swait.ge [sflag:s12], $0x4000  }
0x58: {  	[sflag:s12] =	ssyncset.done $0x0  }
0x59: {  	s31 =	sadd.s32 $0xA00, s22;
	[sflag:s12] =	ssyncadd.s32 $0xFFFFC000  }
0x5a: {  	[tilespmem:s3], [sflag:$0x3] =	stream.linear.gather [hbm4b:s31+s3], $0x100, $0x38;
	[tilespmem:$0x1BE00] =	vst v63  }
0x5b: {  	_ =	swait.ge [sflag:s12], $0x100  }
0x5c: {  	[sflag:s12] =	ssyncset.done $0x0  }
0x5d: {  	[sflag:s12] =	ssyncadd.s32 $0xFFFFFF00  }
0x5e: {  	[tilespmem:s14], [sflag:$0x1] =	stream.indirect.gather [hbm4b:s1+s13], $0x80, s3, s13, $0xb8;
	[tilespmem:$0x1BE00] =	vst v63  }
0x5f: {  	_ =	swait.ge [sflag:s18], $0x4000  }
0x60: {  	[sflag:s18] =	ssyncset.done $0x0  }
0x61: {  	[sflag:s18] =	ssyncadd.s32 $0xFFFFC000  }
0x62: {  	[spmem:s2] =	stream.indirect.scatter.add.f32 [tilespmem:s16], [sflag:$0x3], $0x80, s19, s13, $0xb8;
	[tilespmem:$0x1BE00] =	vst v63  }
0x63: {  	_ =	swait.ge [sflag:s12], $0x4000  }
0x64: {  	[sflag:s12] =	ssyncset.done $0x0  }
0x65: {  	[sflag:s12] =	ssyncadd.s32 $0xFFFFC000  }
0x66: {  	[tilespmem:s15], [sflag:$0x3] =	stream.linear.gather [hbm4b:s9+s3], $0x100, $0x38;
	[tilespmem:$0x1BE00] =	vst v63  }
0x67: {  	_ =	swait.ge [sflag:s12], $0x100  }
0x68: {  	[sflag:s12] =	ssyncset.done $0x0  }
0x69: {  	[sflag:s12] =	ssyncadd.s32 $0xFFFFFF00  }
0x6a: {  	[tilespmem:s16], [sflag:$0x2] =	stream.indirect.gather [hbm4b:s1+s13], $0x80, s15, s13, $0xb8;
	[tilespmem:$0x1BE00] =	vst v63  }
0x6b: {  	_ =	swait.ge [sflag:s17], $0x4000  }
0x6c: {  	[sflag:s17] =	ssyncset.done $0x0  }
0x6d: {  	[sflag:s17] =	ssyncadd.s32 $0xFFFFC000  }
0x6e: {  	[spmem:s2] =	stream.indirect.scatter.add.f32 [tilespmem:s14], [sflag:$0x3], $0x80, s13, s13, $0xb8;
	[tilespmem:$0x1BE00] =	vst v63  }
0x6f: {  	_ =	swait.ge [sflag:s12], $0x4000  }
0x70: {  	[sflag:s12] =	ssyncset.done $0x0  }
0x71: {  	[sflag:s12] =	ssyncadd.s32 $0xFFFFC000  }
0x72: {  	_ =	swait.ge [sflag:s18], $0x4000  }
0x73: {  	[sflag:s18] =	ssyncset.done $0x0  }
0x74: {  	[sflag:s18] =	ssyncadd.s32 $0xFFFFC000  }
0x75: {  	[spmem:s2] =	stream.indirect.scatter.add.f32 [tilespmem:s16], [sflag:$0x3], $0x80, s19, s13, $0xb8;
	[tilespmem:$0x1BE00] =	vst v63  }
0x76: {  	_ =	swait.ge [sflag:s12], $0x4000  }
0x77: {  	s21 =	sadd.s32 $0x1, s21;
	[sflag:s12] =	ssyncset.done $0x0  }
0x78: {  	p0 =	sne.s32 s21, s8;
	[sflag:s12] =	ssyncadd.s32 $0xFFFFC000  }
.Ltmp1:
0x79: {  	[bflag:$0x0] =	sbarrier.arrive $0xFFFF;
	(pc) =	sbr.rel @p0 .LBB2_1-.Ltmp1, $4  }
0x7a: {  	[hbm:s20], [sflag:s6] =	dma.local [spmem:s11], $0x2780  }
0x7b: {  	_ =	swait.ge [sflag:s12], $0x2780  }
0x7c: {  	[sflag:s12] =	ssyncset.done $0x0  }
0x7d: {  	[sflag:s12] =	ssyncadd.s32 $0xFFFFD880  }
0x7e: {  	_ =	sfence.sel $0x180000  }
0x7f: {  	[bflag:$0x0] =	sbarrier.arrive $0xFFFF  }
0x80: {  	p0 =	sne.s32 s4, $0x0;
	_ =	strace $0x9000004A  }
0x81: {  	s0 =	sadd.s32 @!p0 $0x100000, s0;
	[bflag:$0x2] =	sbarrier.arrive $0xFFFF  }
0x82: {  	[sflag:s0] =	ssyncadd.tile.s32 @!p0 $0x1;
	_ =	shalt  }
.Lfunc_end2:
_tile_overlayer_lowered:
.L_overlay_start_2:
0x83: {  	(tag) =	ssettag $0x2  }
0x84: {  	s0 =	rddreg [dreg:$0x0];
	s2 =	stileid.u32  }
0x85: {  	s1 =	rddreg [dreg:$0x1];
	p0 =	sne.s32 s2, $0x0  }
0x86: {  	s3 =	rddreg [dreg:$0x2];
	[bflag:$0x3] =	sbarrier.arrive $0xFFFF;
	s2 =	simm.s32 @!p0 $0x1C03  }
0x87: {  	[timem:s3], [sflag:s2] =	dma.local @!p0 [hbm:s0], s1  }
0x88: {  	s0 =	simm.s32 @!p0 $0x3  }
0x89: {  	_ =	swait.ge @!p0 [sflag:s0], s1  }
0x8a: {  	s1 =	ssub.s32 @!p0 $0x0, s1;
	[sflag:s0] =	ssyncset.done @!p0 $0x0  }
0x8b: {  	[sflag:s0] =	ssyncadd.s32 @!p0 s1  }
0x8c: {  	[bflag:$0x3] =	sbarrier.arrive $0xFFFF  }
0x8d: {  	_ =	shalt  }

// kernel: kernel.18.cloned.1.call-start
scs
__scs_entry_jumppad:
0x0: {  	(pc) =	sbr.rel $0x88, $3  }
0x1: {  	(tag) =	ssettag $0x0;
	lr =	simm.s32 $0x1  }
0x2: {  	[smem:$0x3F93] =	sst lr;
	_ =	strace $0xD0000000  }
0x3: {  	_ = 	snop  }
0x4: {  	_ = 	snop  }
0x5: {  	_ = 	snop  }
0x6: {  	_ = 	snop  }
0x7: {  	_ = 	snop  }
__scs_overlays_trampoline_lowered:
0x8: {  	[smem:$0x3FA2] =	sst s0  }
0x9: {  	[smem:$0x3FA3] =	sst s1  }
0xa: {  	[smem:$0x3FA4] =	sst s2  }
0xb: {  	[smem:$0x3FA5] =	sst s3  }
0xc: {  	[smem:$0x3FA6] =	sst s4  }
0xd: {  	[smem:$0x3FA7] =	sst s5  }
0xe: {  	[smem:$0x3FA8] =	sst s6  }
0xf: {  	[smem:$0x3FA9] =	sst s7  }
0x10: {  	[smem:$0x3FAA] =	sst s8  }
0x11: {  	[smem:$0x3FAB] =	sst s9;
	s0 =	simm.s32 @!p0 $0x0  }
0x12: {  	s1 =	sld [smem:$0x3F91];
	s0 =	simm.s32 @p0 $0x1  }
0x13: {  	[smem:$0x3FAC] =	sst s0;
	s0 =	simm.s32 @!p1 $0x0  }
0x14: {  	s2 =	sld [smem:$0x3F90];
	s0 =	simm.s32 @p1 $0x1  }
0x15: {  	[smem:$0x3FAD] =	sst s0;
	s0 =	simm.s32 @!p2 $0x0  }
0x16: {  	s3 =	sld [smem:$0x3FDB];
	s0 =	simm.s32 @p2 $0x1  }
0x17: {  	s4 =	simm.s32 $0x1BF5;
	[smem:$0x3FAF] =	sst s0  }
0x18: {  	s0 =	sld [smem:$0x3F92];
	_ =	swait.ge [sflag:s4], $0x0  }
0x19: {  	s7 =	sld [smem:$0x3F93]  }
0x1a: {  	s8 =	sadd.s32 $0xFFFFE003, lr  }
0x1b: {  	s9 =	sadd.s32 $0xFFFFFEF7, lr;
	s5 =	simm.s32 $0xFFFFFFFF;
	p2 =	slt.u32 s8, $0xFFFFF086  }
0x1c: {  	p1 =	slt.u32 s9, $0xF7A;
	s5 =	simm.s32 @!p2 $0x0  }
0x1d: {  	s5 =	simm.s32 @p1 $0x1;
	p0 =	seq.s32 s7, s2  }
0x1e: {  	s7 =	smul.u32 @!p0 $0xF7A, s2;
	p2 =	seq.s32 @!p0 s5, $0x0  }
0x1f: {  	s9 =	smul.u32 $0xF7A, s1;
	s8 =	simm.s32 @!p0 $0x1BF5;
	p2 =	por !p2, p0  }
0x20: {  	[sflag:s8] =	ssyncset.s32 @!p0 $0xFFFFF086;
	s6 =	sadd.s32 @!p0 s3, s7;
	s7 =	simm.s32 @!p0 $0x108  }
0x21: {  	s3 =	sadd.s32 s3, s9;
	s6 =	sadd.s32 @!p0 $0x88, s6;
	s7 =	simm.s32 @p2 $0x1082  }
0x22: {  	[simem:s7], [sflag:s8] =	dma.local @!p0 [hbm:s6], $0xF7A  }
0x23: {  	s9 =	sor.u32 $0xD0000000, s2;
	s6 =	simm.s32 $0x108;
	_ =	swait.ge @!p0 [sflag:s8], $0x0  }
0x24: {  	s3 =	sadd.s32 $0x88, s3;
	s6 =	simm.s32 @!p1 $0x1082;
	[sflag:s4] =	ssyncset.s32 $0xFFFFF086  }
0x25: {  	[simem:s6], [sflag:s4] =	dma.local [hbm:s3], $0xF7A  }
0x26: {  	[smem:$0x3F93] =	sst s1;
	(tag) =	ssettag s2;
	_ =	strace s9  }
0x27: {  	s1 =	sld [smem:$0x3FA3]  }
0x28: {  	s2 =	sld [smem:$0x3FA4]  }
0x29: {  	s4 =	sld [smem:$0x3FA6]  }
0x2a: {  	p0 =	seq.s32 s5, $0x0;
	s5 =	sld [smem:$0x3FA7]  }
0x2b: {  	s6 =	sld [smem:$0x3FA8]  }
0x2c: {  	s7 =	sld [smem:$0x3FA9]  }
0x2d: {  	s3 =	simm.s32 $0x108;
	s8 =	sld [smem:$0x3FAA]  }
0x2e: {  	s3 =	simm.s32 @!p0 $0x1082;
	s9 =	sld [smem:$0x3FAB]  }
0x2f: {  	lr =	sadd.s32 s0, s3;
	s0 =	sld [smem:$0x3FA2]  }
0x30: {  	s3 =	sld [smem:$0x3FA5]  }
0x31: {  	[smem:$0x3FAE] =	sst s10  }
0x32: {  	s10 =	sld [smem:$0x3FAC];
	_ =	sdelay $0x3  }
0x33: {  	p0 =	seq.s32 s10, $0x1;
	s10 =	sld [smem:$0x3FAE];
	_ =	sdelay $0x3  }
0x34: {  	[smem:$0x3FAE] =	sst s10  }
0x35: {  	s10 =	sld [smem:$0x3FAD];
	_ =	sdelay $0x3  }
0x36: {  	p1 =	seq.s32 s10, $0x1;
	s10 =	sld [smem:$0x3FAE];
	_ =	sdelay $0x3  }
0x37: {  	[smem:$0x3FAE] =	sst s10  }
0x38: {  	s10 =	sld [smem:$0x3FAF]  }
0x39: {  	_ = 	snop;
	(pc) =	sbr.ind lr, $3  }
0x3a: {  	_ = 	snop  }
0x3b: {  	_ = 	snop  }
0x3c: {  	p2 =	seq.s32 s10, $0x1;
	s10 =	sld [smem:$0x3FAE]  }
0x3d: {  	_ =	shalt  }
0x3e: {  	_ =	shalt  }
0x3f: {  	_ =	shalt  }
0x40: {  	_ =	shalt  }
0x41: {  	_ =	shalt  }
0x42: {  	_ =	shalt  }
0x43: {  	_ =	shalt  }
0x44: {  	_ =	shalt  }
0x45: {  	_ =	shalt  }
0x46: {  	_ =	shalt  }
0x47: {  	_ =	shalt  }
0x48: {  	_ =	shalt  }
0x49: {  	_ =	shalt  }
0x4a: {  	_ =	shalt  }
0x4b: {  	_ =	shalt  }
0x4c: {  	_ =	shalt  }
0x4d: {  	_ =	shalt  }
0x4e: {  	_ =	shalt  }
0x4f: {  	_ =	shalt  }
0x50: {  	_ =	shalt  }
0x51: {  	_ =	shalt  }
0x52: {  	_ =	shalt  }
0x53: {  	_ =	shalt  }
0x54: {  	_ =	shalt  }
0x55: {  	_ =	shalt  }
0x56: {  	_ =	shalt  }
0x57: {  	_ =	shalt  }
0x58: {  	_ =	shalt  }
0x59: {  	_ =	shalt  }
0x5a: {  	_ =	shalt  }
0x5b: {  	_ =	shalt  }
0x5c: {  	_ =	shalt  }
0x5d: {  	_ =	shalt  }
0x5e: {  	_ =	shalt  }
0x5f: {  	_ =	shalt  }
0x60: {  	_ =	shalt  }
0x61: {  	_ =	shalt  }
0x62: {  	_ =	shalt  }
0x63: {  	_ =	shalt  }
0x64: {  	_ =	shalt  }
0x65: {  	_ =	shalt  }
0x66: {  	_ =	shalt  }
0x67: {  	_ =	shalt  }
0x68: {  	_ =	shalt  }
0x69: {  	_ =	shalt  }
0x6a: {  	_ =	shalt  }
0x6b: {  	_ =	shalt  }
0x6c: {  	_ =	shalt  }
0x6d: {  	_ =	shalt  }
0x6e: {  	_ =	shalt  }
0x6f: {  	_ =	shalt  }
0x70: {  	_ =	shalt  }
0x71: {  	_ =	shalt  }
0x72: {  	_ =	shalt  }
0x73: {  	_ =	shalt  }
0x74: {  	_ =	shalt  }
0x75: {  	_ =	shalt  }
0x76: {  	_ =	shalt  }
0x77: {  	_ =	shalt  }
0x78: {  	_ =	shalt  }
0x79: {  	_ =	shalt  }
0x7a: {  	_ =	shalt  }
0x7b: {  	_ =	shalt  }
0x7c: {  	_ =	shalt  }
0x7d: {  	_ =	shalt  }
0x7e: {  	_ =	shalt  }
0x7f: {  	_ =	shalt  }
0x80: {  	_ =	shalt  }
0x81: {  	_ =	shalt  }
0x82: {  	_ =	shalt  }
0x83: {  	_ =	shalt  }
0x84: {  	_ =	shalt  }
0x85: {  	_ =	shalt  }
0x86: {  	_ =	shalt  }
0x87: {  	_ =	shalt  }
.Lfunc_end0:
.L_simem_size_0:
called_computation.2_lowered:
.L_overlay_start_0:
0x88: {  	s2 =	sld [smem:$0x3FD9]  }
0x89: {  	s3 =	sld [smem:$0x3FFE];
	_ =	sdelay $0x1  }
0x8a: {  	s1 =	srdreg.scid  }
0x8b: {  	s0 =	sand.u32 $0x1, s1  }
0x8c: {  	s17 =	sshll.u32 s0, $0xA;
	s2 =	sadd.s32 s3, s2  }
0x8d: {  	s2 =	sadd.s32 s2, s17  }
0x8e: {  	[smem:$0x3FBA] =	sst s2  }
0x8f: {  	_ = 	snop  }
0x90: {  	s18 =	sld [smem:$0x3FD0];
	(tm) =	ssettm $0x1  }
0x91: {  	s19 =	sld [smem:$0x3FFB];
	_ =	sdelay $0x3  }
0x92: {  	_ =	strace s19  }
0x93: {  	s2 =	sld [smem:$0x3FFC];
	_ =	sdelay $0x3  }
0x94: {  	_ =	strace s2  }
0x95: {  	s2 =	sld [smem:$0x3FFD];
	_ =	sdelay $0x3  }
0x96: {  	_ =	strace s2  }
0x97: {  	_ =	strace $0x8FFFFFFF  }
0x98: {  	s20 =	sld [smem:$0x3FDB];
	_ =	sdelay $0x1  }
0x99: {  	s4 =	simm.s32 $_scs_section_size  }
0x9a: {  	s5 =	simm.s32 $_size__tile_overlayer_lowered;
	s6 =	simm.s32 $_tile_overlayer_lowered  }
0x9b: {  	s7 =	simm.s32 $0x1BFF;
	s21 =	sshll.u32 s6, $0x1;
	s4 =	sadd.s32 s4, s20  }
0x9c: {  	s22 =	simm.s32 $0x0;
	s5 =	sshll.u32 s5, $0x1;
	s6 =	sadd.s32 s21, s4  }
0x9d: {  	[timem:s22], [sflag:s7] =	dma.local [hbm:s6], s5  }
0x9e: {  	_ =	swait.ge [sflag:s7], s5  }
0x9f: {  	s5 =	ssub.s32 $0x0, s5;
	[sflag:s7] =	ssyncset.done $0x0  }
0xa0: {  	[sflag:s7] =	ssyncadd.s32 s5;
	_ =	sdelay $0x1  }
0xa1: {  	s23 =	simm.s32 $0x1B8B  }
0xa2: {  	_ =	swait.ge [sflag:s23], $0x1  }
0xa3: {  	[sflag:s23] =	ssyncset.done $0x0  }
0xa4: {  	[sflag:s23] =	ssyncadd.s32 $0xFFFFFFFF  }
0xa5: {  	s5 =	sld [smem:$0x0]  }
0xa6: {  	s6 =	sand.u32 $0xFFFFFFFE, s1  }
0xa7: {  	p0 =	sne.s32 s1, s6  }
0xa8: {  	s6 =	sshll.u32 @p0 s6, $0xE  }
0xa9: {  	s6 =	sadd.s32 @p0 $0x11B8D, s6;
	s7 =	sshll.u32 @p0 s5, $0x11  }
0xaa: {  	s6 =	sor.u32 @p0 s7, s6  }
0xab: {  	[sflag:s6] =	ssyncadd.remote.s32 @p0 $0x1;
	_ =	sdelay $0x1  }
0xac: {  	s6 =	simm.s32 @p0 $0x1B8D  }
0xad: {  	_ =	swait.eq @p0 [sflag:s6], $0x1  }
0xae: {  	[sflag:s6] =	ssyncadd.s32 @p0 $0xFFFFFFFF  }
0xaf: {  	s7 =	sshll.u32 @!p0 s1, $0xE  }
0xb0: {  	s7 =	sor.u32 @!p0 $0x4000, s7;
	s6 =	simm.s32 @!p0 $0x1B8D  }
0xb1: {  	s5 =	sshll.u32 @!p0 s5, $0x11;
	s7 =	sadd.s32 @!p0 $0x11B8D, s7;
	_ =	swait.eq @!p0 [sflag:s6], $0x1  }
0xb2: {  	s5 =	sor.u32 @!p0 s5, s7;
	[sflag:s6] =	ssyncadd.s32 @!p0 $0xFFFFFFFF  }
0xb3: {  	s25 =	simm.s32 $0x1B8E;
	s24 =	sld [smem:$0x3FFE];
	[sflag:s5] =	ssyncadd.remote.s32 @!p0 $0x1  }
0xb4: {  	s26 =	simm.s32 $execute0_lowered;
	[smem:$0x3FD2] =	sst s25  }
0xb5: {  	s6 =	sshll.u32 s26, $0x1;
	_ =	strace $0x8000004F;
	[dreg:$0x1] =	wrdreg $0xFFFFFFFF  }
0xb6: {  	s28 =	simm.s32 $_size_execute0_lowered;
	s4 =	sadd.s32 s4, s6;
	[dreg:$0x0] =	wrdreg $0x0  }
0xb7: {  	s6 =	sshll.u32 s28, $0x1;
	[dreg:$0x2] =	wrdreg s4  }
0xb8: {  	[dreg:$0x3] =	wrdreg s6  }
0xb9: {  	[dreg:$0x4] =	wrdreg $0xC0  }
0xba: {  	_ =	task [dreg:s22], $0x5FFFF  }
0xbb: {  	[dreg:$0x1] =	wrdreg $0xFFFFFFFF  }
0xbc: {  	[dreg:$0x0] =	wrdreg $0x60  }
0xbd: {  	[dreg:$0x2] =	wrdreg s18  }
0xbe: {  	[dreg:$0x3] =	wrdreg s24  }
0xbf: {  	[dreg:$0x4] =	wrdreg $0x82000  }
0xc0: {  	[dreg:$0x5] =	wrdreg $0x9  }
0xc1: {  	_ =	task.clear_ibuf [dreg:s22], $0x6FFFF;
	_ =	strace $0x9000004F  }
0xc2: {  	s29 =	simm.s32 $0x9;
	_ =	strace $0x80000051  }
0xc3: {  	_ =	swait.ge [sflag:s29], $0x1  }
0xc4: {  	[sflag:s29] =	ssyncadd.s32 $0xFFFFFFFF  }
0xc5: {  	_ =	strace $0x90000051  }
0xc6: {  	_ =	sfence  }
0xc7: {  	s30 =	sld [smem:$0x0];
	_ =	sdelay $0x2  }
0xc8: {  	s31 =	sshll.u32 s1, $0xD;
	s1 =	sshrl.u32 s1, $0x2  }
0xc9: {  	s4 =	sand.u32 $0x4000, s31;
	s1 =	sadd.s32 s1, s30  }
0xca: {  	s0 =	sor.u32 s4, s0;
	s1 =	sshll.u32 s1, $0x11  }
0xcb: {  	s0 =	sor.u32 s1, s0  }
0xcc: {  	s0 =	sadd.s32 $0x8F2B, s0  }
0xcd: {  	[sflag:s0] =	ssyncadd.remote.s32 $0x1  }
0xce: {  	_ =	sfence.sel $0xFFFF  }
0xcf: {  	[dreg:$0x0] =	wrdreg $0xFFFFFFFF;
	(pc) =	sbr.abs _section_cstart, $3  }
0xd0: {  	[dreg:$0x1] =	wrdreg $0xFFFFFFFF  }
0xd1: {  	_ =	task.clear_ibuf [dreg:s22], $0x2FFFF;
	_ =	strace $0x9FFFFFFF  }
0xd2: {  	(tm) =	ssettm $0x7FFFFFFF  }
0xd3: {  	_ =	shalt  }
tec
execute0_lowered:
.L_overlay_start_1:
0x0: {  	(tag) =	ssettag $0x1  }
0x1: {  	s1 =	rddreg [dreg:$0x0]  }
0x2: {  	s6 =	rddreg [dreg:$0x1]  }
0x3: {  	s2 =	rddreg [dreg:$0x2]  }
0x4: {  	s0 =	rddreg [dreg:$0x3];
	s3 =	simm.s32 $0x0  }
0x5: {  	s4 =	srdreg.scid;
	s15 =	simm.s32 $0x100;
	s16 =	simm.s32 $0x4200  }
0x6: {  	s17 =	simm.s32 $0x1;
	s18 =	simm.s32 $0x2;
	s19 =	simm.s32 $0x180  }
0x7: {  	[smem:$0x7FF] =	sst s3;
	s10 =	sadd.s32 $0x10000, s6;
	s8 =	sand.u32 $0x1, s4  }
0x8: {  	s4 =	stileid.u32;
	s5 =	sadd.s32 $0x24000, s6;
	s7 =	smul.u32 $0x27800, s8  }
0x9: {  	_ =	strace $0x80000050;
	s9 =	sshll.u32 s4, $0x1;
	s12 =	smul.u32 $0x13C00, s4  }
0xa: {  	s11 =	ssub.s32 $0x2, s8;
	s30 =	sshll.u32 s4, $0x6;
	s14 =	smul.u32 $0x1400, s4  }
0xb: {  	s31 =	smul.u32 $0xA00, s8;
	s9 =	sor.u32 s8, s9;
	s25 =	sshrl.u32 s11, $0x1  }
0xc: {  	s13 =	sadd.s32 s7, s6;
	s26 =	smul.u32 $0xA00, s9;
	s28 =	ssub.s32 s11, s25  }
0xd: {  	s29 =	sadd.s32 s12, s2;
	s6 =	sor.u32 $0x1C03, s30;
	s21 =	sshrl.u32 s12, $0x3  }
0xe: {  	s12 =	simm.s32 $0x3;
	s20 =	sadd.s32 $0x113800, s13;
	s8 =	smax.u32 s28, $0x1  }
0xf: {  	s11 =	sshrl.u32 s29, $0x3;
	s13 =	simm.s32 $0x80;
	s7 =	sadd.s32 s10, s26  }
0x10: {  	s10 =	sadd.s32 s14, s10;
	s14 =	simm.s32 $0x200;
	s20 =	sadd.s32 s21, s20  }
0x11: {  	s21 =	simm.s32 $0x0;
	s9 =	sadd.s32 $0x9E0, s7;
	s10 =	sadd.s32 s31, s10  }
.LBB2_1:
0x12: {  	[spmem:s11], [sflag:s6] =	dma.local [hbm:s5], $0x2780  }
0x13: {  	_ =	swait.ge [sflag:s12], $0x2780  }
0x14: {  	[sflag:s12] =	ssyncset.done $0x0  }
0x15: {  	[sflag:s12] =	ssyncadd.s32 $0xFFFFD880  }
0x16: {  	[bflag:$0x0] =	sbarrier.arrive $0xFFFF  }
0x17: {  	[tilespmem:s3], [sflag:$0x3] =	stream.linear.gather [hbm4b:s7+s3], $0x100, $0x38;
	[tilespmem:$0x1BE00] =	vst v63  }
0x18: {  	_ =	swait.ge [sflag:s12], $0x100  }
0x19: {  	[sflag:s12] =	ssyncset.done $0x0  }
0x1a: {  	s22 =	sadd.s32 $0xFFFFF640, s10;
	[sflag:s12] =	ssyncadd.s32 $0xFFFFFF00  }
0x1b: {  	[tilespmem:s14], [sflag:$0x1] =	stream.indirect.gather [hbm4b:s1+s13], $0x80, s3, s13, $0xb8;
	[tilespmem:$0x1BE00] =	vst v63  }
0x1c: {  	s23 =	sadd.s32 $0x9E0, s22  }
0x1d: {  	[tilespmem:s15], [sflag:$0x3] =	stream.linear.gather [hbm4b:s23+s3], $0x100, $0x38;
	[tilespmem:$0x1BE00] =	vst v63  }
0x1e: {  	_ =	swait.ge [sflag:s12], $0x100  }
0x1f: {  	[sflag:s12] =	ssyncset.done $0x0  }
0x20: {  	[sflag:s12] =	ssyncadd.s32 $0xFFFFFF00  }
0x21: {  	[tilespmem:s16], [sflag:$0x2] =	stream.indirect.gather [hbm4b:s1+s13], $0x80, s15, s13, $0xb8;
	[tilespmem:$0x1BE00] =	vst v63  }
0x22: {  	_ =	swait.ge [sflag:s17], $0x4000  }
0x23: {  	[sflag:s17] =	ssyncset.done $0x0  }
0x24: {  	[sflag:s17] =	ssyncadd.s32 $0xFFFFC000  }
0x25: {  	[spmem:s2] =	stream.indirect.scatter.add.f32 [tilespmem:s14], [sflag:$0x3], $0x80, s13, s13, $0xb8;
	[tilespmem:$0x1BE00] =	vst v63  }
0x26: {  	_ =	swait.ge [sflag:s12], $0x4000  }
0x27: {  	[sflag:s12] =	ssyncset.done $0x0  }
0x28: {  	s22 =	sadd.s32 $0xA00, s22;
	[sflag:s12] =	ssyncadd.s32 $0xFFFFC000  }
0x29: {  	[tilespmem:s3], [sflag:$0x3] =	stream.linear.gather [hbm4b:s22+s3], $0x100, $0x38;
	[tilespmem:$0x1BE00] =	vst v63  }
0x2a: {  	_ =	swait.ge [sflag:s12], $0x100  }
0x2b: {  	[sflag:s12] =	ssyncset.done $0x0  }
0x2c: {  	[sflag:s12] =	ssyncadd.s32 $0xFFFFFF00  }
0x2d: {  	[tilespmem:s14], [sflag:$0x1] =	stream.indirect.gather [hbm4b:s1+s13], $0x80, s3, s13, $0xb8;
	[tilespmem:$0x1BE00] =	vst v63  }
0x2e: {  	_ =	swait.ge [sflag:s18], $0x4000  }
0x2f: {  	[sflag:s18] =	ssyncset.done $0x0  }
0x30: {  	[sflag:s18] =	ssyncadd.s32 $0xFFFFC000  }
0x31: {  	[spmem:s2] =	stream.indirect.scatter.add.f32 [tilespmem:s16], [sflag:$0x3], $0x80, s19, s13, $0xb8;
	[tilespmem:$0x1BE00] =	vst v63  }
0x32: {  	_ =	swait.ge [sflag:s12], $0x4000  }
0x33: {  	s23 =	simm.s32 $0xFFFFF6C0;
	s22 =	sadd.s32 $0xFFFFF680, s10;
	[sflag:s12] =	ssyncset.done $0x0  }
.LBB2_2:
0x34: {  	s24 =	sadd.s32 $0x9E0, s22  }
0x35: {  	[sflag:s12] =	ssyncadd.s32 $0xFFFFC000;
	s25 =	smov.u32 s23;
	s26 =	sadd.s32 $0x40, s23  }
0x36: {  	[tilespmem:s15], [sflag:$0x3] =	stream.linear.gather [hbm4b:s24+s3], $0x100, $0x38;
	[tilespmem:$0x1BE00] =	vst v63  }
0x37: {  	p0 =	sne.s32 s23, $0xFFFFFFC0;
	_ =	swait.ge [sflag:s12], $0x100  }
0x38: {  	[sflag:s12] =	ssyncset.done $0x0  }
0x39: {  	[sflag:s12] =	ssyncadd.s32 $0xFFFFFF00  }
0x3a: {  	[tilespmem:s16], [sflag:$0x2] =	stream.indirect.gather [hbm4b:s1+s13], $0x80, s15, s13, $0xb8;
	[tilespmem:$0x1BE00] =	vst v63  }
0x3b: {  	_ =	swait.ge [sflag:s17], $0x4000  }
0x3c: {  	[sflag:s17] =	ssyncset.done $0x0  }
0x3d: {  	[sflag:s17] =	ssyncadd.s32 $0xFFFFC000  }
0x3e: {  	[spmem:s2] =	stream.indirect.scatter.add.f32 [tilespmem:s14], [sflag:$0x3], $0x80, s13, s13, $0xb8;
	[tilespmem:$0x1BE00] =	vst v63  }
0x3f: {  	_ =	swait.ge [sflag:s12], $0x4000  }
0x40: {  	[sflag:s12] =	ssyncset.done $0x0  }
0x41: {  	s22 =	sadd.s32 $0xA00, s22;
	[sflag:s12] =	ssyncadd.s32 $0xFFFFC000  }
0x42: {  	[tilespmem:s3], [sflag:$0x3] =	stream.linear.gather [hbm4b:s22+s3], $0x100, $0x38;
	[tilespmem:$0x1BE00] =	vst v63  }
0x43: {  	_ =	swait.ge [sflag:s12], $0x100  }
0x44: {  	[sflag:s12] =	ssyncset.done $0x0  }
0x45: {  	[sflag:s12] =	ssyncadd.s32 $0xFFFFFF00  }
0x46: {  	[tilespmem:s14], [sflag:$0x1] =	stream.indirect.gather [hbm4b:s1+s13], $0x80, s3, s13, $0xb8;
	[tilespmem:$0x1BE00] =	vst v63  }
0x47: {  	_ =	swait.ge [sflag:s18], $0x4000  }
.Ltmp0:
0x48: {  	[sflag:s18] =	ssyncset.done $0x0;
	(pc) =	sbr.rel @p0 .LBB2_2-.Ltmp0, $4  }
0x49: {  	[sflag:s18] =	ssyncadd.s32 $0xFFFFC000  }
0x4a: {  	[spmem:s2] =	stream.indirect.scatter.add.f32 [tilespmem:s16], [sflag:$0x3], $0x80, s19, s13, $0xb8;
	[tilespmem:$0x1BE00] =	vst v63  }
0x4b: {  	_ =	swait.ge [sflag:s12], $0x4000  }
0x4c: {  	s23 =	smov.u32 s26;
	s22 =	sadd.s32 s25, s10;
	[sflag:s12] =	ssyncset.done $0x0  }
0x4d: {  	s23 =	sadd.s32 $0x9E0, s22;
	[sflag:s12] =	ssyncadd.s32 $0xFFFFC000  }
0x4e: {  	[tilespmem:s15], [sflag:$0x3] =	stream.linear.gather [hbm4b:s23+s3], $0x100, $0x38;
	[tilespmem:$0x1BE00] =	vst v63  }
0x4f: {  	_ =	swait.ge [sflag:s12], $0x100  }
0x50: {  	[sflag:s12] =	ssyncset.done $0x0  }
0x51: {  	[sflag:s12] =	ssyncadd.s32 $0xFFFFFF00  }
0x52: {  	[tilespmem:s16], [sflag:$0x2] =	stream.indirect.gather [hbm4b:s1+s13], $0x80, s15, s13, $0xb8;
	[tilespmem:$0x1BE00] =	vst v63  }
0x53: {  	_ =	swait.ge [sflag:s17], $0x4000  }
0x54: {  	[sflag:s17] =	ssyncset.done $0x0  }
0x55: {  	[sflag:s17] =	ssyncadd.s32 $0xFFFFC000  }
0x56: {  	[spmem:s2] =	stream.indirect.scatter.add.f32 [tilespmem:s14], [sflag:$0x3], $0x80, s13, s13, $0xb8;
	[tilespmem:$0x1BE00] =	vst v63  }
0x57: {  	_ =	swait.ge [sflag:s12], $0x4000  }
0x58: {  	[sflag:s12] =	ssyncset.done $0x0  }
0x59: {  	s31 =	sadd.s32 $0xA00, s22;
	[sflag:s12] =	ssyncadd.s32 $0xFFFFC000  }
0x5a: {  	[tilespmem:s3], [sflag:$0x3] =	stream.linear.gather [hbm4b:s31+s3], $0x100, $0x38;
	[tilespmem:$0x1BE00] =	vst v63  }
0x5b: {  	_ =	swait.ge [sflag:s12], $0x100  }
0x5c: {  	[sflag:s12] =	ssyncset.done $0x0  }
0x5d: {  	[sflag:s12] =	ssyncadd.s32 $0xFFFFFF00  }
0x5e: {  	[tilespmem:s14], [sflag:$0x1] =	stream.indirect.gather [hbm4b:s1+s13], $0x80, s3, s13, $0xb8;
	[tilespmem:$0x1BE00] =	vst v63  }
0x5f: {  	_ =	swait.ge [sflag:s18], $0x4000  }
0x60: {  	[sflag:s18] =	ssyncset.done $0x0  }
0x61: {  	[sflag:s18] =	ssyncadd.s32 $0xFFFFC000  }
0x62: {  	[spmem:s2] =	stream.indirect.scatter.add.f32 [tilespmem:s16], [sflag:$0x3], $0x80, s19, s13, $0xb8;
	[tilespmem:$0x1BE00] =	vst v63  }
0x63: {  	_ =	swait.ge [sflag:s12], $0x4000  }
0x64: {  	[sflag:s12] =	ssyncset.done $0x0  }
0x65: {  	[sflag:s12] =	ssyncadd.s32 $0xFFFFC000  }
0x66: {  	[tilespmem:s15], [sflag:$0x3] =	stream.linear.gather [hbm4b:s9+s3], $0x100, $0x38;
	[tilespmem:$0x1BE00] =	vst v63  }
0x67: {  	_ =	swait.ge [sflag:s12], $0x100  }
0x68: {  	[sflag:s12] =	ssyncset.done $0x0  }
0x69: {  	[sflag:s12] =	ssyncadd.s32 $0xFFFFFF00  }
0x6a: {  	[tilespmem:s16], [sflag:$0x2] =	stream.indirect.gather [hbm4b:s1+s13], $0x80, s15, s13, $0xb8;
	[tilespmem:$0x1BE00] =	vst v63  }
0x6b: {  	_ =	swait.ge [sflag:s17], $0x4000  }
0x6c: {  	[sflag:s17] =	ssyncset.done $0x0  }
0x6d: {  	[sflag:s17] =	ssyncadd.s32 $0xFFFFC000  }
0x6e: {  	[spmem:s2] =	stream.indirect.scatter.add.f32 [tilespmem:s14], [sflag:$0x3], $0x80, s13, s13, $0xb8;
	[tilespmem:$0x1BE00] =	vst v63  }
0x6f: {  	_ =	swait.ge [sflag:s12], $0x4000  }
0x70: {  	[sflag:s12] =	ssyncset.done $0x0  }
0x71: {  	[sflag:s12] =	ssyncadd.s32 $0xFFFFC000  }
0x72: {  	_ =	swait.ge [sflag:s18], $0x4000  }
0x73: {  	[sflag:s18] =	ssyncset.done $0x0  }
0x74: {  	[sflag:s18] =	ssyncadd.s32 $0xFFFFC000  }
0x75: {  	[spmem:s2] =	stream.indirect.scatter.add.f32 [tilespmem:s16], [sflag:$0x3], $0x80, s19, s13, $0xb8;
	[tilespmem:$0x1BE00] =	vst v63  }
0x76: {  	_ =	swait.ge [sflag:s12], $0x4000  }
0x77: {  	s21 =	sadd.s32 $0x1, s21;
	[sflag:s12] =	ssyncset.done $0x0  }
0x78: {  	p0 =	sne.s32 s21, s8;
	[sflag:s12] =	ssyncadd.s32 $0xFFFFC000  }
.Ltmp1:
0x79: {  	[bflag:$0x0] =	sbarrier.arrive $0xFFFF;
	(pc) =	sbr.rel @p0 .LBB2_1-.Ltmp1, $4  }
0x7a: {  	[hbm:s20], [sflag:s6] =	dma.local [spmem:s11], $0x2780  }
0x7b: {  	_ =	swait.ge [sflag:s12], $0x2780  }
0x7c: {  	[sflag:s12] =	ssyncset.done $0x0  }
0x7d: {  	[sflag:s12] =	ssyncadd.s32 $0xFFFFD880  }
0x7e: {  	_ =	sfence.sel $0x180000  }
0x7f: {  	[bflag:$0x0] =	sbarrier.arrive $0xFFFF  }
0x80: {  	p0 =	sne.s32 s4, $0x0;
	_ =	strace $0x90000050  }
0x81: {  	s0 =	sadd.s32 @!p0 $0x100000, s0;
	[bflag:$0x2] =	sbarrier.arrive $0xFFFF  }
0x82: {  	[sflag:s0] =	ssyncadd.tile.s32 @!p0 $0x1;
	_ =	shalt  }
.Lfunc_end2:
_tile_overlayer_lowered:
.L_overlay_start_2:
0x83: {  	(tag) =	ssettag $0x2  }
0x84: {  	s0 =	rddreg [dreg:$0x0];
	s2 =	stileid.u32  }
0x85: {  	s1 =	rddreg [dreg:$0x1];
	p0 =	sne.s32 s2, $0x0  }
0x86: {  	s3 =	rddreg [dreg:$0x2];
	[bflag:$0x3] =	sbarrier.arrive $0xFFFF;
	s2 =	simm.s32 @!p0 $0x1C03  }
0x87: {  	[timem:s3], [sflag:s2] =	dma.local @!p0 [hbm:s0], s1  }
0x88: {  	s0 =	simm.s32 @!p0 $0x3  }
0x89: {  	_ =	swait.ge @!p0 [sflag:s0], s1  }
0x8a: {  	s1 =	ssub.s32 @!p0 $0x0, s1;
	[sflag:s0] =	ssyncset.done @!p0 $0x0  }
0x8b: {  	[sflag:s0] =	ssyncadd.s32 @!p0 s1  }
0x8c: {  	[bflag:$0x3] =	sbarrier.arrive $0xFFFF  }
0x8d: {  	_ =	shalt  }

// kernel: kernel.21.cloned.1.call-start
scs
__scs_entry_jumppad:
0x0: {  	(pc) =	sbr.rel $0x88, $3  }
0x1: {  	(tag) =	ssettag $0x0;
	lr =	simm.s32 $0x1  }
0x2: {  	[smem:$0x3F93] =	sst lr;
	_ =	strace $0xD0000000  }
0x3: {  	_ = 	snop  }
0x4: {  	_ = 	snop  }
0x5: {  	_ = 	snop  }
0x6: {  	_ = 	snop  }
0x7: {  	_ = 	snop  }
__scs_overlays_trampoline_lowered:
0x8: {  	[smem:$0x3FA2] =	sst s0  }
0x9: {  	[smem:$0x3FA3] =	sst s1  }
0xa: {  	[smem:$0x3FA4] =	sst s2  }
0xb: {  	[smem:$0x3FA5] =	sst s3  }
0xc: {  	[smem:$0x3FA6] =	sst s4  }
0xd: {  	[smem:$0x3FA7] =	sst s5  }
0xe: {  	[smem:$0x3FA8] =	sst s6  }
0xf: {  	[smem:$0x3FA9] =	sst s7  }
0x10: {  	[smem:$0x3FAA] =	sst s8  }
0x11: {  	[smem:$0x3FAB] =	sst s9;
	s0 =	simm.s32 @!p0 $0x0  }
0x12: {  	s1 =	sld [smem:$0x3F91];
	s0 =	simm.s32 @p0 $0x1  }
0x13: {  	[smem:$0x3FAC] =	sst s0;
	s0 =	simm.s32 @!p1 $0x0  }
0x14: {  	s2 =	sld [smem:$0x3F90];
	s0 =	simm.s32 @p1 $0x1  }
0x15: {  	[smem:$0x3FAD] =	sst s0;
	s0 =	simm.s32 @!p2 $0x0  }
0x16: {  	s3 =	sld [smem:$0x3FDB];
	s0 =	simm.s32 @p2 $0x1  }
0x17: {  	s4 =	simm.s32 $0x1BF5;
	[smem:$0x3FAF] =	sst s0  }
0x18: {  	s0 =	sld [smem:$0x3F92];
	_ =	swait.ge [sflag:s4], $0x0  }
0x19: {  	s7 =	sld [smem:$0x3F93]  }
0x1a: {  	s8 =	sadd.s32 $0xFFFFE003, lr  }
0x1b: {  	s9 =	sadd.s32 $0xFFFFFEF7, lr;
	s5 =	simm.s32 $0xFFFFFFFF;
	p2 =	slt.u32 s8, $0xFFFFF086  }
0x1c: {  	p1 =	slt.u32 s9, $0xF7A;
	s5 =	simm.s32 @!p2 $0x0  }
0x1d: {  	s5 =	simm.s32 @p1 $0x1;
	p0 =	seq.s32 s7, s2  }
0x1e: {  	s7 =	smul.u32 @!p0 $0xF7A, s2;
	p2 =	seq.s32 @!p0 s5, $0x0  }
0x1f: {  	s9 =	smul.u32 $0xF7A, s1;
	s8 =	simm.s32 @!p0 $0x1BF5;
	p2 =	por !p2, p0  }
0x20: {  	[sflag:s8] =	ssyncset.s32 @!p0 $0xFFFFF086;
	s6 =	sadd.s32 @!p0 s3, s7;
	s7 =	simm.s32 @!p0 $0x108  }
0x21: {  	s3 =	sadd.s32 s3, s9;
	s6 =	sadd.s32 @!p0 $0x88, s6;
	s7 =	simm.s32 @p2 $0x1082  }
0x22: {  	[simem:s7], [sflag:s8] =	dma.local @!p0 [hbm:s6], $0xF7A  }
0x23: {  	s9 =	sor.u32 $0xD0000000, s2;
	s6 =	simm.s32 $0x108;
	_ =	swait.ge @!p0 [sflag:s8], $0x0  }
0x24: {  	s3 =	sadd.s32 $0x88, s3;
	s6 =	simm.s32 @!p1 $0x1082;
	[sflag:s4] =	ssyncset.s32 $0xFFFFF086  }
0x25: {  	[simem:s6], [sflag:s4] =	dma.local [hbm:s3], $0xF7A  }
0x26: {  	[smem:$0x3F93] =	sst s1;
	(tag) =	ssettag s2;
	_ =	strace s9  }
0x27: {  	s1 =	sld [smem:$0x3FA3]  }
0x28: {  	s2 =	sld [smem:$0x3FA4]  }
0x29: {  	s4 =	sld [smem:$0x3FA6]  }
0x2a: {  	p0 =	seq.s32 s5, $0x0;
	s5 =	sld [smem:$0x3FA7]  }
0x2b: {  	s6 =	sld [smem:$0x3FA8]  }
0x2c: {  	s7 =	sld [smem:$0x3FA9]  }
0x2d: {  	s3 =	simm.s32 $0x108;
	s8 =	sld [smem:$0x3FAA]  }
0x2e: {  	s3 =	simm.s32 @!p0 $0x1082;
	s9 =	sld [smem:$0x3FAB]  }
0x2f: {  	lr =	sadd.s32 s0, s3;
	s0 =	sld [smem:$0x3FA2]  }
0x30: {  	s3 =	sld [smem:$0x3FA5]  }
0x31: {  	[smem:$0x3FAE] =	sst s10  }
0x32: {  	s10 =	sld [smem:$0x3FAC];
	_ =	sdelay $0x3  }
0x33: {  	p0 =	seq.s32 s10, $0x1;
	s10 =	sld [smem:$0x3FAE];
	_ =	sdelay $0x3  }
0x34: {  	[smem:$0x3FAE] =	sst s10  }
0x35: {  	s10 =	sld [smem:$0x3FAD];
	_ =	sdelay $0x3  }
0x36: {  	p1 =	seq.s32 s10, $0x1;
	s10 =	sld [smem:$0x3FAE];
	_ =	sdelay $0x3  }
0x37: {  	[smem:$0x3FAE] =	sst s10  }
0x38: {  	s10 =	sld [smem:$0x3FAF]  }
0x39: {  	_ = 	snop;
	(pc) =	sbr.ind lr, $3  }
0x3a: {  	_ = 	snop  }
0x3b: {  	_ = 	snop  }
0x3c: {  	p2 =	seq.s32 s10, $0x1;
	s10 =	sld [smem:$0x3FAE]  }
0x3d: {  	_ =	shalt  }
0x3e: {  	_ =	shalt  }
0x3f: {  	_ =	shalt  }
0x40: {  	_ =	shalt  }
0x41: {  	_ =	shalt  }
0x42: {  	_ =	shalt  }
0x43: {  	_ =	shalt  }
0x44: {  	_ =	shalt  }
0x45: {  	_ =	shalt  }
0x46: {  	_ =	shalt  }
0x47: {  	_ =	shalt  }
0x48: {  	_ =	shalt  }
0x49: {  	_ =	shalt  }
0x4a: {  	_ =	shalt  }
0x4b: {  	_ =	shalt  }
0x4c: {  	_ =	shalt  }
0x4d: {  	_ =	shalt  }
0x4e: {  	_ =	shalt  }
0x4f: {  	_ =	shalt  }
0x50: {  	_ =	shalt  }
0x51: {  	_ =	shalt  }
0x52: {  	_ =	shalt  }
0x53: {  	_ =	shalt  }
0x54: {  	_ =	shalt  }
0x55: {  	_ =	shalt  }
0x56: {  	_ =	shalt  }
0x57: {  	_ =	shalt  }
0x58: {  	_ =	shalt  }
0x59: {  	_ =	shalt  }
0x5a: {  	_ =	shalt  }
0x5b: {  	_ =	shalt  }
0x5c: {  	_ =	shalt  }
0x5d: {  	_ =	shalt  }
0x5e: {  	_ =	shalt  }
0x5f: {  	_ =	shalt  }
0x60: {  	_ =	shalt  }
0x61: {  	_ =	shalt  }
0x62: {  	_ =	shalt  }
0x63: {  	_ =	shalt  }
0x64: {  	_ =	shalt  }
0x65: {  	_ =	shalt  }
0x66: {  	_ =	shalt  }
0x67: {  	_ =	shalt  }
0x68: {  	_ =	shalt  }
0x69: {  	_ =	shalt  }
0x6a: {  	_ =	shalt  }
0x6b: {  	_ =	shalt  }
0x6c: {  	_ =	shalt  }
0x6d: {  	_ =	shalt  }
0x6e: {  	_ =	shalt  }
0x6f: {  	_ =	shalt  }
0x70: {  	_ =	shalt  }
0x71: {  	_ =	shalt  }
0x72: {  	_ =	shalt  }
0x73: {  	_ =	shalt  }
0x74: {  	_ =	shalt  }
0x75: {  	_ =	shalt  }
0x76: {  	_ =	shalt  }
0x77: {  	_ =	shalt  }
0x78: {  	_ =	shalt  }
0x79: {  	_ =	shalt  }
0x7a: {  	_ =	shalt  }
0x7b: {  	_ =	shalt  }
0x7c: {  	_ =	shalt  }
0x7d: {  	_ =	shalt  }
0x7e: {  	_ =	shalt  }
0x7f: {  	_ =	shalt  }
0x80: {  	_ =	shalt  }
0x81: {  	_ =	shalt  }
0x82: {  	_ =	shalt  }
0x83: {  	_ =	shalt  }
0x84: {  	_ =	shalt  }
0x85: {  	_ =	shalt  }
0x86: {  	_ =	shalt  }
0x87: {  	_ =	shalt  }
.Lfunc_end0:
.L_simem_size_0:
called_computation.3_lowered:
.L_overlay_start_0:
0x88: {  	s2 =	sld [smem:$0x3FD9]  }
0x89: {  	s3 =	sld [smem:$0x3FFE];
	_ =	sdelay $0x1  }
0x8a: {  	s1 =	srdreg.scid  }
0x8b: {  	s0 =	sand.u32 $0x1, s1  }
0x8c: {  	s16 =	sshll.u32 s0, $0xA;
	s2 =	sadd.s32 s3, s2  }
0x8d: {  	s2 =	sadd.s32 s2, s16  }
0x8e: {  	[smem:$0x3FBA] =	sst s2  }
0x8f: {  	_ = 	snop  }
0x90: {  	(tm) =	ssettm $0x1  }
0x91: {  	s17 =	sld [smem:$0x3FFB];
	_ =	sdelay $0x3  }
0x92: {  	_ =	strace s17  }
0x93: {  	s2 =	sld [smem:$0x3FFC];
	_ =	sdelay $0x3  }
0x94: {  	_ =	strace s2  }
0x95: {  	s2 =	sld [smem:$0x3FFD];
	_ =	sdelay $0x3  }
0x96: {  	_ =	strace s2  }
0x97: {  	_ =	strace $0x8FFFFFFF  }
0x98: {  	s18 =	sld [smem:$0x3FDB];
	_ =	sdelay $0x1  }
0x99: {  	s19 =	simm.s32 $_scs_section_size  }
0x9a: {  	s4 =	simm.s32 $_size__tile_overlayer_lowered;
	s5 =	simm.s32 $_tile_overlayer_lowered  }
0x9b: {  	s22 =	simm.s32 $0x1BFF;
	s21 =	sshll.u32 s5, $0x1;
	s2 =	sadd.s32 s19, s18  }
0x9c: {  	s6 =	simm.s32 $0x0;
	s20 =	sshll.u32 s4, $0x1;
	s4 =	sadd.s32 s21, s2  }
0x9d: {  	[timem:s6], [sflag:s22] =	dma.local [hbm:s4], s20  }
0x9e: {  	_ =	swait.ge [sflag:s22], s20  }
0x9f: {  	s3 =	ssub.s32 $0x0, s20;
	[sflag:s22] =	ssyncset.done $0x0  }
0xa0: {  	[sflag:s22] =	ssyncadd.s32 s3;
	_ =	sdelay $0x1  }
0xa1: {  	s23 =	simm.s32 $0x1B8B  }
0xa2: {  	_ =	swait.ge [sflag:s23], $0x1  }
0xa3: {  	[sflag:s23] =	ssyncset.done $0x0  }
0xa4: {  	s25 =	simm.s32 $0x1B8E;
	s24 =	sld [smem:$0x3FFE];
	[sflag:s23] =	ssyncadd.s32 $0xFFFFFFFF  }
0xa5: {  	s26 =	simm.s32 $execute0_lowered;
	[smem:$0x3FD2] =	sst s25  }
0xa6: {  	s4 =	sshll.u32 s26, $0x1;
	_ =	strace $0x8000004C;
	[dreg:$0x1] =	wrdreg $0xFFFFFFFF  }
0xa7: {  	s28 =	simm.s32 $_size_execute0_lowered;
	s2 =	sadd.s32 s2, s4;
	[dreg:$0x0] =	wrdreg $0x0  }
0xa8: {  	s4 =	sshll.u32 s28, $0x1;
	[dreg:$0x2] =	wrdreg s2  }
0xa9: {  	[dreg:$0x3] =	wrdreg s4  }
0xaa: {  	[dreg:$0x4] =	wrdreg $0xC0  }
0xab: {  	_ =	task [dreg:s6], $0x5FFFF  }
0xac: {  	[dreg:$0x1] =	wrdreg $0xFFFFFFFF  }
0xad: {  	[dreg:$0x0] =	wrdreg $0x60  }
0xae: {  	[dreg:$0x2] =	wrdreg s24  }
0xaf: {  	[dreg:$0x3] =	wrdreg $0x82000  }
0xb0: {  	[dreg:$0x4] =	wrdreg $0xA  }
0xb1: {  	_ =	task.clear_ibuf [dreg:s6], $0x5FFFF;
	_ =	strace $0x9000004C  }
0xb2: {  	s29 =	simm.s32 $0xA;
	_ =	strace $0x8000004E  }
0xb3: {  	_ =	swait.ge [sflag:s29], $0x1  }
0xb4: {  	[sflag:s29] =	ssyncadd.s32 $0xFFFFFFFF  }
0xb5: {  	_ =	strace $0x9000004E  }
0xb6: {  	_ =	sfence  }
0xb7: {  	s30 =	sld [smem:$0x0];
	_ =	sdelay $0x2  }
0xb8: {  	s31 =	sshll.u32 s1, $0xD;
	s1 =	sshrl.u32 s1, $0x2  }
0xb9: {  	s3 =	sand.u32 $0x4000, s31;
	s1 =	sadd.s32 s1, s30  }
0xba: {  	s0 =	sor.u32 s3, s0;
	s1 =	sshll.u32 s1, $0x11  }
0xbb: {  	s0 =	sor.u32 s1, s0  }
0xbc: {  	s0 =	sadd.s32 $0x8F2B, s0  }
0xbd: {  	[sflag:s0] =	ssyncadd.remote.s32 $0x1  }
0xbe: {  	_ =	sfence.sel $0xFFFF  }
0xbf: {  	[dreg:$0x0] =	wrdreg $0xFFFFFFFF;
	(pc) =	sbr.abs _section_cstart, $3  }
0xc0: {  	[dreg:$0x1] =	wrdreg $0xFFFFFFFF  }
0xc1: {  	_ =	task.clear_ibuf [dreg:s6], $0x2FFFF;
	_ =	strace $0x9FFFFFFF  }
0xc2: {  	(tm) =	ssettm $0x7FFFFFFF  }
0xc3: {  	_ =	shalt  }
tec
execute0_lowered:
.L_overlay_start_1:
0x0: {  	(tag) =	ssettag $0x1  }
0x1: {  	s6 =	rddreg [dreg:$0x0]  }
0x2: {  	s1 =	rddreg [dreg:$0x1]  }
0x3: {  	s0 =	rddreg [dreg:$0x2];
	s2 =	simm.s32 $0x0;
	s3 =	srdreg.scid  }
0x4: {  	s15 =	simm.s32 $0x100;
	s16 =	simm.s32 $0x4200;
	s17 =	simm.s32 $0x1  }
0x5: {  	s18 =	simm.s32 $0x2;
	s19 =	simm.s32 $0x180;
	[smem:$0x7FF] =	sst s2  }
0x6: {  	s4 =	sadd.s32 $0x26800, s6;
	s10 =	sadd.s32 $0x10000, s6;
	s8 =	sand.u32 $0x1, s3  }
0x7: {  	s3 =	stileid.u32;
	s5 =	sadd.s32 $0x24000, s6;
	s7 =	smul.u32 $0x27800, s8  }
0x8: {  	_ =	strace $0x8000004D;
	s9 =	sshll.u32 s3, $0x1;
	s12 =	smul.u32 $0x13C00, s3  }
0x9: {  	s11 =	ssub.s32 $0x2, s8;
	s30 =	sshll.u32 s3, $0x6;
	s14 =	smul.u32 $0x1400, s3  }
0xa: {  	s31 =	smul.u32 $0xA00, s8;
	s9 =	sor.u32 s8, s9;
	s25 =	sshrl.u32 s11, $0x1  }
0xb: {  	s13 =	sadd.s32 s7, s6;
	s26 =	smul.u32 $0xA00, s9;
	s28 =	ssub.s32 s11, s25  }
0xc: {  	s29 =	sadd.s32 s12, s1;
	s6 =	sor.u32 $0x1C03, s30;
	s21 =	sshrl.u32 s12, $0x3  }
0xd: {  	s12 =	simm.s32 $0x3;
	s20 =	sadd.s32 $0xC4800, s13;
	s8 =	smax.u32 s28, $0x1  }
0xe: {  	s11 =	sshrl.u32 s29, $0x3;
	s13 =	simm.s32 $0x80;
	s7 =	sadd.s32 s10, s26  }
0xf: {  	s10 =	sadd.s32 s14, s10;
	s14 =	simm.s32 $0x200;
	s20 =	sadd.s32 s21, s20  }
0x10: {  	s21 =	simm.s32 $0x0;
	s9 =	sadd.s32 $0x9E0, s7;
	s10 =	sadd.s32 s31, s10  }
.LBB2_1:
0x11: {  	[spmem:s11], [sflag:s6] =	dma.local [hbm:s5], $0x2780  }
0x12: {  	_ =	swait.ge [sflag:s12], $0x2780  }
0x13: {  	[sflag:s12] =	ssyncset.done $0x0  }
0x14: {  	[sflag:s12] =	ssyncadd.s32 $0xFFFFD880  }
0x15: {  	[bflag:$0x0] =	sbarrier.arrive $0xFFFF  }
0x16: {  	[tilespmem:s2], [sflag:$0x3] =	stream.linear.gather [hbm4b:s7+s2], $0x100, $0x38;
	[tilespmem:$0x1BE00] =	vst v63  }
0x17: {  	_ =	swait.ge [sflag:s12], $0x100  }
0x18: {  	[sflag:s12] =	ssyncset.done $0x0  }
0x19: {  	s22 =	sadd.s32 $0xFFFFF640, s10;
	[sflag:s12] =	ssyncadd.s32 $0xFFFFFF00  }
0x1a: {  	[tilespmem:s14], [sflag:$0x1] =	stream.indirect.gather [hbm4b:s4+s13], $0x80, s2, s13, $0xb8;
	[tilespmem:$0x1BE00] =	vst v63  }
0x1b: {  	s23 =	sadd.s32 $0x9E0, s22  }
0x1c: {  	[tilespmem:s15], [sflag:$0x3] =	stream.linear.gather [hbm4b:s23+s2], $0x100, $0x38;
	[tilespmem:$0x1BE00] =	vst v63  }
0x1d: {  	_ =	swait.ge [sflag:s12], $0x100  }
0x1e: {  	[sflag:s12] =	ssyncset.done $0x0  }
0x1f: {  	[sflag:s12] =	ssyncadd.s32 $0xFFFFFF00  }
0x20: {  	[tilespmem:s16], [sflag:$0x2] =	stream.indirect.gather [hbm4b:s4+s13], $0x80, s15, s13, $0xb8;
	[tilespmem:$0x1BE00] =	vst v63  }
0x21: {  	_ =	swait.ge [sflag:s17], $0x4000  }
0x22: {  	[sflag:s17] =	ssyncset.done $0x0  }
0x23: {  	[sflag:s17] =	ssyncadd.s32 $0xFFFFC000  }
0x24: {  	[spmem:s1] =	stream.indirect.scatter.add.f32 [tilespmem:s14], [sflag:$0x3], $0x80, s13, s13, $0xb8;
	[tilespmem:$0x1BE00] =	vst v63  }
0x25: {  	_ =	swait.ge [sflag:s12], $0x4000  }
0x26: {  	[sflag:s12] =	ssyncset.done $0x0  }
0x27: {  	s22 =	sadd.s32 $0xA00, s22;
	[sflag:s12] =	ssyncadd.s32 $0xFFFFC000  }
0x28: {  	[tilespmem:s2], [sflag:$0x3] =	stream.linear.gather [hbm4b:s22+s2], $0x100, $0x38;
	[tilespmem:$0x1BE00] =	vst v63  }
0x29: {  	_ =	swait.ge [sflag:s12], $0x100  }
0x2a: {  	[sflag:s12] =	ssyncset.done $0x0  }
0x2b: {  	[sflag:s12] =	ssyncadd.s32 $0xFFFFFF00  }
0x2c: {  	[tilespmem:s14], [sflag:$0x1] =	stream.indirect.gather [hbm4b:s4+s13], $0x80, s2, s13, $0xb8;
	[tilespmem:$0x1BE00] =	vst v63  }
0x2d: {  	_ =	swait.ge [sflag:s18], $0x4000  }
0x2e: {  	[sflag:s18] =	ssyncset.done $0x0  }
0x2f: {  	[sflag:s18] =	ssyncadd.s32 $0xFFFFC000  }
0x30: {  	[spmem:s1] =	stream.indirect.scatter.add.f32 [tilespmem:s16], [sflag:$0x3], $0x80, s19, s13, $0xb8;
	[tilespmem:$0x1BE00] =	vst v63  }
0x31: {  	_ =	swait.ge [sflag:s12], $0x4000  }
0x32: {  	s23 =	simm.s32 $0xFFFFF6C0;
	s22 =	sadd.s32 $0xFFFFF680, s10;
	[sflag:s12] =	ssyncset.done $0x0  }
.LBB2_2:
0x33: {  	s24 =	sadd.s32 $0x9E0, s22  }
0x34: {  	[sflag:s12] =	ssyncadd.s32 $0xFFFFC000;
	s25 =	smov.u32 s23;
	s26 =	sadd.s32 $0x40, s23  }
0x35: {  	[tilespmem:s15], [sflag:$0x3] =	stream.linear.gather [hbm4b:s24+s2], $0x100, $0x38;
	[tilespmem:$0x1BE00] =	vst v63  }
0x36: {  	p0 =	sne.s32 s23, $0xFFFFFFC0;
	_ =	swait.ge [sflag:s12], $0x100  }
0x37: {  	[sflag:s12] =	ssyncset.done $0x0  }
0x38: {  	[sflag:s12] =	ssyncadd.s32 $0xFFFFFF00  }
0x39: {  	[tilespmem:s16], [sflag:$0x2] =	stream.indirect.gather [hbm4b:s4+s13], $0x80, s15, s13, $0xb8;
	[tilespmem:$0x1BE00] =	vst v63  }
0x3a: {  	_ =	swait.ge [sflag:s17], $0x4000  }
0x3b: {  	[sflag:s17] =	ssyncset.done $0x0  }
0x3c: {  	[sflag:s17] =	ssyncadd.s32 $0xFFFFC000  }
0x3d: {  	[spmem:s1] =	stream.indirect.scatter.add.f32 [tilespmem:s14], [sflag:$0x3], $0x80, s13, s13, $0xb8;
	[tilespmem:$0x1BE00] =	vst v63  }
0x3e: {  	_ =	swait.ge [sflag:s12], $0x4000  }
0x3f: {  	[sflag:s12] =	ssyncset.done $0x0  }
0x40: {  	s22 =	sadd.s32 $0xA00, s22;
	[sflag:s12] =	ssyncadd.s32 $0xFFFFC000  }
0x41: {  	[tilespmem:s2], [sflag:$0x3] =	stream.linear.gather [hbm4b:s22+s2], $0x100, $0x38;
	[tilespmem:$0x1BE00] =	vst v63  }
0x42: {  	_ =	swait.ge [sflag:s12], $0x100  }
0x43: {  	[sflag:s12] =	ssyncset.done $0x0  }
0x44: {  	[sflag:s12] =	ssyncadd.s32 $0xFFFFFF00  }
0x45: {  	[tilespmem:s14], [sflag:$0x1] =	stream.indirect.gather [hbm4b:s4+s13], $0x80, s2, s13, $0xb8;
	[tilespmem:$0x1BE00] =	vst v63  }
0x46: {  	_ =	swait.ge [sflag:s18], $0x4000  }
.Ltmp0:
0x47: {  	[sflag:s18] =	ssyncset.done $0x0;
	(pc) =	sbr.rel @p0 .LBB2_2-.Ltmp0, $4  }
0x48: {  	[sflag:s18] =	ssyncadd.s32 $0xFFFFC000  }
0x49: {  	[spmem:s1] =	stream.indirect.scatter.add.f32 [tilespmem:s16], [sflag:$0x3], $0x80, s19, s13, $0xb8;
	[tilespmem:$0x1BE00] =	vst v63  }
0x4a: {  	_ =	swait.ge [sflag:s12], $0x4000  }
0x4b: {  	s23 =	smov.u32 s26;
	s22 =	sadd.s32 s25, s10;
	[sflag:s12] =	ssyncset.done $0x0  }
0x4c: {  	s23 =	sadd.s32 $0x9E0, s22;
	[sflag:s12] =	ssyncadd.s32 $0xFFFFC000  }
0x4d: {  	[tilespmem:s15], [sflag:$0x3] =	stream.linear.gather [hbm4b:s23+s2], $0x100, $0x38;
	[tilespmem:$0x1BE00] =	vst v63  }
0x4e: {  	_ =	swait.ge [sflag:s12], $0x100  }
0x4f: {  	[sflag:s12] =	ssyncset.done $0x0  }
0x50: {  	[sflag:s12] =	ssyncadd.s32 $0xFFFFFF00  }
0x51: {  	[tilespmem:s16], [sflag:$0x2] =	stream.indirect.gather [hbm4b:s4+s13], $0x80, s15, s13, $0xb8;
	[tilespmem:$0x1BE00] =	vst v63  }
0x52: {  	_ =	swait.ge [sflag:s17], $0x4000  }
0x53: {  	[sflag:s17] =	ssyncset.done $0x0  }
0x54: {  	[sflag:s17] =	ssyncadd.s32 $0xFFFFC000  }
0x55: {  	[spmem:s1] =	stream.indirect.scatter.add.f32 [tilespmem:s14], [sflag:$0x3], $0x80, s13, s13, $0xb8;
	[tilespmem:$0x1BE00] =	vst v63  }
0x56: {  	_ =	swait.ge [sflag:s12], $0x4000  }
0x57: {  	[sflag:s12] =	ssyncset.done $0x0  }
0x58: {  	s31 =	sadd.s32 $0xA00, s22;
	[sflag:s12] =	ssyncadd.s32 $0xFFFFC000  }
0x59: {  	[tilespmem:s2], [sflag:$0x3] =	stream.linear.gather [hbm4b:s31+s2], $0x100, $0x38;
	[tilespmem:$0x1BE00] =	vst v63  }
0x5a: {  	_ =	swait.ge [sflag:s12], $0x100  }
0x5b: {  	[sflag:s12] =	ssyncset.done $0x0  }
0x5c: {  	[sflag:s12] =	ssyncadd.s32 $0xFFFFFF00  }
0x5d: {  	[tilespmem:s14], [sflag:$0x1] =	stream.indirect.gather [hbm4b:s4+s13], $0x80, s2, s13, $0xb8;
	[tilespmem:$0x1BE00] =	vst v63  }
0x5e: {  	_ =	swait.ge [sflag:s18], $0x4000  }
0x5f: {  	[sflag:s18] =	ssyncset.done $0x0  }
0x60: {  	[sflag:s18] =	ssyncadd.s32 $0xFFFFC000  }
0x61: {  	[spmem:s1] =	stream.indirect.scatter.add.f32 [tilespmem:s16], [sflag:$0x3], $0x80, s19, s13, $0xb8;
	[tilespmem:$0x1BE00] =	vst v63  }
0x62: {  	_ =	swait.ge [sflag:s12], $0x4000  }
0x63: {  	[sflag:s12] =	ssyncset.done $0x0  }
0x64: {  	[sflag:s12] =	ssyncadd.s32 $0xFFFFC000  }
0x65: {  	[tilespmem:s15], [sflag:$0x3] =	stream.linear.gather [hbm4b:s9+s2], $0x100, $0x38;
	[tilespmem:$0x1BE00] =	vst v63  }
0x66: {  	_ =	swait.ge [sflag:s12], $0x100  }
0x67: {  	[sflag:s12] =	ssyncset.done $0x0  }
0x68: {  	[sflag:s12] =	ssyncadd.s32 $0xFFFFFF00  }
0x69: {  	[tilespmem:s16], [sflag:$0x2] =	stream.indirect.gather [hbm4b:s4+s13], $0x80, s15, s13, $0xb8;
	[tilespmem:$0x1BE00] =	vst v63  }
0x6a: {  	_ =	swait.ge [sflag:s17], $0x4000  }
0x6b: {  	[sflag:s17] =	ssyncset.done $0x0  }
0x6c: {  	[sflag:s17] =	ssyncadd.s32 $0xFFFFC000  }
0x6d: {  	[spmem:s1] =	stream.indirect.scatter.add.f32 [tilespmem:s14], [sflag:$0x3], $0x80, s13, s13, $0xb8;
	[tilespmem:$0x1BE00] =	vst v63  }
0x6e: {  	_ =	swait.ge [sflag:s12], $0x4000  }
0x6f: {  	[sflag:s12] =	ssyncset.done $0x0  }
0x70: {  	[sflag:s12] =	ssyncadd.s32 $0xFFFFC000  }
0x71: {  	_ =	swait.ge [sflag:s18], $0x4000  }
0x72: {  	[sflag:s18] =	ssyncset.done $0x0  }
0x73: {  	[sflag:s18] =	ssyncadd.s32 $0xFFFFC000  }
0x74: {  	[spmem:s1] =	stream.indirect.scatter.add.f32 [tilespmem:s16], [sflag:$0x3], $0x80, s19, s13, $0xb8;
	[tilespmem:$0x1BE00] =	vst v63  }
0x75: {  	_ =	swait.ge [sflag:s12], $0x4000  }
0x76: {  	s21 =	sadd.s32 $0x1, s21;
	[sflag:s12] =	ssyncset.done $0x0  }
0x77: {  	p0 =	sne.s32 s21, s8;
	[sflag:s12] =	ssyncadd.s32 $0xFFFFC000  }
.Ltmp1:
0x78: {  	[bflag:$0x0] =	sbarrier.arrive $0xFFFF;
	(pc) =	sbr.rel @p0 .LBB2_1-.Ltmp1, $4  }
0x79: {  	[hbm:s20], [sflag:s6] =	dma.local [spmem:s11], $0x2780  }
0x7a: {  	_ =	swait.ge [sflag:s12], $0x2780  }
0x7b: {  	[sflag:s12] =	ssyncset.done $0x0  }
0x7c: {  	[sflag:s12] =	ssyncadd.s32 $0xFFFFD880  }
0x7d: {  	_ =	sfence.sel $0x180000  }
0x7e: {  	[bflag:$0x0] =	sbarrier.arrive $0xFFFF  }
0x7f: {  	p0 =	sne.s32 s3, $0x0;
	_ =	strace $0x9000004D  }
0x80: {  	s0 =	sadd.s32 @!p0 $0x100000, s0;
	[bflag:$0x2] =	sbarrier.arrive $0xFFFF  }
0x81: {  	[sflag:s0] =	ssyncadd.tile.s32 @!p0 $0x1;
	_ =	shalt  }
.Lfunc_end2:
_tile_overlayer_lowered:
.L_overlay_start_2:
0x82: {  	(tag) =	ssettag $0x2  }
0x83: {  	s0 =	rddreg [dreg:$0x0];
	s2 =	stileid.u32  }
0x84: {  	s1 =	rddreg [dreg:$0x1];
	p0 =	sne.s32 s2, $0x0  }
0x85: {  	s3 =	rddreg [dreg:$0x2];
	[bflag:$0x3] =	sbarrier.arrive $0xFFFF;
	s2 =	simm.s32 @!p0 $0x1C03  }
0x86: {  	[timem:s3], [sflag:s2] =	dma.local @!p0 [hbm:s0], s1  }
0x87: {  	s0 =	simm.s32 @!p0 $0x3  }
0x88: {  	_ =	swait.ge @!p0 [sflag:s0], s1  }
0x89: {  	s1 =	ssub.s32 @!p0 $0x0, s1;
	[sflag:s0] =	ssyncset.done @!p0 $0x0  }
0x8a: {  	[sflag:s0] =	ssyncadd.s32 @!p0 s1  }
0x8b: {  	[bflag:$0x3] =	sbarrier.arrive $0xFFFF  }
0x8c: {  	_ =	shalt  }

// kernel: kernel.24.cloned.1.call-start
scs
__scs_entry_jumppad:
0x0: {  	(pc) =	sbr.rel $0x88, $3  }
0x1: {  	(tag) =	ssettag $0x0;
	lr =	simm.s32 $0x1  }
0x2: {  	[smem:$0x3F93] =	sst lr;
	_ =	strace $0xD0000000  }
0x3: {  	_ = 	snop  }
0x4: {  	_ = 	snop  }
0x5: {  	_ = 	snop  }
0x6: {  	_ = 	snop  }
0x7: {  	_ = 	snop  }
__scs_overlays_trampoline_lowered:
0x8: {  	[smem:$0x3FA2] =	sst s0  }
0x9: {  	[smem:$0x3FA3] =	sst s1  }
0xa: {  	[smem:$0x3FA4] =	sst s2  }
0xb: {  	[smem:$0x3FA5] =	sst s3  }
0xc: {  	[smem:$0x3FA6] =	sst s4  }
0xd: {  	[smem:$0x3FA7] =	sst s5  }
0xe: {  	[smem:$0x3FA8] =	sst s6  }
0xf: {  	[smem:$0x3FA9] =	sst s7  }
0x10: {  	[smem:$0x3FAA] =	sst s8  }
0x11: {  	[smem:$0x3FAB] =	sst s9;
	s0 =	simm.s32 @!p0 $0x0  }
0x12: {  	s1 =	sld [smem:$0x3F91];
	s0 =	simm.s32 @p0 $0x1  }
0x13: {  	[smem:$0x3FAC] =	sst s0;
	s0 =	simm.s32 @!p1 $0x0  }
0x14: {  	s2 =	sld [smem:$0x3F90];
	s0 =	simm.s32 @p1 $0x1  }
0x15: {  	[smem:$0x3FAD] =	sst s0;
	s0 =	simm.s32 @!p2 $0x0  }
0x16: {  	s3 =	sld [smem:$0x3FDB];
	s0 =	simm.s32 @p2 $0x1  }
0x17: {  	s4 =	simm.s32 $0x1BF5;
	[smem:$0x3FAF] =	sst s0  }
0x18: {  	s0 =	sld [smem:$0x3F92];
	_ =	swait.ge [sflag:s4], $0x0  }
0x19: {  	s7 =	sld [smem:$0x3F93]  }
0x1a: {  	s8 =	sadd.s32 $0xFFFFE003, lr  }
0x1b: {  	s9 =	sadd.s32 $0xFFFFFEF7, lr;
	s5 =	simm.s32 $0xFFFFFFFF;
	p2 =	slt.u32 s8, $0xFFFFF086  }
0x1c: {  	p1 =	slt.u32 s9, $0xF7A;
	s5 =	simm.s32 @!p2 $0x0  }
0x1d: {  	s5 =	simm.s32 @p1 $0x1;
	p0 =	seq.s32 s7, s2  }
0x1e: {  	s7 =	smul.u32 @!p0 $0xF7A, s2;
	p2 =	seq.s32 @!p0 s5, $0x0  }
0x1f: {  	s9 =	smul.u32 $0xF7A, s1;
	s8 =	simm.s32 @!p0 $0x1BF5;
	p2 =	por !p2, p0  }
0x20: {  	[sflag:s8] =	ssyncset.s32 @!p0 $0xFFFFF086;
	s6 =	sadd.s32 @!p0 s3, s7;
	s7 =	simm.s32 @!p0 $0x108  }
0x21: {  	s3 =	sadd.s32 s3, s9;
	s6 =	sadd.s32 @!p0 $0x88, s6;
	s7 =	simm.s32 @p2 $0x1082  }
0x22: {  	[simem:s7], [sflag:s8] =	dma.local @!p0 [hbm:s6], $0xF7A  }
0x23: {  	s9 =	sor.u32 $0xD0000000, s2;
	s6 =	simm.s32 $0x108;
	_ =	swait.ge @!p0 [sflag:s8], $0x0  }
0x24: {  	s3 =	sadd.s32 $0x88, s3;
	s6 =	simm.s32 @!p1 $0x1082;
	[sflag:s4] =	ssyncset.s32 $0xFFFFF086  }
0x25: {  	[simem:s6], [sflag:s4] =	dma.local [hbm:s3], $0xF7A  }
0x26: {  	[smem:$0x3F93] =	sst s1;
	(tag) =	ssettag s2;
	_ =	strace s9  }
0x27: {  	s1 =	sld [smem:$0x3FA3]  }
0x28: {  	s2 =	sld [smem:$0x3FA4]  }
0x29: {  	s4 =	sld [smem:$0x3FA6]  }
0x2a: {  	p0 =	seq.s32 s5, $0x0;
	s5 =	sld [smem:$0x3FA7]  }
0x2b: {  	s6 =	sld [smem:$0x3FA8]  }
0x2c: {  	s7 =	sld [smem:$0x3FA9]  }
0x2d: {  	s3 =	simm.s32 $0x108;
	s8 =	sld [smem:$0x3FAA]  }
0x2e: {  	s3 =	simm.s32 @!p0 $0x1082;
	s9 =	sld [smem:$0x3FAB]  }
0x2f: {  	lr =	sadd.s32 s0, s3;
	s0 =	sld [smem:$0x3FA2]  }
0x30: {  	s3 =	sld [smem:$0x3FA5]  }
0x31: {  	[smem:$0x3FAE] =	sst s10  }
0x32: {  	s10 =	sld [smem:$0x3FAC];
	_ =	sdelay $0x3  }
0x33: {  	p0 =	seq.s32 s10, $0x1;
	s10 =	sld [smem:$0x3FAE];
	_ =	sdelay $0x3  }
0x34: {  	[smem:$0x3FAE] =	sst s10  }
0x35: {  	s10 =	sld [smem:$0x3FAD];
	_ =	sdelay $0x3  }
0x36: {  	p1 =	seq.s32 s10, $0x1;
	s10 =	sld [smem:$0x3FAE];
	_ =	sdelay $0x3  }
0x37: {  	[smem:$0x3FAE] =	sst s10  }
0x38: {  	s10 =	sld [smem:$0x3FAF]  }
0x39: {  	_ = 	snop;
	(pc) =	sbr.ind lr, $3  }
0x3a: {  	_ = 	snop  }
0x3b: {  	_ = 	snop  }
0x3c: {  	p2 =	seq.s32 s10, $0x1;
	s10 =	sld [smem:$0x3FAE]  }
0x3d: {  	_ =	shalt  }
0x3e: {  	_ =	shalt  }
0x3f: {  	_ =	shalt  }
0x40: {  	_ =	shalt  }
0x41: {  	_ =	shalt  }
0x42: {  	_ =	shalt  }
0x43: {  	_ =	shalt  }
0x44: {  	_ =	shalt  }
0x45: {  	_ =	shalt  }
0x46: {  	_ =	shalt  }
0x47: {  	_ =	shalt  }
0x48: {  	_ =	shalt  }
0x49: {  	_ =	shalt  }
0x4a: {  	_ =	shalt  }
0x4b: {  	_ =	shalt  }
0x4c: {  	_ =	shalt  }
0x4d: {  	_ =	shalt  }
0x4e: {  	_ =	shalt  }
0x4f: {  	_ =	shalt  }
0x50: {  	_ =	shalt  }
0x51: {  	_ =	shalt  }
0x52: {  	_ =	shalt  }
0x53: {  	_ =	shalt  }
0x54: {  	_ =	shalt  }
0x55: {  	_ =	shalt  }
0x56: {  	_ =	shalt  }
0x57: {  	_ =	shalt  }
0x58: {  	_ =	shalt  }
0x59: {  	_ =	shalt  }
0x5a: {  	_ =	shalt  }
0x5b: {  	_ =	shalt  }
0x5c: {  	_ =	shalt  }
0x5d: {  	_ =	shalt  }
0x5e: {  	_ =	shalt  }
0x5f: {  	_ =	shalt  }
0x60: {  	_ =	shalt  }
0x61: {  	_ =	shalt  }
0x62: {  	_ =	shalt  }
0x63: {  	_ =	shalt  }
0x64: {  	_ =	shalt  }
0x65: {  	_ =	shalt  }
0x66: {  	_ =	shalt  }
0x67: {  	_ =	shalt  }
0x68: {  	_ =	shalt  }
0x69: {  	_ =	shalt  }
0x6a: {  	_ =	shalt  }
0x6b: {  	_ =	shalt  }
0x6c: {  	_ =	shalt  }
0x6d: {  	_ =	shalt  }
0x6e: {  	_ =	shalt  }
0x6f: {  	_ =	shalt  }
0x70: {  	_ =	shalt  }
0x71: {  	_ =	shalt  }
0x72: {  	_ =	shalt  }
0x73: {  	_ =	shalt  }
0x74: {  	_ =	shalt  }
0x75: {  	_ =	shalt  }
0x76: {  	_ =	shalt  }
0x77: {  	_ =	shalt  }
0x78: {  	_ =	shalt  }
0x79: {  	_ =	shalt  }
0x7a: {  	_ =	shalt  }
0x7b: {  	_ =	shalt  }
0x7c: {  	_ =	shalt  }
0x7d: {  	_ =	shalt  }
0x7e: {  	_ =	shalt  }
0x7f: {  	_ =	shalt  }
0x80: {  	_ =	shalt  }
0x81: {  	_ =	shalt  }
0x82: {  	_ =	shalt  }
0x83: {  	_ =	shalt  }
0x84: {  	_ =	shalt  }
0x85: {  	_ =	shalt  }
0x86: {  	_ =	shalt  }
0x87: {  	_ =	shalt  }
.Lfunc_end0:
.L_simem_size_0:
called_computation.4_lowered:
.L_overlay_start_0:
0x88: {  	s2 =	sld [smem:$0x3FD9]  }
0x89: {  	s3 =	sld [smem:$0x3FFE];
	_ =	sdelay $0x1  }
0x8a: {  	s1 =	srdreg.scid  }
0x8b: {  	s0 =	sand.u32 $0x1, s1  }
0x8c: {  	s17 =	sshll.u32 s0, $0xA;
	s2 =	sadd.s32 s3, s2  }
0x8d: {  	s2 =	sadd.s32 s2, s17  }
0x8e: {  	[smem:$0x3FBA] =	sst s2  }
0x8f: {  	_ = 	snop  }
0x90: {  	s2 =	sld [smem:$0x3FD0];
	(tm) =	ssettm $0x1  }
0x91: {  	s18 =	sld [smem:$0x3FFB];
	_ =	sdelay $0x3  }
0x92: {  	_ =	strace s18  }
0x93: {  	s3 =	sld [smem:$0x3FFC];
	_ =	sdelay $0x3  }
0x94: {  	_ =	strace s3  }
0x95: {  	s3 =	sld [smem:$0x3FFD];
	_ =	sdelay $0x3  }
0x96: {  	_ =	strace s3  }
0x97: {  	_ =	strace $0x8FFFFFFF  }
0x98: {  	s19 =	sld [smem:$0x3FDB];
	_ =	sdelay $0x1  }
0x99: {  	s4 =	simm.s32 $_scs_section_size  }
0x9a: {  	s5 =	simm.s32 $_size__tile_overlayer_lowered;
	s6 =	simm.s32 $_tile_overlayer_lowered  }
0x9b: {  	s22 =	simm.s32 $0x1BFF;
	s21 =	sshll.u32 s6, $0x1;
	s3 =	sadd.s32 s4, s19  }
0x9c: {  	s7 =	simm.s32 $0x0;
	s20 =	sshll.u32 s5, $0x1;
	s5 =	sadd.s32 s21, s3  }
0x9d: {  	[timem:s7], [sflag:s22] =	dma.local [hbm:s5], s20  }
0x9e: {  	_ =	swait.ge [sflag:s22], s20  }
0x9f: {  	s4 =	ssub.s32 $0x0, s20;
	[sflag:s22] =	ssyncset.done $0x0  }
0xa0: {  	[sflag:s22] =	ssyncadd.s32 s4;
	_ =	sdelay $0x1  }
0xa1: {  	s23 =	simm.s32 $0x1B8B  }
0xa2: {  	_ =	swait.ge [sflag:s23], $0x1  }
0xa3: {  	[sflag:s23] =	ssyncset.done $0x0  }
0xa4: {  	s25 =	simm.s32 $0x1B8E;
	s24 =	sld [smem:$0x3FFE];
	[sflag:s23] =	ssyncadd.s32 $0xFFFFFFFF  }
0xa5: {  	s26 =	simm.s32 $execute0_lowered;
	[smem:$0x3FD2] =	sst s25  }
0xa6: {  	s5 =	sshll.u32 s26, $0x1;
	_ =	strace $0x80000052;
	[dreg:$0x1] =	wrdreg $0xFFFFFFFF  }
0xa7: {  	s28 =	simm.s32 $_size_execute0_lowered;
	s3 =	sadd.s32 s3, s5;
	[dreg:$0x0] =	wrdreg $0x0  }
0xa8: {  	s5 =	sshll.u32 s28, $0x1;
	[dreg:$0x2] =	wrdreg s3  }
0xa9: {  	[dreg:$0x3] =	wrdreg s5  }
0xaa: {  	[dreg:$0x4] =	wrdreg $0xC0  }
0xab: {  	_ =	task [dreg:s7], $0x5FFFF  }
0xac: {  	[dreg:$0x1] =	wrdreg $0xFFFFFFFF  }
0xad: {  	[dreg:$0x0] =	wrdreg $0x60  }
0xae: {  	[dreg:$0x2] =	wrdreg s2  }
0xaf: {  	[dreg:$0x3] =	wrdreg s24  }
0xb0: {  	[dreg:$0x4] =	wrdreg $0x82000  }
0xb1: {  	[dreg:$0x5] =	wrdreg $0x9  }
0xb2: {  	_ =	task.clear_ibuf [dreg:s7], $0x6FFFF;
	_ =	strace $0x90000052  }
0xb3: {  	s29 =	simm.s32 $0x9;
	_ =	strace $0x80000054  }
0xb4: {  	_ =	swait.ge [sflag:s29], $0x1  }
0xb5: {  	[sflag:s29] =	ssyncadd.s32 $0xFFFFFFFF  }
0xb6: {  	_ =	strace $0x90000054  }
0xb7: {  	_ =	sfence  }
0xb8: {  	s30 =	sld [smem:$0x0];
	_ =	sdelay $0x2  }
0xb9: {  	s31 =	sshll.u32 s1, $0xD;
	s1 =	sshrl.u32 s1, $0x2  }
0xba: {  	s3 =	sand.u32 $0x4000, s31;
	s1 =	sadd.s32 s1, s30  }
0xbb: {  	s0 =	sor.u32 s3, s0;
	s1 =	sshll.u32 s1, $0x11  }
0xbc: {  	s0 =	sor.u32 s1, s0  }
0xbd: {  	s0 =	sadd.s32 $0x8F2B, s0  }
0xbe: {  	[sflag:s0] =	ssyncadd.remote.s32 $0x1  }
0xbf: {  	_ =	sfence.sel $0xFFFF  }
0xc0: {  	[dreg:$0x0] =	wrdreg $0xFFFFFFFF;
	(pc) =	sbr.abs _section_cstart, $3  }
0xc1: {  	[dreg:$0x1] =	wrdreg $0xFFFFFFFF  }
0xc2: {  	_ =	task.clear_ibuf [dreg:s7], $0x2FFFF;
	_ =	strace $0x9FFFFFFF  }
0xc3: {  	(tm) =	ssettm $0x7FFFFFFF  }
tec
execute0_lowered:
.L_overlay_start_1:
0x0: {  	(tag) =	ssettag $0x1  }
0x1: {  	s1 =	rddreg [dreg:$0x0]  }
0x2: {  	s6 =	rddreg [dreg:$0x1]  }
0x3: {  	s2 =	rddreg [dreg:$0x2]  }
0x4: {  	s0 =	rddreg [dreg:$0x3];
	s3 =	simm.s32 $0x0  }
0x5: {  	s4 =	srdreg.scid;
	s15 =	simm.s32 $0x100;
	s16 =	simm.s32 $0x4200  }
0x6: {  	s17 =	simm.s32 $0x1;
	s18 =	simm.s32 $0x2;
	s19 =	simm.s32 $0x180  }
0x7: {  	[smem:$0x7FF] =	sst s3;
	s10 =	sadd.s32 $0x10000, s6;
	s8 =	sand.u32 $0x1, s4  }
0x8: {  	s4 =	stileid.u32;
	s5 =	sadd.s32 $0x24000, s6;
	s7 =	smul.u32 $0x27800, s8  }
0x9: {  	_ =	strace $0x80000053;
	s9 =	sshll.u32 s4, $0x1;
	s12 =	smul.u32 $0x13C00, s4  }
0xa: {  	s11 =	ssub.s32 $0x2, s8;
	s30 =	sshll.u32 s4, $0x6;
	s14 =	smul.u32 $0x1400, s4  }
0xb: {  	s31 =	smul.u32 $0xA00, s8;
	s9 =	sor.u32 s8, s9;
	s25 =	sshrl.u32 s11, $0x1  }
0xc: {  	s13 =	sadd.s32 s7, s6;
	s26 =	smul.u32 $0xA00, s9;
	s28 =	ssub.s32 s11, s25  }
0xd: {  	s29 =	sadd.s32 s12, s2;
	s6 =	sor.u32 $0x1C03, s30;
	s21 =	sshrl.u32 s12, $0x3  }
0xe: {  	s12 =	simm.s32 $0x3;
	s20 =	sadd.s32 $0x26800, s13;
	s8 =	smax.u32 s28, $0x1  }
0xf: {  	s11 =	sshrl.u32 s29, $0x3;
	s13 =	simm.s32 $0x80;
	s7 =	sadd.s32 s10, s26  }
0x10: {  	s10 =	sadd.s32 s14, s10;
	s14 =	simm.s32 $0x200;
	s20 =	sadd.s32 s21, s20  }
0x11: {  	s21 =	simm.s32 $0x0;
	s9 =	sadd.s32 $0x9E0, s7;
	s10 =	sadd.s32 s31, s10  }
.LBB2_1:
0x12: {  	[spmem:s11], [sflag:s6] =	dma.local [hbm:s5], $0x2780  }
0x13: {  	_ =	swait.ge [sflag:s12], $0x2780  }
0x14: {  	[sflag:s12] =	ssyncset.done $0x0  }
0x15: {  	[sflag:s12] =	ssyncadd.s32 $0xFFFFD880  }
0x16: {  	[bflag:$0x0] =	sbarrier.arrive $0xFFFF  }
0x17: {  	[tilespmem:s3], [sflag:$0x3] =	stream.linear.gather [hbm4b:s7+s3], $0x100, $0x38;
	[tilespmem:$0x1BE00] =	vst v63  }
0x18: {  	_ =	swait.ge [sflag:s12], $0x100  }
0x19: {  	[sflag:s12] =	ssyncset.done $0x0  }
0x1a: {  	s22 =	sadd.s32 $0xFFFFF640, s10;
	[sflag:s12] =	ssyncadd.s32 $0xFFFFFF00  }
0x1b: {  	[tilespmem:s14], [sflag:$0x1] =	stream.indirect.gather [hbm4b:s1+s13], $0x80, s3, s13, $0xb8;
	[tilespmem:$0x1BE00] =	vst v63  }
0x1c: {  	s23 =	sadd.s32 $0x9E0, s22  }
0x1d: {  	[tilespmem:s15], [sflag:$0x3] =	stream.linear.gather [hbm4b:s23+s3], $0x100, $0x38;
	[tilespmem:$0x1BE00] =	vst v63  }
0x1e: {  	_ =	swait.ge [sflag:s12], $0x100  }
0x1f: {  	[sflag:s12] =	ssyncset.done $0x0  }
0x20: {  	[sflag:s12] =	ssyncadd.s32 $0xFFFFFF00  }
0x21: {  	[tilespmem:s16], [sflag:$0x2] =	stream.indirect.gather [hbm4b:s1+s13], $0x80, s15, s13, $0xb8;
	[tilespmem:$0x1BE00] =	vst v63  }
0x22: {  	_ =	swait.ge [sflag:s17], $0x4000  }
0x23: {  	[sflag:s17] =	ssyncset.done $0x0  }
0x24: {  	[sflag:s17] =	ssyncadd.s32 $0xFFFFC000  }
0x25: {  	[spmem:s2] =	stream.indirect.scatter.add.f32 [tilespmem:s14], [sflag:$0x3], $0x80, s13, s13, $0xb8;
	[tilespmem:$0x1BE00] =	vst v63  }
0x26: {  	_ =	swait.ge [sflag:s12], $0x4000  }
0x27: {  	[sflag:s12] =	ssyncset.done $0x0  }
0x28: {  	s22 =	sadd.s32 $0xA00, s22;
	[sflag:s12] =	ssyncadd.s32 $0xFFFFC000  }
0x29: {  	[tilespmem:s3], [sflag:$0x3] =	stream.linear.gather [hbm4b:s22+s3], $0x100, $0x38;
	[tilespmem:$0x1BE00] =	vst v63  }
0x2a: {  	_ =	swait.ge [sflag:s12], $0x100  }
0x2b: {  	[sflag:s12] =	ssyncset.done $0x0  }
0x2c: {  	[sflag:s12] =	ssyncadd.s32 $0xFFFFFF00  }
0x2d: {  	[tilespmem:s14], [sflag:$0x1] =	stream.indirect.gather [hbm4b:s1+s13], $0x80, s3, s13, $0xb8;
	[tilespmem:$0x1BE00] =	vst v63  }
0x2e: {  	_ =	swait.ge [sflag:s18], $0x4000  }
0x2f: {  	[sflag:s18] =	ssyncset.done $0x0  }
0x30: {  	[sflag:s18] =	ssyncadd.s32 $0xFFFFC000  }
0x31: {  	[spmem:s2] =	stream.indirect.scatter.add.f32 [tilespmem:s16], [sflag:$0x3], $0x80, s19, s13, $0xb8;
	[tilespmem:$0x1BE00] =	vst v63  }
0x32: {  	_ =	swait.ge [sflag:s12], $0x4000  }
0x33: {  	s23 =	simm.s32 $0xFFFFF6C0;
	s22 =	sadd.s32 $0xFFFFF680, s10;
	[sflag:s12] =	ssyncset.done $0x0  }
.LBB2_2:
0x34: {  	s24 =	sadd.s32 $0x9E0, s22  }
0x35: {  	[sflag:s12] =	ssyncadd.s32 $0xFFFFC000;
	s25 =	smov.u32 s23;
	s26 =	sadd.s32 $0x40, s23  }
0x36: {  	[tilespmem:s15], [sflag:$0x3] =	stream.linear.gather [hbm4b:s24+s3], $0x100, $0x38;
	[tilespmem:$0x1BE00] =	vst v63  }
0x37: {  	p0 =	sne.s32 s23, $0xFFFFFFC0;
	_ =	swait.ge [sflag:s12], $0x100  }
0x38: {  	[sflag:s12] =	ssyncset.done $0x0  }
0x39: {  	[sflag:s12] =	ssyncadd.s32 $0xFFFFFF00  }
0x3a: {  	[tilespmem:s16], [sflag:$0x2] =	stream.indirect.gather [hbm4b:s1+s13], $0x80, s15, s13, $0xb8;
	[tilespmem:$0x1BE00] =	vst v63  }
0x3b: {  	_ =	swait.ge [sflag:s17], $0x4000  }
0x3c: {  	[sflag:s17] =	ssyncset.done $0x0  }
0x3d: {  	[sflag:s17] =	ssyncadd.s32 $0xFFFFC000  }
0x3e: {  	[spmem:s2] =	stream.indirect.scatter.add.f32 [tilespmem:s14], [sflag:$0x3], $0x80, s13, s13, $0xb8;
	[tilespmem:$0x1BE00] =	vst v63  }
0x3f: {  	_ =	swait.ge [sflag:s12], $0x4000  }
0x40: {  	[sflag:s12] =	ssyncset.done $0x0  }
0x41: {  	s22 =	sadd.s32 $0xA00, s22;
	[sflag:s12] =	ssyncadd.s32 $0xFFFFC000  }
0x42: {  	[tilespmem:s3], [sflag:$0x3] =	stream.linear.gather [hbm4b:s22+s3], $0x100, $0x38;
	[tilespmem:$0x1BE00] =	vst v63  }
0x43: {  	_ =	swait.ge [sflag:s12], $0x100  }
0x44: {  	[sflag:s12] =	ssyncset.done $0x0  }
0x45: {  	[sflag:s12] =	ssyncadd.s32 $0xFFFFFF00  }
0x46: {  	[tilespmem:s14], [sflag:$0x1] =	stream.indirect.gather [hbm4b:s1+s13], $0x80, s3, s13, $0xb8;
	[tilespmem:$0x1BE00] =	vst v63  }
0x47: {  	_ =	swait.ge [sflag:s18], $0x4000  }
.Ltmp0:
0x48: {  	[sflag:s18] =	ssyncset.done $0x0;
	(pc) =	sbr.rel @p0 .LBB2_2-.Ltmp0, $4  }
0x49: {  	[sflag:s18] =	ssyncadd.s32 $0xFFFFC000  }
0x4a: {  	[spmem:s2] =	stream.indirect.scatter.add.f32 [tilespmem:s16], [sflag:$0x3], $0x80, s19, s13, $0xb8;
	[tilespmem:$0x1BE00] =	vst v63  }
0x4b: {  	_ =	swait.ge [sflag:s12], $0x4000  }
0x4c: {  	s23 =	smov.u32 s26;
	s22 =	sadd.s32 s25, s10;
	[sflag:s12] =	ssyncset.done $0x0  }
0x4d: {  	s23 =	sadd.s32 $0x9E0, s22;
	[sflag:s12] =	ssyncadd.s32 $0xFFFFC000  }
0x4e: {  	[tilespmem:s15], [sflag:$0x3] =	stream.linear.gather [hbm4b:s23+s3], $0x100, $0x38;
	[tilespmem:$0x1BE00] =	vst v63  }
0x4f: {  	_ =	swait.ge [sflag:s12], $0x100  }
0x50: {  	[sflag:s12] =	ssyncset.done $0x0  }
0x51: {  	[sflag:s12] =	ssyncadd.s32 $0xFFFFFF00  }
0x52: {  	[tilespmem:s16], [sflag:$0x2] =	stream.indirect.gather [hbm4b:s1+s13], $0x80, s15, s13, $0xb8;
	[tilespmem:$0x1BE00] =	vst v63  }
0x53: {  	_ =	swait.ge [sflag:s17], $0x4000  }
0x54: {  	[sflag:s17] =	ssyncset.done $0x0  }
0x55: {  	[sflag:s17] =	ssyncadd.s32 $0xFFFFC000  }
0x56: {  	[spmem:s2] =	stream.indirect.scatter.add.f32 [tilespmem:s14], [sflag:$0x3], $0x80, s13, s13, $0xb8;
	[tilespmem:$0x1BE00] =	vst v63  }
0x57: {  	_ =	swait.ge [sflag:s12], $0x4000  }
0x58: {  	[sflag:s12] =	ssyncset.done $0x0  }
0x59: {  	s31 =	sadd.s32 $0xA00, s22;
	[sflag:s12] =	ssyncadd.s32 $0xFFFFC000  }
0x5a: {  	[tilespmem:s3], [sflag:$0x3] =	stream.linear.gather [hbm4b:s31+s3], $0x100, $0x38;
	[tilespmem:$0x1BE00] =	vst v63  }
0x5b: {  	_ =	swait.ge [sflag:s12], $0x100  }
0x5c: {  	[sflag:s12] =	ssyncset.done $0x0  }
0x5d: {  	[sflag:s12] =	ssyncadd.s32 $0xFFFFFF00  }
0x5e: {  	[tilespmem:s14], [sflag:$0x1] =	stream.indirect.gather [hbm4b:s1+s13], $0x80, s3, s13, $0xb8;
	[tilespmem:$0x1BE00] =	vst v63  }
0x5f: {  	_ =	swait.ge [sflag:s18], $0x4000  }
0x60: {  	[sflag:s18] =	ssyncset.done $0x0  }
0x61: {  	[sflag:s18] =	ssyncadd.s32 $0xFFFFC000  }
0x62: {  	[spmem:s2] =	stream.indirect.scatter.add.f32 [tilespmem:s16], [sflag:$0x3], $0x80, s19, s13, $0xb8;
	[tilespmem:$0x1BE00] =	vst v63  }
0x63: {  	_ =	swait.ge [sflag:s12], $0x4000  }
0x64: {  	[sflag:s12] =	ssyncset.done $0x0  }
0x65: {  	[sflag:s12] =	ssyncadd.s32 $0xFFFFC000  }
0x66: {  	[tilespmem:s15], [sflag:$0x3] =	stream.linear.gather [hbm4b:s9+s3], $0x100, $0x38;
	[tilespmem:$0x1BE00] =	vst v63  }
0x67: {  	_ =	swait.ge [sflag:s12], $0x100  }
0x68: {  	[sflag:s12] =	ssyncset.done $0x0  }
0x69: {  	[sflag:s12] =	ssyncadd.s32 $0xFFFFFF00  }
0x6a: {  	[tilespmem:s16], [sflag:$0x2] =	stream.indirect.gather [hbm4b:s1+s13], $0x80, s15, s13, $0xb8;
	[tilespmem:$0x1BE00] =	vst v63  }
0x6b: {  	_ =	swait.ge [sflag:s17], $0x4000  }
0x6c: {  	[sflag:s17] =	ssyncset.done $0x0  }
0x6d: {  	[sflag:s17] =	ssyncadd.s32 $0xFFFFC000  }
0x6e: {  	[spmem:s2] =	stream.indirect.scatter.add.f32 [tilespmem:s14], [sflag:$0x3], $0x80, s13, s13, $0xb8;
	[tilespmem:$0x1BE00] =	vst v63  }
0x6f: {  	_ =	swait.ge [sflag:s12], $0x4000  }
0x70: {  	[sflag:s12] =	ssyncset.done $0x0  }
0x71: {  	[sflag:s12] =	ssyncadd.s32 $0xFFFFC000  }
0x72: {  	_ =	swait.ge [sflag:s18], $0x4000  }
0x73: {  	[sflag:s18] =	ssyncset.done $0x0  }
0x74: {  	[sflag:s18] =	ssyncadd.s32 $0xFFFFC000  }
0x75: {  	[spmem:s2] =	stream.indirect.scatter.add.f32 [tilespmem:s16], [sflag:$0x3], $0x80, s19, s13, $0xb8;
	[tilespmem:$0x1BE00] =	vst v63  }
0x76: {  	_ =	swait.ge [sflag:s12], $0x4000  }
0x77: {  	s21 =	sadd.s32 $0x1, s21;
	[sflag:s12] =	ssyncset.done $0x0  }
0x78: {  	p0 =	sne.s32 s21, s8;
	[sflag:s12] =	ssyncadd.s32 $0xFFFFC000  }
.Ltmp1:
0x79: {  	[bflag:$0x0] =	sbarrier.arrive $0xFFFF;
	(pc) =	sbr.rel @p0 .LBB2_1-.Ltmp1, $4  }
0x7a: {  	[hbm:s20], [sflag:s6] =	dma.local [spmem:s11], $0x2780  }
0x7b: {  	_ =	swait.ge [sflag:s12], $0x2780  }
0x7c: {  	[sflag:s12] =	ssyncset.done $0x0  }
0x7d: {  	[sflag:s12] =	ssyncadd.s32 $0xFFFFD880  }
0x7e: {  	_ =	sfence.sel $0x180000  }
0x7f: {  	[bflag:$0x0] =	sbarrier.arrive $0xFFFF  }
0x80: {  	p0 =	sne.s32 s4, $0x0;
	_ =	strace $0x90000053  }
0x81: {  	s0 =	sadd.s32 @!p0 $0x100000, s0;
	[bflag:$0x2] =	sbarrier.arrive $0xFFFF  }
0x82: {  	[sflag:s0] =	ssyncadd.tile.s32 @!p0 $0x1;
	_ =	shalt  }
.Lfunc_end2:
_tile_overlayer_lowered:
.L_overlay_start_2:
0x83: {  	(tag) =	ssettag $0x2  }
0x84: {  	s0 =	rddreg [dreg:$0x0];
	s2 =	stileid.u32  }
0x85: {  	s1 =	rddreg [dreg:$0x1];
	p0 =	sne.s32 s2, $0x0  }
0x86: {  	s3 =	rddreg [dreg:$0x2];
	[bflag:$0x3] =	sbarrier.arrive $0xFFFF;
	s2 =	simm.s32 @!p0 $0x1C03  }
0x87: {  	[timem:s3], [sflag:s2] =	dma.local @!p0 [hbm:s0], s1  }
0x88: {  	s0 =	simm.s32 @!p0 $0x3  }
0x89: {  	_ =	swait.ge @!p0 [sflag:s0], s1  }
0x8a: {  	s1 =	ssub.s32 @!p0 $0x0, s1;
	[sflag:s0] =	ssyncset.done @!p0 $0x0  }
0x8b: {  	[sflag:s0] =	ssyncadd.s32 @!p0 s1  }
0x8c: {  	[bflag:$0x3] =	sbarrier.arrive $0xFFFF  }
0x8d: {  	_ =	shalt  }

// kernel: kernel.27.cloned.1.call-start
scs
__scs_entry_jumppad:
0x0: {  	(pc) =	sbr.rel $0x88, $3  }
0x1: {  	(tag) =	ssettag $0x0;
	lr =	simm.s32 $0x1  }
0x2: {  	[smem:$0x3F93] =	sst lr;
	_ =	strace $0xD0000000  }
0x3: {  	_ = 	snop  }
0x4: {  	_ = 	snop  }
0x5: {  	_ = 	snop  }
0x6: {  	_ = 	snop  }
0x7: {  	_ = 	snop  }
__scs_overlays_trampoline_lowered:
0x8: {  	[smem:$0x3FA2] =	sst s0  }
0x9: {  	[smem:$0x3FA3] =	sst s1  }
0xa: {  	[smem:$0x3FA4] =	sst s2  }
0xb: {  	[smem:$0x3FA5] =	sst s3  }
0xc: {  	[smem:$0x3FA6] =	sst s4  }
0xd: {  	[smem:$0x3FA7] =	sst s5  }
0xe: {  	[smem:$0x3FA8] =	sst s6  }
0xf: {  	[smem:$0x3FA9] =	sst s7  }
0x10: {  	[smem:$0x3FAA] =	sst s8  }
0x11: {  	[smem:$0x3FAB] =	sst s9;
	s0 =	simm.s32 @!p0 $0x0  }
0x12: {  	s1 =	sld [smem:$0x3F91];
	s0 =	simm.s32 @p0 $0x1  }
0x13: {  	[smem:$0x3FAC] =	sst s0;
	s0 =	simm.s32 @!p1 $0x0  }
0x14: {  	s2 =	sld [smem:$0x3F90];
	s0 =	simm.s32 @p1 $0x1  }
0x15: {  	[smem:$0x3FAD] =	sst s0;
	s0 =	simm.s32 @!p2 $0x0  }
0x16: {  	s3 =	sld [smem:$0x3FDB];
	s0 =	simm.s32 @p2 $0x1  }
0x17: {  	s4 =	simm.s32 $0x1BF5;
	[smem:$0x3FAF] =	sst s0  }
0x18: {  	s0 =	sld [smem:$0x3F92];
	_ =	swait.ge [sflag:s4], $0x0  }
0x19: {  	s7 =	sld [smem:$0x3F93]  }
0x1a: {  	s8 =	sadd.s32 $0xFFFFE003, lr  }
0x1b: {  	s9 =	sadd.s32 $0xFFFFFEF7, lr;
	s5 =	simm.s32 $0xFFFFFFFF;
	p2 =	slt.u32 s8, $0xFFFFF086  }
0x1c: {  	p1 =	slt.u32 s9, $0xF7A;
	s5 =	simm.s32 @!p2 $0x0  }
0x1d: {  	s5 =	simm.s32 @p1 $0x1;
	p0 =	seq.s32 s7, s2  }
0x1e: {  	s7 =	smul.u32 @!p0 $0xF7A, s2;
	p2 =	seq.s32 @!p0 s5, $0x0  }
0x1f: {  	s9 =	smul.u32 $0xF7A, s1;
	s8 =	simm.s32 @!p0 $0x1BF5;
	p2 =	por !p2, p0  }
0x20: {  	[sflag:s8] =	ssyncset.s32 @!p0 $0xFFFFF086;
	s6 =	sadd.s32 @!p0 s3, s7;
	s7 =	simm.s32 @!p0 $0x108  }
0x21: {  	s3 =	sadd.s32 s3, s9;
	s6 =	sadd.s32 @!p0 $0x88, s6;
	s7 =	simm.s32 @p2 $0x1082  }
0x22: {  	[simem:s7], [sflag:s8] =	dma.local @!p0 [hbm:s6], $0xF7A  }
0x23: {  	s9 =	sor.u32 $0xD0000000, s2;
	s6 =	simm.s32 $0x108;
	_ =	swait.ge @!p0 [sflag:s8], $0x0  }
0x24: {  	s3 =	sadd.s32 $0x88, s3;
	s6 =	simm.s32 @!p1 $0x1082;
	[sflag:s4] =	ssyncset.s32 $0xFFFFF086  }
0x25: {  	[simem:s6], [sflag:s4] =	dma.local [hbm:s3], $0xF7A  }
0x26: {  	[smem:$0x3F93] =	sst s1;
	(tag) =	ssettag s2;
	_ =	strace s9  }
0x27: {  	s1 =	sld [smem:$0x3FA3]  }
0x28: {  	s2 =	sld [smem:$0x3FA4]  }
0x29: {  	s4 =	sld [smem:$0x3FA6]  }
0x2a: {  	p0 =	seq.s32 s5, $0x0;
	s5 =	sld [smem:$0x3FA7]  }
0x2b: {  	s6 =	sld [smem:$0x3FA8]  }
0x2c: {  	s7 =	sld [smem:$0x3FA9]  }
0x2d: {  	s3 =	simm.s32 $0x108;
	s8 =	sld [smem:$0x3FAA]  }
0x2e: {  	s3 =	simm.s32 @!p0 $0x1082;
	s9 =	sld [smem:$0x3FAB]  }
0x2f: {  	lr =	sadd.s32 s0, s3;
	s0 =	sld [smem:$0x3FA2]  }
0x30: {  	s3 =	sld [smem:$0x3FA5]  }
0x31: {  	[smem:$0x3FAE] =	sst s10  }
0x32: {  	s10 =	sld [smem:$0x3FAC];
	_ =	sdelay $0x3  }
0x33: {  	p0 =	seq.s32 s10, $0x1;
	s10 =	sld [smem:$0x3FAE];
	_ =	sdelay $0x3  }
0x34: {  	[smem:$0x3FAE] =	sst s10  }
0x35: {  	s10 =	sld [smem:$0x3FAD];
	_ =	sdelay $0x3  }
0x36: {  	p1 =	seq.s32 s10, $0x1;
	s10 =	sld [smem:$0x3FAE];
	_ =	sdelay $0x3  }
0x37: {  	[smem:$0x3FAE] =	sst s10  }
0x38: {  	s10 =	sld [smem:$0x3FAF]  }
0x39: {  	_ = 	snop;
	(pc) =	sbr.ind lr, $3  }
0x3a: {  	_ = 	snop  }
0x3b: {  	_ = 	snop  }
0x3c: {  	p2 =	seq.s32 s10, $0x1;
	s10 =	sld [smem:$0x3FAE]  }
0x3d: {  	_ =	shalt  }
0x3e: {  	_ =	shalt  }
0x3f: {  	_ =	shalt  }
0x40: {  	_ =	shalt  }
0x41: {  	_ =	shalt  }
0x42: {  	_ =	shalt  }
0x43: {  	_ =	shalt  }
0x44: {  	_ =	shalt  }
0x45: {  	_ =	shalt  }
0x46: {  	_ =	shalt  }
0x47: {  	_ =	shalt  }
0x48: {  	_ =	shalt  }
0x49: {  	_ =	shalt  }
0x4a: {  	_ =	shalt  }
0x4b: {  	_ =	shalt  }
0x4c: {  	_ =	shalt  }
0x4d: {  	_ =	shalt  }
0x4e: {  	_ =	shalt  }
0x4f: {  	_ =	shalt  }
0x50: {  	_ =	shalt  }
0x51: {  	_ =	shalt  }
0x52: {  	_ =	shalt  }
0x53: {  	_ =	shalt  }
0x54: {  	_ =	shalt  }
0x55: {  	_ =	shalt  }
0x56: {  	_ =	shalt  }
0x57: {  	_ =	shalt  }
0x58: {  	_ =	shalt  }
0x59: {  	_ =	shalt  }
0x5a: {  	_ =	shalt  }
0x5b: {  	_ =	shalt  }
0x5c: {  	_ =	shalt  }
0x5d: {  	_ =	shalt  }
0x5e: {  	_ =	shalt  }
0x5f: {  	_ =	shalt  }
0x60: {  	_ =	shalt  }
0x61: {  	_ =	shalt  }
0x62: {  	_ =	shalt  }
0x63: {  	_ =	shalt  }
0x64: {  	_ =	shalt  }
0x65: {  	_ =	shalt  }
0x66: {  	_ =	shalt  }
0x67: {  	_ =	shalt  }
0x68: {  	_ =	shalt  }
0x69: {  	_ =	shalt  }
0x6a: {  	_ =	shalt  }
0x6b: {  	_ =	shalt  }
0x6c: {  	_ =	shalt  }
0x6d: {  	_ =	shalt  }
0x6e: {  	_ =	shalt  }
0x6f: {  	_ =	shalt  }
0x70: {  	_ =	shalt  }
0x71: {  	_ =	shalt  }
0x72: {  	_ =	shalt  }
0x73: {  	_ =	shalt  }
0x74: {  	_ =	shalt  }
0x75: {  	_ =	shalt  }
0x76: {  	_ =	shalt  }
0x77: {  	_ =	shalt  }
0x78: {  	_ =	shalt  }
0x79: {  	_ =	shalt  }
0x7a: {  	_ =	shalt  }
0x7b: {  	_ =	shalt  }
0x7c: {  	_ =	shalt  }
0x7d: {  	_ =	shalt  }
0x7e: {  	_ =	shalt  }
0x7f: {  	_ =	shalt  }
0x80: {  	_ =	shalt  }
0x81: {  	_ =	shalt  }
0x82: {  	_ =	shalt  }
0x83: {  	_ =	shalt  }
0x84: {  	_ =	shalt  }
0x85: {  	_ =	shalt  }
0x86: {  	_ =	shalt  }
0x87: {  	_ =	shalt  }
.Lfunc_end0:
.L_simem_size_0:
called_computation.5_lowered:
.L_overlay_start_0:
0x88: {  	s2 =	sld [smem:$0x3FD9]  }
0x89: {  	s3 =	sld [smem:$0x3FFE];
	_ =	sdelay $0x1  }
0x8a: {  	s1 =	srdreg.scid  }
0x8b: {  	s0 =	sand.u32 $0x1, s1  }
0x8c: {  	s17 =	sshll.u32 s0, $0xA;
	s2 =	sadd.s32 s3, s2  }
0x8d: {  	s2 =	sadd.s32 s2, s17  }
0x8e: {  	[smem:$0x3FBA] =	sst s2  }
0x8f: {  	_ = 	snop  }
0x90: {  	s2 =	sld [smem:$0x3FD0];
	(tm) =	ssettm $0x1  }
0x91: {  	s18 =	sld [smem:$0x3FFB];
	_ =	sdelay $0x3  }
0x92: {  	_ =	strace s18  }
0x93: {  	s3 =	sld [smem:$0x3FFC];
	_ =	sdelay $0x3  }
0x94: {  	_ =	strace s3  }
0x95: {  	s3 =	sld [smem:$0x3FFD];
	_ =	sdelay $0x3  }
0x96: {  	_ =	strace s3  }
0x97: {  	_ =	strace $0x8FFFFFFF  }
0x98: {  	s19 =	sld [smem:$0x3FDB];
	_ =	sdelay $0x1  }
0x99: {  	s4 =	simm.s32 $_scs_section_size  }
0x9a: {  	s5 =	simm.s32 $_size__tile_overlayer_lowered;
	s6 =	simm.s32 $_tile_overlayer_lowered  }
0x9b: {  	s22 =	simm.s32 $0x1BFF;
	s21 =	sshll.u32 s6, $0x1;
	s3 =	sadd.s32 s4, s19  }
0x9c: {  	s7 =	simm.s32 $0x0;
	s20 =	sshll.u32 s5, $0x1;
	s5 =	sadd.s32 s21, s3  }
0x9d: {  	[timem:s7], [sflag:s22] =	dma.local [hbm:s5], s20  }
0x9e: {  	_ =	swait.ge [sflag:s22], s20  }
0x9f: {  	s4 =	ssub.s32 $0x0, s20;
	[sflag:s22] =	ssyncset.done $0x0  }
0xa0: {  	[sflag:s22] =	ssyncadd.s32 s4;
	_ =	sdelay $0x1  }
0xa1: {  	s23 =	simm.s32 $0x1B8B  }
0xa2: {  	_ =	swait.ge [sflag:s23], $0x1  }
0xa3: {  	[sflag:s23] =	ssyncset.done $0x0  }
0xa4: {  	s25 =	simm.s32 $0x1B8E;
	s24 =	sld [smem:$0x3FFE];
	[sflag:s23] =	ssyncadd.s32 $0xFFFFFFFF  }
0xa5: {  	s26 =	simm.s32 $execute0_lowered;
	[smem:$0x3FD2] =	sst s25  }
0xa6: {  	s5 =	sshll.u32 s26, $0x1;
	_ =	strace $0x80000055;
	[dreg:$0x1] =	wrdreg $0xFFFFFFFF  }
0xa7: {  	s28 =	simm.s32 $_size_execute0_lowered;
	s3 =	sadd.s32 s3, s5;
	[dreg:$0x0] =	wrdreg $0x0  }
0xa8: {  	s5 =	sshll.u32 s28, $0x1;
	[dreg:$0x2] =	wrdreg s3  }
0xa9: {  	[dreg:$0x3] =	wrdreg s5  }
0xaa: {  	[dreg:$0x4] =	wrdreg $0xC0  }
0xab: {  	_ =	task [dreg:s7], $0x5FFFF  }
0xac: {  	[dreg:$0x1] =	wrdreg $0xFFFFFFFF  }
0xad: {  	[dreg:$0x0] =	wrdreg $0x60  }
0xae: {  	[dreg:$0x2] =	wrdreg s2  }
0xaf: {  	[dreg:$0x3] =	wrdreg s24  }
0xb0: {  	[dreg:$0x4] =	wrdreg $0x82000  }
0xb1: {  	[dreg:$0x5] =	wrdreg $0x9  }
0xb2: {  	_ =	task.clear_ibuf [dreg:s7], $0x6FFFF;
	_ =	strace $0x90000055  }
0xb3: {  	s29 =	simm.s32 $0x9;
	_ =	strace $0x80000057  }
0xb4: {  	_ =	swait.ge [sflag:s29], $0x1  }
0xb5: {  	[sflag:s29] =	ssyncadd.s32 $0xFFFFFFFF  }
0xb6: {  	_ =	strace $0x90000057  }
0xb7: {  	_ =	sfence  }
0xb8: {  	s30 =	sld [smem:$0x0];
	_ =	sdelay $0x2  }
0xb9: {  	s31 =	sshll.u32 s1, $0xD;
	s1 =	sshrl.u32 s1, $0x2  }
0xba: {  	s3 =	sand.u32 $0x4000, s31;
	s1 =	sadd.s32 s1, s30  }
0xbb: {  	s0 =	sor.u32 s3, s0;
	s1 =	sshll.u32 s1, $0x11  }
0xbc: {  	s0 =	sor.u32 s1, s0  }
0xbd: {  	s0 =	sadd.s32 $0x8F2B, s0  }
0xbe: {  	[sflag:s0] =	ssyncadd.remote.s32 $0x1  }
0xbf: {  	_ =	sfence.sel $0xFFFF  }
0xc0: {  	[dreg:$0x0] =	wrdreg $0xFFFFFFFF;
	(pc) =	sbr.abs _section_cstart, $3  }
0xc1: {  	[dreg:$0x1] =	wrdreg $0xFFFFFFFF  }
0xc2: {  	_ =	task.clear_ibuf [dreg:s7], $0x2FFFF;
	_ =	strace $0x9FFFFFFF  }
0xc3: {  	(tm) =	ssettm $0x7FFFFFFF  }
tec
execute0_lowered:
.L_overlay_start_1:
0x0: {  	(tag) =	ssettag $0x1  }
0x1: {  	s1 =	rddreg [dreg:$0x0]  }
0x2: {  	s6 =	rddreg [dreg:$0x1]  }
0x3: {  	s2 =	rddreg [dreg:$0x2]  }
0x4: {  	s0 =	rddreg [dreg:$0x3];
	s3 =	simm.s32 $0x0  }
0x5: {  	s4 =	srdreg.scid;
	s15 =	simm.s32 $0x100;
	s16 =	simm.s32 $0x4200  }
0x6: {  	s17 =	simm.s32 $0x1;
	s18 =	simm.s32 $0x2;
	s19 =	simm.s32 $0x180  }
0x7: {  	[smem:$0x7FF] =	sst s3;
	s10 =	sadd.s32 $0x10000, s6;
	s8 =	sand.u32 $0x1, s4  }
0x8: {  	s4 =	stileid.u32;
	s5 =	sadd.s32 $0x24000, s6;
	s7 =	smul.u32 $0x27800, s8  }
0x9: {  	_ =	strace $0x80000056;
	s9 =	sshll.u32 s4, $0x1;
	s12 =	smul.u32 $0x13C00, s4  }
0xa: {  	s11 =	ssub.s32 $0x2, s8;
	s30 =	sshll.u32 s4, $0x6;
	s14 =	smul.u32 $0x1400, s4  }
0xb: {  	s31 =	smul.u32 $0xA00, s8;
	s9 =	sor.u32 s8, s9;
	s25 =	sshrl.u32 s11, $0x1  }
0xc: {  	s13 =	sadd.s32 s7, s6;
	s26 =	smul.u32 $0xA00, s9;
	s28 =	ssub.s32 s11, s25  }
0xd: {  	s29 =	sadd.s32 s12, s2;
	s6 =	sor.u32 $0x1C03, s30;
	s21 =	sshrl.u32 s12, $0x3  }
0xe: {  	s12 =	simm.s32 $0x3;
	s20 =	sadd.s32 $0x26800, s13;
	s8 =	smax.u32 s28, $0x1  }
0xf: {  	s11 =	sshrl.u32 s29, $0x3;
	s13 =	simm.s32 $0x80;
	s7 =	sadd.s32 s10, s26  }
0x10: {  	s10 =	sadd.s32 s14, s10;
	s14 =	simm.s32 $0x200;
	s20 =	sadd.s32 s21, s20  }
0x11: {  	s21 =	simm.s32 $0x0;
	s9 =	sadd.s32 $0x9E0, s7;
	s10 =	sadd.s32 s31, s10  }
.LBB2_1:
0x12: {  	[spmem:s11], [sflag:s6] =	dma.local [hbm:s5], $0x2780  }
0x13: {  	_ =	swait.ge [sflag:s12], $0x2780  }
0x14: {  	[sflag:s12] =	ssyncset.done $0x0  }
0x15: {  	[sflag:s12] =	ssyncadd.s32 $0xFFFFD880  }
0x16: {  	[bflag:$0x0] =	sbarrier.arrive $0xFFFF  }
0x17: {  	[tilespmem:s3], [sflag:$0x3] =	stream.linear.gather [hbm4b:s7+s3], $0x100, $0x38;
	[tilespmem:$0x1BE00] =	vst v63  }
0x18: {  	_ =	swait.ge [sflag:s12], $0x100  }
0x19: {  	[sflag:s12] =	ssyncset.done $0x0  }
0x1a: {  	s22 =	sadd.s32 $0xFFFFF640, s10;
	[sflag:s12] =	ssyncadd.s32 $0xFFFFFF00  }
0x1b: {  	[tilespmem:s14], [sflag:$0x1] =	stream.indirect.gather [hbm4b:s1+s13], $0x80, s3, s13, $0xb8;
	[tilespmem:$0x1BE00] =	vst v63  }
0x1c: {  	s23 =	sadd.s32 $0x9E0, s22  }
0x1d: {  	[tilespmem:s15], [sflag:$0x3] =	stream.linear.gather [hbm4b:s23+s3], $0x100, $0x38;
	[tilespmem:$0x1BE00] =	vst v63  }
0x1e: {  	_ =	swait.ge [sflag:s12], $0x100  }
0x1f: {  	[sflag:s12] =	ssyncset.done $0x0  }
0x20: {  	[sflag:s12] =	ssyncadd.s32 $0xFFFFFF00  }
0x21: {  	[tilespmem:s16], [sflag:$0x2] =	stream.indirect.gather [hbm4b:s1+s13], $0x80, s15, s13, $0xb8;
	[tilespmem:$0x1BE00] =	vst v63  }
0x22: {  	_ =	swait.ge [sflag:s17], $0x4000  }
0x23: {  	[sflag:s17] =	ssyncset.done $0x0  }
0x24: {  	[sflag:s17] =	ssyncadd.s32 $0xFFFFC000  }
0x25: {  	[spmem:s2] =	stream.indirect.scatter.add.f32 [tilespmem:s14], [sflag:$0x3], $0x80, s13, s13, $0xb8;
	[tilespmem:$0x1BE00] =	vst v63  }
0x26: {  	_ =	swait.ge [sflag:s12], $0x4000  }
0x27: {  	[sflag:s12] =	ssyncset.done $0x0  }
0x28: {  	s22 =	sadd.s32 $0xA00, s22;
	[sflag:s12] =	ssyncadd.s32 $0xFFFFC000  }
0x29: {  	[tilespmem:s3], [sflag:$0x3] =	stream.linear.gather [hbm4b:s22+s3], $0x100, $0x38;
	[tilespmem:$0x1BE00] =	vst v63  }
0x2a: {  	_ =	swait.ge [sflag:s12], $0x100  }
0x2b: {  	[sflag:s12] =	ssyncset.done $0x0  }
0x2c: {  	[sflag:s12] =	ssyncadd.s32 $0xFFFFFF00  }
0x2d: {  	[tilespmem:s14], [sflag:$0x1] =	stream.indirect.gather [hbm4b:s1+s13], $0x80, s3, s13, $0xb8;
	[tilespmem:$0x1BE00] =	vst v63  }
0x2e: {  	_ =	swait.ge [sflag:s18], $0x4000  }
0x2f: {  	[sflag:s18] =	ssyncset.done $0x0  }
0x30: {  	[sflag:s18] =	ssyncadd.s32 $0xFFFFC000  }
0x31: {  	[spmem:s2] =	stream.indirect.scatter.add.f32 [tilespmem:s16], [sflag:$0x3], $0x80, s19, s13, $0xb8;
	[tilespmem:$0x1BE00] =	vst v63  }
0x32: {  	_ =	swait.ge [sflag:s12], $0x4000  }
0x33: {  	s23 =	simm.s32 $0xFFFFF6C0;
	s22 =	sadd.s32 $0xFFFFF680, s10;
	[sflag:s12] =	ssyncset.done $0x0  }
.LBB2_2:
0x34: {  	s24 =	sadd.s32 $0x9E0, s22  }
0x35: {  	[sflag:s12] =	ssyncadd.s32 $0xFFFFC000;
	s25 =	smov.u32 s23;
	s26 =	sadd.s32 $0x40, s23  }
0x36: {  	[tilespmem:s15], [sflag:$0x3] =	stream.linear.gather [hbm4b:s24+s3], $0x100, $0x38;
	[tilespmem:$0x1BE00] =	vst v63  }
0x37: {  	p0 =	sne.s32 s23, $0xFFFFFFC0;
	_ =	swait.ge [sflag:s12], $0x100  }
0x38: {  	[sflag:s12] =	ssyncset.done $0x0  }
0x39: {  	[sflag:s12] =	ssyncadd.s32 $0xFFFFFF00  }
0x3a: {  	[tilespmem:s16], [sflag:$0x2] =	stream.indirect.gather [hbm4b:s1+s13], $0x80, s15, s13, $0xb8;
	[tilespmem:$0x1BE00] =	vst v63  }
0x3b: {  	_ =	swait.ge [sflag:s17], $0x4000  }
0x3c: {  	[sflag:s17] =	ssyncset.done $0x0  }
0x3d: {  	[sflag:s17] =	ssyncadd.s32 $0xFFFFC000  }
0x3e: {  	[spmem:s2] =	stream.indirect.scatter.add.f32 [tilespmem:s14], [sflag:$0x3], $0x80, s13, s13, $0xb8;
	[tilespmem:$0x1BE00] =	vst v63  }
0x3f: {  	_ =	swait.ge [sflag:s12], $0x4000  }
0x40: {  	[sflag:s12] =	ssyncset.done $0x0  }
0x41: {  	s22 =	sadd.s32 $0xA00, s22;
	[sflag:s12] =	ssyncadd.s32 $0xFFFFC000  }
0x42: {  	[tilespmem:s3], [sflag:$0x3] =	stream.linear.gather [hbm4b:s22+s3], $0x100, $0x38;
	[tilespmem:$0x1BE00] =	vst v63  }
0x43: {  	_ =	swait.ge [sflag:s12], $0x100  }
0x44: {  	[sflag:s12] =	ssyncset.done $0x0  }
0x45: {  	[sflag:s12] =	ssyncadd.s32 $0xFFFFFF00  }
0x46: {  	[tilespmem:s14], [sflag:$0x1] =	stream.indirect.gather [hbm4b:s1+s13], $0x80, s3, s13, $0xb8;
	[tilespmem:$0x1BE00] =	vst v63  }
0x47: {  	_ =	swait.ge [sflag:s18], $0x4000  }
.Ltmp0:
0x48: {  	[sflag:s18] =	ssyncset.done $0x0;
	(pc) =	sbr.rel @p0 .LBB2_2-.Ltmp0, $4  }
0x49: {  	[sflag:s18] =	ssyncadd.s32 $0xFFFFC000  }
0x4a: {  	[spmem:s2] =	stream.indirect.scatter.add.f32 [tilespmem:s16], [sflag:$0x3], $0x80, s19, s13, $0xb8;
	[tilespmem:$0x1BE00] =	vst v63  }
0x4b: {  	_ =	swait.ge [sflag:s12], $0x4000  }
0x4c: {  	s23 =	smov.u32 s26;
	s22 =	sadd.s32 s25, s10;
	[sflag:s12] =	ssyncset.done $0x0  }
0x4d: {  	s23 =	sadd.s32 $0x9E0, s22;
	[sflag:s12] =	ssyncadd.s32 $0xFFFFC000  }
0x4e: {  	[tilespmem:s15], [sflag:$0x3] =	stream.linear.gather [hbm4b:s23+s3], $0x100, $0x38;
	[tilespmem:$0x1BE00] =	vst v63  }
0x4f: {  	_ =	swait.ge [sflag:s12], $0x100  }
0x50: {  	[sflag:s12] =	ssyncset.done $0x0  }
0x51: {  	[sflag:s12] =	ssyncadd.s32 $0xFFFFFF00  }
0x52: {  	[tilespmem:s16], [sflag:$0x2] =	stream.indirect.gather [hbm4b:s1+s13], $0x80, s15, s13, $0xb8;
	[tilespmem:$0x1BE00] =	vst v63  }
0x53: {  	_ =	swait.ge [sflag:s17], $0x4000  }
0x54: {  	[sflag:s17] =	ssyncset.done $0x0  }
0x55: {  	[sflag:s17] =	ssyncadd.s32 $0xFFFFC000  }
0x56: {  	[spmem:s2] =	stream.indirect.scatter.add.f32 [tilespmem:s14], [sflag:$0x3], $0x80, s13, s13, $0xb8;
	[tilespmem:$0x1BE00] =	vst v63  }
0x57: {  	_ =	swait.ge [sflag:s12], $0x4000  }
0x58: {  	[sflag:s12] =	ssyncset.done $0x0  }
0x59: {  	s31 =	sadd.s32 $0xA00, s22;
	[sflag:s12] =	ssyncadd.s32 $0xFFFFC000  }
0x5a: {  	[tilespmem:s3], [sflag:$0x3] =	stream.linear.gather [hbm4b:s31+s3], $0x100, $0x38;
	[tilespmem:$0x1BE00] =	vst v63  }
0x5b: {  	_ =	swait.ge [sflag:s12], $0x100  }
0x5c: {  	[sflag:s12] =	ssyncset.done $0x0  }
0x5d: {  	[sflag:s12] =	ssyncadd.s32 $0xFFFFFF00  }
0x5e: {  	[tilespmem:s14], [sflag:$0x1] =	stream.indirect.gather [hbm4b:s1+s13], $0x80, s3, s13, $0xb8;
	[tilespmem:$0x1BE00] =	vst v63  }
0x5f: {  	_ =	swait.ge [sflag:s18], $0x4000  }
0x60: {  	[sflag:s18] =	ssyncset.done $0x0  }
0x61: {  	[sflag:s18] =	ssyncadd.s32 $0xFFFFC000  }
0x62: {  	[spmem:s2] =	stream.indirect.scatter.add.f32 [tilespmem:s16], [sflag:$0x3], $0x80, s19, s13, $0xb8;
	[tilespmem:$0x1BE00] =	vst v63  }
0x63: {  	_ =	swait.ge [sflag:s12], $0x4000  }
0x64: {  	[sflag:s12] =	ssyncset.done $0x0  }
0x65: {  	[sflag:s12] =	ssyncadd.s32 $0xFFFFC000  }
0x66: {  	[tilespmem:s15], [sflag:$0x3] =	stream.linear.gather [hbm4b:s9+s3], $0x100, $0x38;
	[tilespmem:$0x1BE00] =	vst v63  }
0x67: {  	_ =	swait.ge [sflag:s12], $0x100  }
0x68: {  	[sflag:s12] =	ssyncset.done $0x0  }
0x69: {  	[sflag:s12] =	ssyncadd.s32 $0xFFFFFF00  }
0x6a: {  	[tilespmem:s16], [sflag:$0x2] =	stream.indirect.gather [hbm4b:s1+s13], $0x80, s15, s13, $0xb8;
	[tilespmem:$0x1BE00] =	vst v63  }
0x6b: {  	_ =	swait.ge [sflag:s17], $0x4000  }
0x6c: {  	[sflag:s17] =	ssyncset.done $0x0  }
0x6d: {  	[sflag:s17] =	ssyncadd.s32 $0xFFFFC000  }
0x6e: {  	[spmem:s2] =	stream.indirect.scatter.add.f32 [tilespmem:s14], [sflag:$0x3], $0x80, s13, s13, $0xb8;
	[tilespmem:$0x1BE00] =	vst v63  }
0x6f: {  	_ =	swait.ge [sflag:s12], $0x4000  }
0x70: {  	[sflag:s12] =	ssyncset.done $0x0  }
0x71: {  	[sflag:s12] =	ssyncadd.s32 $0xFFFFC000  }
0x72: {  	_ =	swait.ge [sflag:s18], $0x4000  }
0x73: {  	[sflag:s18] =	ssyncset.done $0x0  }
0x74: {  	[sflag:s18] =	ssyncadd.s32 $0xFFFFC000  }
0x75: {  	[spmem:s2] =	stream.indirect.scatter.add.f32 [tilespmem:s16], [sflag:$0x3], $0x80, s19, s13, $0xb8;
	[tilespmem:$0x1BE00] =	vst v63  }
0x76: {  	_ =	swait.ge [sflag:s12], $0x4000  }
0x77: {  	s21 =	sadd.s32 $0x1, s21;
	[sflag:s12] =	ssyncset.done $0x0  }
0x78: {  	p0 =	sne.s32 s21, s8;
	[sflag:s12] =	ssyncadd.s32 $0xFFFFC000  }
.Ltmp1:
0x79: {  	[bflag:$0x0] =	sbarrier.arrive $0xFFFF;
	(pc) =	sbr.rel @p0 .LBB2_1-.Ltmp1, $4  }
0x7a: {  	[hbm:s20], [sflag:s6] =	dma.local [spmem:s11], $0x2780  }
0x7b: {  	_ =	swait.ge [sflag:s12], $0x2780  }
0x7c: {  	[sflag:s12] =	ssyncset.done $0x0  }
0x7d: {  	[sflag:s12] =	ssyncadd.s32 $0xFFFFD880  }
0x7e: {  	_ =	sfence.sel $0x180000  }
0x7f: {  	[bflag:$0x0] =	sbarrier.arrive $0xFFFF  }
0x80: {  	p0 =	sne.s32 s4, $0x0;
	_ =	strace $0x90000056  }
0x81: {  	s0 =	sadd.s32 @!p0 $0x100000, s0;
	[bflag:$0x2] =	sbarrier.arrive $0xFFFF  }
0x82: {  	[sflag:s0] =	ssyncadd.tile.s32 @!p0 $0x1;
	_ =	shalt  }
.Lfunc_end2:
_tile_overlayer_lowered:
.L_overlay_start_2:
0x83: {  	(tag) =	ssettag $0x2  }
0x84: {  	s0 =	rddreg [dreg:$0x0];
	s2 =	stileid.u32  }
0x85: {  	s1 =	rddreg [dreg:$0x1];
	p0 =	sne.s32 s2, $0x0  }
0x86: {  	s3 =	rddreg [dreg:$0x2];
	[bflag:$0x3] =	sbarrier.arrive $0xFFFF;
	s2 =	simm.s32 @!p0 $0x1C03  }
0x87: {  	[timem:s3], [sflag:s2] =	dma.local @!p0 [hbm:s0], s1  }
0x88: {  	s0 =	simm.s32 @!p0 $0x3  }
0x89: {  	_ =	swait.ge @!p0 [sflag:s0], s1  }
0x8a: {  	s1 =	ssub.s32 @!p0 $0x0, s1;
	[sflag:s0] =	ssyncset.done @!p0 $0x0  }
0x8b: {  	[sflag:s0] =	ssyncadd.s32 @!p0 s1  }
0x8c: {  	[bflag:$0x3] =	sbarrier.arrive $0xFFFF  }
0x8d: {  	_ =	shalt  }

</sc_bundles>
